<compile_context>
chip_gen: v7x
topology: tpu7x:2x2x1
jax: 0.10.2.dev20260603
libtpu: 0.0.44.dev20260713+nightly
codegen_flags: <defaults>
</compile_context>

<pallas_src>
import functools

import jax
import jax.numpy as jnp
from jax import lax
from jax.experimental import pallas as pl
from jax.experimental.pallas import tpu as pltpu
from jax.experimental.pallas import tpu_sc as plsc

N = 10000
E = 320000
D = 128
H = 256

ROW_BLK = 1000

NC = 2
NS = 16
NW = NC * NS
RNG = 320
NPAD = NW * RNG
TRASH = RNG
ACC_ROWS = RNG + 1
LIST_CAP = 16384
K = 64
LIST_ALLOC = LIST_CAP + 2 * K + 16
SCAN = 3200
PACK_SHIFT = 9
LDMASK = (1 << PACK_SHIFT) - 1


def _pre_body(x_ref, wskip_ref, wfs_ref, wlin_ref, wf_ref, bf_ref,
              skip_ref, xl_ref, f2_ref):
    xb = x_ref[...]
    fs = jnp.dot(xb, wfs_ref[...], preferred_element_type=jnp.float32)
    beta_s = fs[:, :D]
    gamma_s = fs[:, D:]
    sk = jnp.dot(xb, wskip_ref[...], preferred_element_type=jnp.float32)
    skip_ref[...] = jnp.maximum(gamma_s * sk + beta_s, 0.0)
    xl_ref[...] = jnp.dot(xb, wlin_ref[...], preferred_element_type=jnp.float32)
    f2_ref[...] = jnp.dot(xb, wf_ref[...], preferred_element_type=jnp.float32) + bf_ref[...]


def _pre(x, W_skip, W_fs, W_lin, W_f, b_f):
    grid = (N // ROW_BLK,)
    row_spec = pl.BlockSpec((ROW_BLK, D), lambda i: (i, 0))
    full = lambda shape: pl.BlockSpec(shape, lambda i: (0, 0))
    return pl.pallas_call(
        _pre_body,
        grid=grid,
        in_specs=[
            row_spec,
            full((D, D)), full((D, 2 * D)), full((D, D)), full((D, 2 * D)),
            full((1, 2 * D)),
        ],
        out_specs=[
            row_spec,
            row_spec,
            pl.BlockSpec((ROW_BLK, 2 * D), lambda i: (i, 0)),
        ],
        out_shape=[
            jax.ShapeDtypeStruct((N, D), jnp.float32),
            jax.ShapeDtypeStruct((N, D), jnp.float32),
            jax.ShapeDtypeStruct((N, 2 * D), jnp.float32),
        ],
    )(x, W_skip, W_fs, W_lin, W_f, b_f.reshape(1, 2 * D))


def _edge_body(xl_hbm, f2_hbm, esrc_hbm, edst_hbm, agg_out, deg_out,
               srcbuf, dstbuf, srcbuf_b, dstbuf_b, list_ref,
               src_idx, dst_idx, xl_buf, f2_buf,
               src_idx_b, dst_idx_b, xl_buf_b, f2_buf_b,
               acc, deg_flat, sem1, sem2, sem3, sem4):
    wid = lax.axis_index("s") * NC + lax.axis_index("c")
    lo = wid * RNG
    hi = jnp.minimum(lo + RNG, N)

    zeros16 = jnp.zeros((16,), jnp.float32)
    def _zacc(i, _):
        acc[pl.ds(i * 16, 16)] = zeros16
        return 0
    lax.fori_loop(0, (ACC_ROWS * D) // 16, _zacc, 0)

    def _zdeg(i, _):
        deg_flat[pl.ds(i * 16, 16)] = zeros16
        return 0
    lax.fori_loop(0, ACC_ROWS, _zdeg, 0)

    trash_fill = jnp.full((16,), TRASH, jnp.int32)
    def _fill(i, _):
        list_ref[pl.ds(i * 16, 16)] = trash_fill
        return 0
    lax.fori_loop(0, LIST_ALLOC // 16, _fill, 0)

    lanes = lax.iota(jnp.int32, 16)

    def _scan_start(c, sb, db, semA, semB):
        off = jnp.minimum(c * SCAN, E - SCAN)
        pltpu.async_copy(esrc_hbm.at[pl.ds(off, SCAN)], sb, semA)
        pltpu.async_copy(edst_hbm.at[pl.ds(off, SCAN)], db, semB)

    def _scan_wait(c, sb, db, semA, semB):
        off = jnp.minimum(c * SCAN, E - SCAN)
        pltpu.make_async_copy(esrc_hbm.at[pl.ds(off, SCAN)], sb, semA).wait()
        pltpu.make_async_copy(edst_hbm.at[pl.ds(off, SCAN)], db, semB).wait()

    def _scan_body(sb, db, cnt0):
        @plsc.parallel_loop(0, SCAN // 16, unroll=2, carry=cnt0)
        def _scan_vreg(v, cnt):
            d = db[pl.ds(v * 16, 16)]
            s = sb[pl.ds(v * 16, 16)]
            m = (d >= lo) & (d < hi)
            ld = jnp.where(m, d - lo, TRASH)
            rank = plsc.cumsum(m.astype(jnp.int32))
            idx = cnt + rank - 1
            packed = (s << PACK_SHIFT) | ld
            plsc.store_scatter(list_ref, [idx], packed, mask=m)
            return cnt + plsc.all_reduce_population_count(m)
        return _scan_vreg

    _scan_start(0, srcbuf, dstbuf, sem1, sem2)

    def _scan_pair(i, cnt):
        c0 = 2 * i
        _scan_start(c0 + 1, srcbuf_b, dstbuf_b, sem3, sem4)
        _scan_wait(c0, srcbuf, dstbuf, sem1, sem2)
        cnt = _scan_body(srcbuf, dstbuf, cnt)
        _scan_start(c0 + 2, srcbuf, dstbuf, sem1, sem2)
        _scan_wait(c0 + 1, srcbuf_b, dstbuf_b, sem3, sem4)
        cnt = _scan_body(srcbuf_b, dstbuf_b, cnt)
        return cnt

    cnt = lax.fori_loop(0, E // SCAN // 2, _scan_pair,
                        jnp.zeros((16,), jnp.int32))
    _scan_wait(E // SCAN, srcbuf, dstbuf, sem1, sem2)
    n_edges = cnt[0]
    n_chunks = (n_edges + (K - 1)) // K
    n_pairs = (n_chunks + 1) // 2

    jc = [lax.iota(jnp.int32, 16) + j * 16 for j in range(D // 16)]

    def _unpack_start(c, sidx, didx, xlb, f2b, semx, semf):
        base = c * K
        for v in range(K // 16):
            p = list_ref[pl.ds(base + v * 16, 16)]
            ld = p & LDMASK
            sidx[pl.ds(v * 16, 16)] = p >> PACK_SHIFT
            didx[pl.ds(v * 16, 16)] = jnp.minimum(ld + lo, N - 1)
        pltpu.async_copy(xl_hbm.at[sidx], xlb, semx)
        pltpu.async_copy(f2_hbm.at[didx], f2b, semf)

    def _wait(sidx, didx, xlb, f2b, semx, semf):
        pltpu.make_async_copy(xl_hbm.at[sidx], xlb, semx).wait()
        pltpu.make_async_copy(f2_hbm.at[didx], f2b, semf).wait()

    def _process(c, xlb, f2b):
        base = c * K

        def _edge(e, _):
            eb = e & ~15
            lane = e & 15
            p = list_ref[pl.ds(base + eb, 16)]
            ldv = p & LDMASK
            splat_ld = ldv.at[jnp.full((16,), lane, jnp.int32)].get(
                mode="promise_in_bounds")
            abase = splat_ld * D
            dbase = splat_ld * 16 + lanes
            dv = plsc.load_gather(deg_flat, [dbase])
            plsc.store_scatter(deg_flat, [dbase], dv + 0.0625)
            for j in range(D // 16):
                xv = xlb[e, pl.ds(j * 16, 16)]
                bv = f2b[e, pl.ds(j * 16, 16)]
                gv = f2b[e, pl.ds(D + j * 16, 16)]
                av = plsc.load_gather(acc, [abase + jc[j]])
                plsc.store_scatter(acc, [abase + jc[j]],
                                   av + jnp.maximum(gv * xv + bv, 0.0))
            return 0

        lax.fori_loop(0, K, _edge, 0)

    _unpack_start(0, src_idx, dst_idx, xl_buf, f2_buf, sem1, sem2)

    def _pair(i, _):
        c0 = 2 * i
        _unpack_start(c0 + 1, src_idx_b, dst_idx_b, xl_buf_b, f2_buf_b,
                      sem3, sem4)
        _wait(src_idx, dst_idx, xl_buf, f2_buf, sem1, sem2)
        _process(c0, xl_buf, f2_buf)
        _unpack_start(c0 + 2, src_idx, dst_idx, xl_buf, f2_buf, sem1, sem2)
        _wait(src_idx_b, dst_idx_b, xl_buf_b, f2_buf_b, sem3, sem4)
        _process(c0 + 1, xl_buf_b, f2_buf_b)
        return 0

    lax.fori_loop(0, n_pairs, _pair, 0)
    _wait(src_idx, dst_idx, xl_buf, f2_buf, sem1, sem2)

    pltpu.sync_copy(acc.at[pl.ds(0, RNG * D)],
                    agg_out.at[pl.ds(lo * D, RNG * D)])
    pltpu.sync_copy(deg_flat.at[pl.ds(0, RNG * 16)],
                    deg_out.at[pl.ds(lo * 16, RNG * 16)])


def _edge(xl, f2, esrc, edst):
    mesh = plsc.VectorSubcoreMesh(core_axis_name="c", subcore_axis_name="s",
                                  num_cores=NC, num_subcores=NS)
    return pl.kernel(
        _edge_body,
        out_type=[
            jax.ShapeDtypeStruct((NPAD * D,), jnp.float32),
            jax.ShapeDtypeStruct((NPAD * 16,), jnp.float32),
        ],
        mesh=mesh,
        compiler_params=pltpu.CompilerParams(needs_layout_passes=False),
        scratch_types=[
            pltpu.VMEM((SCAN,), jnp.int32),
            pltpu.VMEM((SCAN,), jnp.int32),
            pltpu.VMEM((SCAN,), jnp.int32),
            pltpu.VMEM((SCAN,), jnp.int32),
            pltpu.VMEM((LIST_ALLOC,), jnp.int32),
            pltpu.VMEM((K,), jnp.int32),
            pltpu.VMEM((K,), jnp.int32),
            pltpu.VMEM((K, D), jnp.float32),
            pltpu.VMEM((K, 2 * D), jnp.float32),
            pltpu.VMEM((K,), jnp.int32),
            pltpu.VMEM((K,), jnp.int32),
            pltpu.VMEM((K, D), jnp.float32),
            pltpu.VMEM((K, 2 * D), jnp.float32),
            pltpu.VMEM((ACC_ROWS * D,), jnp.float32),
            pltpu.VMEM((ACC_ROWS * 16,), jnp.float32),
            pltpu.SemaphoreType.DMA,
            pltpu.SemaphoreType.DMA,
            pltpu.SemaphoreType.DMA,
            pltpu.SemaphoreType.DMA,
        ],
    )(xl, f2, esrc, edst)


def _mlp_body(skip_ref, agg_ref, deg_ref, w1_ref, b1_ref, w2_ref, b2_ref,
              w3_ref, b3_ref, wr_ref, br_ref, h_ref, sums_ref):
    deg = jnp.sum(deg_ref[...], axis=1, keepdims=True)
    deg = jnp.maximum(deg, 1.0)
    h = skip_ref[...] + agg_ref[...] / deg
    h = jnp.dot(h, w1_ref[...], preferred_element_type=jnp.float32) + b1_ref[...]
    h = jnp.where(h > 0, h, 0.01 * h)
    h = jnp.dot(h, w2_ref[...], preferred_element_type=jnp.float32) + b2_ref[...]
    h = jnp.where(h > 0, h, 0.01 * h)
    h = jnp.dot(h, w3_ref[...], preferred_element_type=jnp.float32) + b3_ref[...]
    h = jnp.where(h > 0, h, 0.01 * h)
    h = jnp.dot(h, wr_ref[...], preferred_element_type=jnp.float32) + br_ref[...]
    h_ref[...] = h

    @pl.when(pl.program_id(0) == 0)
    def _():
        sums_ref[...] = jnp.zeros_like(sums_ref)

    s1 = jnp.sum(h, axis=0, keepdims=True)
    s2 = jnp.sum(h * h, axis=0, keepdims=True)
    sums_ref[...] += jnp.concatenate(
        [s1, s2, jnp.zeros((6, D), jnp.float32)], axis=0)


def _mlp(skip, agg, deg2d, W1, b1, W2, b2, W3, b3, Wr, br):
    grid = (N // ROW_BLK,)
    row_spec = pl.BlockSpec((ROW_BLK, D), lambda i: (i, 0))
    full = lambda shape: pl.BlockSpec(shape, lambda i: (0, 0))
    return pl.pallas_call(
        _mlp_body,
        grid=grid,
        in_specs=[
            row_spec, row_spec,
            pl.BlockSpec((ROW_BLK, 16), lambda i: (i, 0)),
            full((D, H)), full((1, H)), full((H, H)), full((1, H)),
            full((H, H)), full((1, H)), full((H, D)), full((1, D)),
        ],
        out_specs=[row_spec, full((8, D))],
        out_shape=[
            jax.ShapeDtypeStruct((N, D), jnp.float32),
            jax.ShapeDtypeStruct((8, D), jnp.float32),
        ],
    )(skip, agg, deg2d, W1, b1.reshape(1, H), W2, b2.reshape(1, H),
      W3, b3.reshape(1, H), Wr, br.reshape(1, D))


def _norm_body(h_ref, sums_ref, gnw_ref, gnb_ref, gnms_ref, out_ref):
    s1 = sums_ref[0:1, :]
    s2 = sums_ref[1:2, :]
    inv_n = 1.0 / N
    mean = s1 * inv_n
    c = gnms_ref[...] * mean
    var = s2 * inv_n - 2.0 * c * mean + c * c
    scale = gnw_ref[...] * jax.lax.rsqrt(var + 1e-5)
    out_ref[...] = (h_ref[...] - c) * scale + gnb_ref[...]


def _norm(h, sums, gn_w, gn_b, gn_ms):
    grid = (N // ROW_BLK,)
    row_spec = pl.BlockSpec((ROW_BLK, D), lambda i: (i, 0))
    full = lambda shape: pl.BlockSpec(shape, lambda i: (0, 0))
    return pl.pallas_call(
        _norm_body,
        grid=grid,
        in_specs=[row_spec, full((8, D)), full((1, D)), full((1, D)),
                  full((1, D))],
        out_specs=row_spec,
        out_shape=jax.ShapeDtypeStruct((N, D), jnp.float32),
    )(h, sums, gn_w.reshape(1, D), gn_b.reshape(1, D), gn_ms.reshape(1, D))


def kernel(x, edge_index, W_skip, W_fs, W_lin, W_f, b_f, W1, b1, W2, b2,
           W3, b3, Wr, br, gn_w, gn_b, gn_ms):
    skip, xl, f2 = _pre(x, W_skip, W_fs, W_lin, W_f, b_f)
    agg_pad, deg_pad = _edge(xl, f2, edge_index[0], edge_index[1])
    agg2d = agg_pad.reshape(NPAD, D)
    deg2d = deg_pad.reshape(NPAD, 16)
    h, sums = _mlp(skip, agg2d[:N], deg2d[:N], W1, b1, W2, b2, W3, b3,
                   Wr, br)
    return _norm(h, sums, gn_w, gn_b, gn_ms)

# --- scband reference (transcript-rebuilt; emitter-appended) ---
"""Pipeline reference for scband-dense-block-27986006901135 (READ-ONLY COPY).

The authoritative reference and input builder live on the scoring server;
editing this copy changes nothing except your own understanding.
"""

import jax, jax.numpy as jnp
import numpy as np

N = 10000
E = 320000
D = 128
H = 256  # hidden = out_channels * 2


def _lin_init(k, fan_in, shape):
    b = 1.0 / np.sqrt(fan_in)
    return jax.random.uniform(k, shape, jnp.float32, -b, b)


def setup_inputs(seed: int = 0) -> dict:
    key = jax.random.key(seed)
    ks = jax.random.split(key, 20)
    inp = {}
    inp["x"] = jax.random.normal(ks[0], (N, D), jnp.float32)
    inp["edge_index"] = jax.random.randint(ks[1], (2, E), 0, N, jnp.int32)
    # DenseFiLMConv (FiLMConv, single relation since no edge_type is passed)
    inp["W_skip"] = _lin_init(ks[2], D, (D, D))            # lin_skip, bias=False
    inp["W_fs"] = _lin_init(ks[3], D, (D, 2 * D))          # film_skip, bias=False
    inp["W_lin"] = _lin_init(ks[4], D, (D, D))             # lin, bias=False
    inp["W_f"] = _lin_init(ks[5], D, (D, 2 * D))           # film
    inp["b_f"] = _lin_init(ks[6], D, (2 * D,))
    # MLP reduction: 3x Dense(leaky_relu) + Linear readout, hidden=2*out
    inp["W1"] = _lin_init(ks[7], D, (D, H)); inp["b1"] = _lin_init(ks[8], D, (H,))
    inp["W2"] = _lin_init(ks[9], H, (H, H)); inp["b2"] = _lin_init(ks[10], H, (H,))
    inp["W3"] = _lin_init(ks[11], H, (H, H)); inp["b3"] = _lin_init(ks[12], H, (H,))
    inp["Wr"] = _lin_init(ks[13], H, (H, D)); inp["br"] = _lin_init(ks[14], H, (D,))
    # GraphNorm params
    inp["gn_w"] = jnp.ones((D,), jnp.float32)
    inp["gn_b"] = jnp.zeros((D,), jnp.float32)
    inp["gn_ms"] = jnp.ones((D,), jnp.float32)
    return inp


def reference(x, edge_index, W_skip, W_fs, W_lin, W_f, b_f,
              W1, b1, W2, b2, W3, b3, Wr, br, gn_w, gn_b, gn_ms):
    n = x.shape[0]
    # --- FiLMConv (act=ReLU, aggr='mean') ---
    fs = x @ W_fs
    beta_s, gamma_s = jnp.split(fs, 2, axis=-1)
    out = jax.nn.relu(gamma_s * (x @ W_skip) + beta_s)
    f = x @ W_f + b_f
    beta, gamma = jnp.split(f, 2, axis=-1)
    src = edge_index[0]
    dst = edge_index[1]
    xl = x @ W_lin
    msg = jax.nn.relu(gamma[dst] * xl[src] + beta[dst])
    agg = jax.ops.segment_sum(msg, dst, num_segments=n)
    deg = jax.ops.segment_sum(jnp.ones((msg.shape[0],), x.dtype), dst, num_segments=n)
    h = out + agg / jnp.clip(deg, 1.0, None)[:, None]
    # --- MLP reduction (3 Dense leaky_relu layers + linear readout) ---
    h = jax.nn.leaky_relu(h @ W1 + b1, 0.01)
    h = jax.nn.leaky_relu(h @ W2 + b2, 0.01)
    h = jax.nn.leaky_relu(h @ W3 + b3, 0.01)
    h = h @ Wr + br
    # --- GraphNorm (single graph) ---
    mean = jnp.mean(h, axis=0, keepdims=True)
    cen = h - gn_ms * mean
    var = jnp.mean(cen * cen, axis=0, keepdims=True)
    return gn_w * cen / jnp.sqrt(var + 1e-5) + gn_b

if __name__ == "__main__":
    import jax
    _d = setup_inputs()
    print(jax.jit(kernel)(*tuple(_d.values())))

</pallas_src>

<mosaic_0001>
#map = affine_map<(d0, d1) -> (0, 0)>
#map1 = affine_map<(d0, d1) -> (0)>
module attributes {stable_mosaic.version = 14 : i64} {
  func.func @_edge_body(%arg0: i32, %arg1: i32, %arg2: memref<10000x128xf32, #tpu.memory_space<hbm>>, %arg3: memref<10000x256xf32, #tpu.memory_space<hbm>>, %arg4: memref<320000xi32, #tpu.memory_space<hbm>>, %arg5: memref<320000xi32, #tpu.memory_space<hbm>>, %arg6: memref<1310720xf32, #tpu.memory_space<hbm>>, %arg7: memref<163840xf32, #tpu.memory_space<hbm>>, %arg8: memref<3200xi32, #tpu.memory_space<vmem>>, %arg9: memref<3200xi32, #tpu.memory_space<vmem>>, %arg10: memref<3200xi32, #tpu.memory_space<vmem>>, %arg11: memref<3200xi32, #tpu.memory_space<vmem>>, %arg12: memref<16528xi32, #tpu.memory_space<vmem>>, %arg13: memref<64xi32, #tpu.memory_space<vmem>>, %arg14: memref<64xi32, #tpu.memory_space<vmem>>, %arg15: memref<64x128xf32, #tpu.memory_space<vmem>>, %arg16: memref<64x256xf32, #tpu.memory_space<vmem>>, %arg17: memref<64xi32, #tpu.memory_space<vmem>>, %arg18: memref<64xi32, #tpu.memory_space<vmem>>, %arg19: memref<64x128xf32, #tpu.memory_space<vmem>>, %arg20: memref<64x256xf32, #tpu.memory_space<vmem>>, %arg21: memref<41088xf32, #tpu.memory_space<vmem>>, %arg22: memref<5136xf32, #tpu.memory_space<vmem>>, %arg23: memref<!tpu.dma_semaphore, #tpu.memory_space<semaphore_mem>>, %arg24: memref<!tpu.dma_semaphore, #tpu.memory_space<semaphore_mem>>, %arg25: memref<!tpu.dma_semaphore, #tpu.memory_space<semaphore_mem>>, %arg26: memref<!tpu.dma_semaphore, #tpu.memory_space<semaphore_mem>>) attributes {dimension_semantics = [#tpu.dimension_semantics<core_parallel>, #tpu.dimension_semantics<subcore_parallel>], iteration_bounds = array<i64: 2, 16>, scalar_prefetch = 0 : i64, scratch_operands = 19 : i64, tpu.core_type = #tpu.core_type<sc_vector_subcore>, window_params = [{transform_indices = #map}, {transform_indices = #map}, {transform_indices = #map1}, {transform_indices = #map1}, {transform_indices = #map1}, {transform_indices = #map1}]} {
    %mul3A = arith.constant 2 : i32
    %mul3A_0 = arith.muli %arg1, %mul3A : i32
    %add3A = arith.addi %mul3A_0, %arg0 : i32
    %mul3A_1 = arith.constant 320 : i32
    %mul3A_2 = arith.muli %add3A, %mul3A_1 : i32
    %add3A_3 = arith.constant 320 : i32
    %add3A_4 = arith.addi %mul3A_2, %add3A_3 : i32
    %min3A = arith.constant 10000 : i32
    %min3A_5 = arith.minsi %add3A_4, %min3A : i32
    %broadcast_in_dim3A = arith.constant 0.000000e+00 : f32
    %broadcast_in_dim3A_6 = vector.broadcast %broadcast_in_dim3A : f32 to vector<16xf32>
    %scan3A = arith.constant 0 : i32
    %scan3A_7 = arith.constant 0 : i32
    %scan3A_8 = arith.constant 2568 : i32
    %scan3A_9 = arith.addi %scan3A_7, %scan3A_8 : i32
    %scan3A_10 = arith.constant 1 : i32
    %scan3A_11 = scf.for %scan3A_217 = %scan3A_7 to %scan3A_9 step %scan3A_10 iter_args(%scan3A_218 = %scan3A) -> (i32)  : i32 {
      %mul3A_219 = arith.constant 16 : i32
      %mul3A_220 = arith.muli %scan3A_217, %mul3A_219 : i32
      %swap3A_221 = arith.index_cast %mul3A_220 : i32 to index
      %swap3A_222 = tpu.vector_load %arg21[%swap3A_221] {strides = array<i32>} : memref<41088xf32, #tpu.memory_space<vmem>>, vector<16xf32>,
      tpu.vector_store %arg21[%swap3A_221], %broadcast_in_dim3A_6 {strides = array<i32>} : memref<41088xf32, #tpu.memory_space<vmem>>, vector<16xf32>,
      %scan3A_223 = arith.constant 0 : i32
      scf.yield %scan3A_223 : i32
    }
    %scan3A_12 = arith.constant 2568 : i32
    %scan3A_13 = arith.constant 0 : i32
    %scan3A_14 = arith.constant 0 : i32
    %scan3A_15 = arith.constant 321 : i32
    %scan3A_16 = arith.addi %scan3A_14, %scan3A_15 : i32
    %scan3A_17 = arith.constant 1 : i32
    %scan3A_18 = scf.for %scan3A_217 = %scan3A_14 to %scan3A_16 step %scan3A_17 iter_args(%scan3A_218 = %scan3A_13) -> (i32)  : i32 {
      %mul3A_219 = arith.constant 16 : i32
      %mul3A_220 = arith.muli %scan3A_217, %mul3A_219 : i32
      %swap3A_221 = arith.index_cast %mul3A_220 : i32 to index
      %swap3A_222 = tpu.vector_load %arg22[%swap3A_221] {strides = array<i32>} : memref<5136xf32, #tpu.memory_space<vmem>>, vector<16xf32>,
      tpu.vector_store %arg22[%swap3A_221], %broadcast_in_dim3A_6 {strides = array<i32>} : memref<5136xf32, #tpu.memory_space<vmem>>, vector<16xf32>,
      %scan3A_223 = arith.constant 0 : i32
      scf.yield %scan3A_223 : i32
    }
    %scan3A_19 = arith.constant 321 : i32
    %broadcast_in_dim3A_20 = arith.constant 320 : i32
    %broadcast_in_dim3A_21 = vector.broadcast %broadcast_in_dim3A_20 : i32 to vector<16xi32>
    %scan3A_22 = arith.constant 0 : i32
    %scan3A_23 = arith.constant 0 : i32
    %scan3A_24 = arith.constant 1033 : i32
    %scan3A_25 = arith.addi %scan3A_23, %scan3A_24 : i32
    %scan3A_26 = arith.constant 1 : i32
    %scan3A_27 = scf.for %scan3A_217 = %scan3A_23 to %scan3A_25 step %scan3A_26 iter_args(%scan3A_218 = %scan3A_22) -> (i32)  : i32 {
      %mul3A_219 = arith.constant 16 : i32
      %mul3A_220 = arith.muli %scan3A_217, %mul3A_219 : i32
      %swap3A_221 = arith.index_cast %mul3A_220 : i32 to index
      %swap3A_222 = tpu.vector_load %arg12[%swap3A_221] {strides = array<i32>} : memref<16528xi32, #tpu.memory_space<vmem>>, vector<16xi32>,
      tpu.vector_store %arg12[%swap3A_221], %broadcast_in_dim3A_21 {strides = array<i32>} : memref<16528xi32, #tpu.memory_space<vmem>>, vector<16xi32>,
      %scan3A_223 = arith.constant 0 : i32
      scf.yield %scan3A_223 : i32
    }
    %scan3A_28 = arith.constant 1033 : i32
    %iota3A = tpu.iota {dimensions = array<i32: 0>} : vector<16xi32>
    %min3A_29 = arith.constant 0 : i32
    %min3A_30 = arith.constant 316800 : i32
    %min3A_31 = arith.minsi %min3A_29, %min3A_30 : i32
    %dma_start3A = tpu.memref_slice %arg4[%min3A_31] : memref<320000xi32, #tpu.memory_space<hbm>> -> memref<3200xi32, #tpu.memory_space<hbm>>
    %dma_start3A_32 = tpu.memref_slice %arg4[%min3A_31] : memref<320000xi32, #tpu.memory_space<hbm>> -> memref<3200xi32, #tpu.memory_space<hbm>>
    tpu.enqueue_dma source(%dma_start3A_32 : memref<3200xi32, #tpu.memory_space<hbm>>) target(%arg8 : memref<3200xi32, #tpu.memory_space<vmem>>) target_semaphore(%arg23 : memref<!tpu.dma_semaphore, #tpu.memory_space<semaphore_mem>>)
    %dma_start3A_33 = tpu.memref_slice %arg5[%min3A_31] : memref<320000xi32, #tpu.memory_space<hbm>> -> memref<3200xi32, #tpu.memory_space<hbm>>
    %dma_start3A_34 = tpu.memref_slice %arg5[%min3A_31] : memref<320000xi32, #tpu.memory_space<hbm>> -> memref<3200xi32, #tpu.memory_space<hbm>>
    tpu.enqueue_dma source(%dma_start3A_34 : memref<3200xi32, #tpu.memory_space<hbm>>) target(%arg9 : memref<3200xi32, #tpu.memory_space<vmem>>) target_semaphore(%arg24 : memref<!tpu.dma_semaphore, #tpu.memory_space<semaphore_mem>>)
    %broadcast_in_dim3A_35 = arith.constant 0 : i32
    %broadcast_in_dim3A_36 = vector.broadcast %broadcast_in_dim3A_35 : i32 to vector<16xi32>
    %scan3A_37 = arith.constant 0 : i32
    %scan3A_38 = arith.constant 50 : i32
    %scan3A_39 = arith.addi %scan3A_37, %scan3A_38 : i32
    %scan3A_40 = arith.constant 1 : i32
    %scan3A_41 = scf.for %scan3A_217 = %scan3A_37 to %scan3A_39 step %scan3A_40 iter_args(%scan3A_218 = %broadcast_in_dim3A_36) -> (vector<16xi32>)  : i32 {
      %mul3A_219 = arith.constant 2 : i32
      %mul3A_220 = arith.muli %mul3A_219, %scan3A_217 : i32
      %add3A_221 = arith.constant 1 : i32
      %add3A_222 = arith.addi %mul3A_220, %add3A_221 : i32
      %mul3A_223 = arith.constant 3200 : i32
      %mul3A_224 = arith.muli %add3A_222, %mul3A_223 : i32
      %min3A_225 = arith.constant 316800 : i32
      %min3A_226 = arith.minsi %mul3A_224, %min3A_225 : i32
      %dma_start3A_227 = tpu.memref_slice %arg4[%min3A_226] : memref<320000xi32, #tpu.memory_space<hbm>> -> memref<3200xi32, #tpu.memory_space<hbm>>
      %dma_start3A_228 = tpu.memref_slice %arg4[%min3A_226] : memref<320000xi32, #tpu.memory_space<hbm>> -> memref<3200xi32, #tpu.memory_space<hbm>>
      tpu.enqueue_dma source(%dma_start3A_228 : memref<3200xi32, #tpu.memory_space<hbm>>) target(%arg10 : memref<3200xi32, #tpu.memory_space<vmem>>) target_semaphore(%arg25 : memref<!tpu.dma_semaphore, #tpu.memory_space<semaphore_mem>>)
      %dma_start3A_229 = tpu.memref_slice %arg5[%min3A_226] : memref<320000xi32, #tpu.memory_space<hbm>> -> memref<3200xi32, #tpu.memory_space<hbm>>
      %dma_start3A_230 = tpu.memref_slice %arg5[%min3A_226] : memref<320000xi32, #tpu.memory_space<hbm>> -> memref<3200xi32, #tpu.memory_space<hbm>>
      tpu.enqueue_dma source(%dma_start3A_230 : memref<3200xi32, #tpu.memory_space<hbm>>) target(%arg11 : memref<3200xi32, #tpu.memory_space<vmem>>) target_semaphore(%arg26 : memref<!tpu.dma_semaphore, #tpu.memory_space<semaphore_mem>>)
      %mul3A_231 = arith.constant 3200 : i32
      %mul3A_232 = arith.muli %mul3A_220, %mul3A_231 : i32
      %min3A_233 = arith.constant 316800 : i32
      %min3A_234 = arith.minsi %mul3A_232, %min3A_233 : i32
      %dma_wait3A_235 = tpu.memref_slice %arg4[%min3A_234] : memref<320000xi32, #tpu.memory_space<hbm>> -> memref<3200xi32, #tpu.memory_space<hbm>>
      %dma_wait3A_236 = tpu.memref_slice %arg4[%min3A_234] : memref<320000xi32, #tpu.memory_space<hbm>> -> memref<3200xi32, #tpu.memory_space<hbm>>
      tpu.wait_dma2 semaphore(%arg23 : memref<!tpu.dma_semaphore, #tpu.memory_space<semaphore_mem>>) src(%dma_wait3A_236 : memref<3200xi32, #tpu.memory_space<hbm>>) dst(%arg8 : memref<3200xi32, #tpu.memory_space<vmem>>)
      %dma_wait3A_237 = tpu.memref_slice %arg5[%min3A_234] : memref<320000xi32, #tpu.memory_space<hbm>> -> memref<3200xi32, #tpu.memory_space<hbm>>
      %dma_wait3A_238 = tpu.memref_slice %arg5[%min3A_234] : memref<320000xi32, #tpu.memory_space<hbm>> -> memref<3200xi32, #tpu.memory_space<hbm>>
      tpu.wait_dma2 semaphore(%arg24 : memref<!tpu.dma_semaphore, #tpu.memory_space<semaphore_mem>>) src(%dma_wait3A_238 : memref<3200xi32, #tpu.memory_space<hbm>>) dst(%arg9 : memref<3200xi32, #tpu.memory_space<vmem>>)
      %parallel_loop3A = arith.constant 0 : i32
      %parallel_loop3A_239 = arith.constant 200 : i32
      %parallel_loop3A_240 = arith.constant 1 : i32
      %parallel_loop3A_241 = scf.for %parallel_loop3A_266 = %parallel_loop3A to %parallel_loop3A_239 step %parallel_loop3A_240 iter_args(%parallel_loop3A_267 = %scan3A_218) -> (vector<16xi32>)  : i32 {
        %parallel_loop3A_268 = arith.constant 16 : i32
        %parallel_loop3A_269 = arith.muli %parallel_loop3A_266, %parallel_loop3A_268 : i32
        %parallel_loop3A_270 = arith.index_cast %parallel_loop3A_269 : i32 to index
        %parallel_loop3A_271 = tpu.vector_load %arg9[%parallel_loop3A_270] {strides = array<i32>} : memref<3200xi32, #tpu.memory_space<vmem>>, vector<16xi32>,
        %parallel_loop3A_272 = arith.constant 16 : i32
        %parallel_loop3A_273 = arith.muli %parallel_loop3A_266, %parallel_loop3A_272 : i32
        %parallel_loop3A_274 = arith.index_cast %parallel_loop3A_273 : i32 to index
        %parallel_loop3A_275 = tpu.vector_load %arg8[%parallel_loop3A_274] {strides = array<i32>} : memref<3200xi32, #tpu.memory_space<vmem>>, vector<16xi32>,
        %parallel_loop3A_276 = vector.broadcast %mul3A_2 : i32 to vector<16xi32>
        %parallel_loop3A_277 = arith.cmpi sge, %parallel_loop3A_271, %parallel_loop3A_276 : vector<16xi32>
        %parallel_loop3A_278 = vector.broadcast %min3A_5 : i32 to vector<16xi32>
        %parallel_loop3A_279 = arith.cmpi slt, %parallel_loop3A_271, %parallel_loop3A_278 : vector<16xi32>
        %parallel_loop3A_280 = arith.andi %parallel_loop3A_277, %parallel_loop3A_279 : vector<16xi1>
        %parallel_loop3A_281 = vector.broadcast %mul3A_2 : i32 to vector<16xi32>
        %parallel_loop3A_282 = arith.subi %parallel_loop3A_271, %parallel_loop3A_281 : vector<16xi32>
        %parallel_loop3A_283 = arith.constant 320 : i32
        %parallel_loop3A_284 = vector.broadcast %parallel_loop3A_283 : i32 to vector<16xi32>
        %parallel_loop3A_285 = arith.select %parallel_loop3A_280, %parallel_loop3A_282, %parallel_loop3A_284 : vector<16xi1>, vector<16xi32>
        %parallel_loop3A_286 = arith.extui %parallel_loop3A_280 : vector<16xi1> to vector<16xi32>
        %parallel_loop3A_287 = arith.constant true
        %parallel_loop3A_288 = vector.broadcast %parallel_loop3A_287 : i1 to vector<16xi1>
        %parallel_loop3A_289 = tpu.scan <sum>, %parallel_loop3A_286 masked %parallel_loop3A_288 : vector<16xi32>, vector<16xi1> -> vector<16xi32>
        %parallel_loop3A_290 = arith.addi %parallel_loop3A_267, %parallel_loop3A_289 : vector<16xi32>
        %parallel_loop3A_291 = arith.constant 1 : i32
        %parallel_loop3A_292 = vector.broadcast %parallel_loop3A_291 : i32 to vector<16xi32>
        %parallel_loop3A_293 = arith.subi %parallel_loop3A_290, %parallel_loop3A_292 : vector<16xi32>
        %parallel_loop3A_294 = arith.constant 9 : i32
        %parallel_loop3A_295 = vector.broadcast %parallel_loop3A_294 : i32 to vector<16xi32>
        %parallel_loop3A_296 = arith.shli %parallel_loop3A_275, %parallel_loop3A_295 : vector<16xi32>
        %parallel_loop3A_297 = arith.ori %parallel_loop3A_296, %parallel_loop3A_285 : vector<16xi32>
        tpu.vector_store_idx %arg12[%parallel_loop3A_293], %parallel_loop3A_297 masked %parallel_loop3A_280 : memref<16528xi32, #tpu.memory_space<vmem>>[vector<16xi32>], vector<16xi32>, vector<16xi1>
        %parallel_loop3A_298 = tpu.all_reduce %parallel_loop3A_280 {dim = 0 : i64, kind = #tpu.reduction_kind<sum>} : vector<16xi1> -> vector<16xi32>
        %parallel_loop3A_299 = arith.addi %parallel_loop3A_267, %parallel_loop3A_298 : vector<16xi32>
        scf.yield %parallel_loop3A_299 : vector<16xi32>
      } {sc.loop_unroll_factor = 2 : i64, sc.parallel_access}
      %add3A_242 = arith.constant 2 : i32
      %add3A_243 = arith.addi %mul3A_220, %add3A_242 : i32
      %mul3A_244 = arith.constant 3200 : i32
      %mul3A_245 = arith.muli %add3A_243, %mul3A_244 : i32
      %min3A_246 = arith.constant 316800 : i32
      %min3A_247 = arith.minsi %mul3A_245, %min3A_246 : i32
      %dma_start3A_248 = tpu.memref_slice %arg4[%min3A_247] : memref<320000xi32, #tpu.memory_space<hbm>> -> memref<3200xi32, #tpu.memory_space<hbm>>
      %dma_start3A_249 = tpu.memref_slice %arg4[%min3A_247] : memref<320000xi32, #tpu.memory_space<hbm>> -> memref<3200xi32, #tpu.memory_space<hbm>>
      tpu.enqueue_dma source(%dma_start3A_249 : memref<3200xi32, #tpu.memory_space<hbm>>) target(%arg8 : memref<3200xi32, #tpu.memory_space<vmem>>) target_semaphore(%arg23 : memref<!tpu.dma_semaphore, #tpu.memory_space<semaphore_mem>>)
      %dma_start3A_250 = tpu.memref_slice %arg5[%min3A_247] : memref<320000xi32, #tpu.memory_space<hbm>> -> memref<3200xi32, #tpu.memory_space<hbm>>
      %dma_start3A_251 = tpu.memref_slice %arg5[%min3A_247] : memref<320000xi32, #tpu.memory_space<hbm>> -> memref<3200xi32, #tpu.memory_space<hbm>>
      tpu.enqueue_dma source(%dma_start3A_251 : memref<3200xi32, #tpu.memory_space<hbm>>) target(%arg9 : memref<3200xi32, #tpu.memory_space<vmem>>) target_semaphore(%arg24 : memref<!tpu.dma_semaphore, #tpu.memory_space<semaphore_mem>>)
      %add3A_252 = arith.constant 1 : i32
      %add3A_253 = arith.addi %mul3A_220, %add3A_252 : i32
      %mul3A_254 = arith.constant 3200 : i32
      %mul3A_255 = arith.muli %add3A_253, %mul3A_254 : i32
      %min3A_256 = arith.constant 316800 : i32
      %min3A_257 = arith.minsi %mul3A_255, %min3A_256 : i32
      %dma_wait3A_258 = tpu.memref_slice %arg4[%min3A_257] : memref<320000xi32, #tpu.memory_space<hbm>> -> memref<3200xi32, #tpu.memory_space<hbm>>
      %dma_wait3A_259 = tpu.memref_slice %arg4[%min3A_257] : memref<320000xi32, #tpu.memory_space<hbm>> -> memref<3200xi32, #tpu.memory_space<hbm>>
      tpu.wait_dma2 semaphore(%arg25 : memref<!tpu.dma_semaphore, #tpu.memory_space<semaphore_mem>>) src(%dma_wait3A_259 : memref<3200xi32, #tpu.memory_space<hbm>>) dst(%arg10 : memref<3200xi32, #tpu.memory_space<vmem>>)
      %dma_wait3A_260 = tpu.memref_slice %arg5[%min3A_257] : memref<320000xi32, #tpu.memory_space<hbm>> -> memref<3200xi32, #tpu.memory_space<hbm>>
      %dma_wait3A_261 = tpu.memref_slice %arg5[%min3A_257] : memref<320000xi32, #tpu.memory_space<hbm>> -> memref<3200xi32, #tpu.memory_space<hbm>>
      tpu.wait_dma2 semaphore(%arg26 : memref<!tpu.dma_semaphore, #tpu.memory_space<semaphore_mem>>) src(%dma_wait3A_261 : memref<3200xi32, #tpu.memory_space<hbm>>) dst(%arg11 : memref<3200xi32, #tpu.memory_space<vmem>>)
      %parallel_loop3A_262 = arith.constant 0 : i32
      %parallel_loop3A_263 = arith.constant 200 : i32
      %parallel_loop3A_264 = arith.constant 1 : i32
      %parallel_loop3A_265 = scf.for %parallel_loop3A_266 = %parallel_loop3A_262 to %parallel_loop3A_263 step %parallel_loop3A_264 iter_args(%parallel_loop3A_267 = %parallel_loop3A_241) -> (vector<16xi32>)  : i32 {
        %parallel_loop3A_268 = arith.constant 16 : i32
        %parallel_loop3A_269 = arith.muli %parallel_loop3A_266, %parallel_loop3A_268 : i32
        %parallel_loop3A_270 = arith.index_cast %parallel_loop3A_269 : i32 to index
        %parallel_loop3A_271 = tpu.vector_load %arg11[%parallel_loop3A_270] {strides = array<i32>} : memref<3200xi32, #tpu.memory_space<vmem>>, vector<16xi32>,
        %parallel_loop3A_272 = arith.constant 16 : i32
        %parallel_loop3A_273 = arith.muli %parallel_loop3A_266, %parallel_loop3A_272 : i32
        %parallel_loop3A_274 = arith.index_cast %parallel_loop3A_273 : i32 to index
        %parallel_loop3A_275 = tpu.vector_load %arg10[%parallel_loop3A_274] {strides = array<i32>} : memref<3200xi32, #tpu.memory_space<vmem>>, vector<16xi32>,
        %parallel_loop3A_276 = vector.broadcast %mul3A_2 : i32 to vector<16xi32>
        %parallel_loop3A_277 = arith.cmpi sge, %parallel_loop3A_271, %parallel_loop3A_276 : vector<16xi32>
        %parallel_loop3A_278 = vector.broadcast %min3A_5 : i32 to vector<16xi32>
        %parallel_loop3A_279 = arith.cmpi slt, %parallel_loop3A_271, %parallel_loop3A_278 : vector<16xi32>
        %parallel_loop3A_280 = arith.andi %parallel_loop3A_277, %parallel_loop3A_279 : vector<16xi1>
        %parallel_loop3A_281 = vector.broadcast %mul3A_2 : i32 to vector<16xi32>
        %parallel_loop3A_282 = arith.subi %parallel_loop3A_271, %parallel_loop3A_281 : vector<16xi32>
        %parallel_loop3A_283 = arith.constant 320 : i32
        %parallel_loop3A_284 = vector.broadcast %parallel_loop3A_283 : i32 to vector<16xi32>
        %parallel_loop3A_285 = arith.select %parallel_loop3A_280, %parallel_loop3A_282, %parallel_loop3A_284 : vector<16xi1>, vector<16xi32>
        %parallel_loop3A_286 = arith.extui %parallel_loop3A_280 : vector<16xi1> to vector<16xi32>
        %parallel_loop3A_287 = arith.constant true
        %parallel_loop3A_288 = vector.broadcast %parallel_loop3A_287 : i1 to vector<16xi1>
        %parallel_loop3A_289 = tpu.scan <sum>, %parallel_loop3A_286 masked %parallel_loop3A_288 : vector<16xi32>, vector<16xi1> -> vector<16xi32>
        %parallel_loop3A_290 = arith.addi %parallel_loop3A_267, %parallel_loop3A_289 : vector<16xi32>
        %parallel_loop3A_291 = arith.constant 1 : i32
        %parallel_loop3A_292 = vector.broadcast %parallel_loop3A_291 : i32 to vector<16xi32>
        %parallel_loop3A_293 = arith.subi %parallel_loop3A_290, %parallel_loop3A_292 : vector<16xi32>
        %parallel_loop3A_294 = arith.constant 9 : i32
        %parallel_loop3A_295 = vector.broadcast %parallel_loop3A_294 : i32 to vector<16xi32>
        %parallel_loop3A_296 = arith.shli %parallel_loop3A_275, %parallel_loop3A_295 : vector<16xi32>
        %parallel_loop3A_297 = arith.ori %parallel_loop3A_296, %parallel_loop3A_285 : vector<16xi32>
        tpu.vector_store_idx %arg12[%parallel_loop3A_293], %parallel_loop3A_297 masked %parallel_loop3A_280 : memref<16528xi32, #tpu.memory_space<vmem>>[vector<16xi32>], vector<16xi32>, vector<16xi1>
        %parallel_loop3A_298 = tpu.all_reduce %parallel_loop3A_280 {dim = 0 : i64, kind = #tpu.reduction_kind<sum>} : vector<16xi1> -> vector<16xi32>
        %parallel_loop3A_299 = arith.addi %parallel_loop3A_267, %parallel_loop3A_298 : vector<16xi32>
        scf.yield %parallel_loop3A_299 : vector<16xi32>
      } {sc.loop_unroll_factor = 2 : i64, sc.parallel_access}
      scf.yield %parallel_loop3A_265 : vector<16xi32>
    }
    %scan3A_42 = arith.constant 50 : i32
    %min3A_43 = arith.constant 320000 : i32
    %min3A_44 = arith.constant 316800 : i32
    %min3A_45 = arith.minsi %min3A_43, %min3A_44 : i32
    %dma_wait3A = tpu.memref_slice %arg4[%min3A_45] : memref<320000xi32, #tpu.memory_space<hbm>> -> memref<3200xi32, #tpu.memory_space<hbm>>
    %dma_wait3A_46 = tpu.memref_slice %arg4[%min3A_45] : memref<320000xi32, #tpu.memory_space<hbm>> -> memref<3200xi32, #tpu.memory_space<hbm>>
    tpu.wait_dma2 semaphore(%arg23 : memref<!tpu.dma_semaphore, #tpu.memory_space<semaphore_mem>>) src(%dma_wait3A_46 : memref<3200xi32, #tpu.memory_space<hbm>>) dst(%arg8 : memref<3200xi32, #tpu.memory_space<vmem>>)
    %dma_wait3A_47 = tpu.memref_slice %arg5[%min3A_45] : memref<320000xi32, #tpu.memory_space<hbm>> -> memref<3200xi32, #tpu.memory_space<hbm>>
    %dma_wait3A_48 = tpu.memref_slice %arg5[%min3A_45] : memref<320000xi32, #tpu.memory_space<hbm>> -> memref<3200xi32, #tpu.memory_space<hbm>>
    tpu.wait_dma2 semaphore(%arg24 : memref<!tpu.dma_semaphore, #tpu.memory_space<semaphore_mem>>) src(%dma_wait3A_48 : memref<3200xi32, #tpu.memory_space<hbm>>) dst(%arg9 : memref<3200xi32, #tpu.memory_space<vmem>>)
    %slice3A = vector.extract_strided_slice %scan3A_41 {offsets = [0], sizes = [1], strides = [1]} : vector<16xi32> to vector<1xi32>
    %squeeze3A = vector.extract %slice3A[0] : i32 from vector<1xi32>
    %add3A_49 = arith.constant 63 : i32
    %add3A_50 = arith.addi %squeeze3A, %add3A_49 : i32
    %jit3A = arith.constant 64 : i32
    %div3A = arith.divsi %add3A_50, %jit3A : i32
    %sign3A = arith.constant 0 : i32
    %sign3A_51 = arith.cmpi sgt, %add3A_50, %sign3A : i32
    %sign3A_52 = arith.extui %sign3A_51 : i1 to i32
    %sign3A_53 = arith.constant 0 : i32
    %sign3A_54 = arith.cmpi slt, %add3A_50, %sign3A_53 : i32
    %sign3A_55 = arith.extui %sign3A_54 : i1 to i32
    %sign3A_56 = arith.subi %sign3A_52, %sign3A_55 : i32
    %sign3A_57 = arith.constant 0 : i32
    %sign3A_58 = arith.cmpi sgt, %jit3A, %sign3A_57 : i32
    %sign3A_59 = arith.extui %sign3A_58 : i1 to i32
    %sign3A_60 = arith.constant 0 : i32
    %sign3A_61 = arith.cmpi slt, %jit3A, %sign3A_60 : i32
    %sign3A_62 = arith.extui %sign3A_61 : i1 to i32
    %sign3A_63 = arith.subi %sign3A_59, %sign3A_62 : i32
    %ne3A = arith.cmpi ne, %sign3A_56, %sign3A_63 : i32
    %rem3A = arith.remsi %add3A_50, %jit3A : i32
    %ne3A_64 = arith.constant 0 : i32
    %ne3A_65 = arith.cmpi ne, %rem3A, %ne3A_64 : i32
    %and3A = arith.andi %ne3A, %ne3A_65 : i1
    %sub3A = arith.constant 1 : i32
    %sub3A_66 = arith.subi %div3A, %sub3A : i32
    %select_n3A = arith.select %and3A, %sub3A_66, %div3A : i32
    %add3A_67 = arith.constant 1 : i32
    %add3A_68 = arith.addi %select_n3A, %add3A_67 : i32
    %jit3A_69 = arith.constant 2 : i32
    %div3A_70 = arith.divsi %add3A_68, %jit3A_69 : i32
    %sign3A_71 = arith.constant 0 : i32
    %sign3A_72 = arith.cmpi sgt, %add3A_68, %sign3A_71 : i32
    %sign3A_73 = arith.extui %sign3A_72 : i1 to i32
    %sign3A_74 = arith.constant 0 : i32
    %sign3A_75 = arith.cmpi slt, %add3A_68, %sign3A_74 : i32
    %sign3A_76 = arith.extui %sign3A_75 : i1 to i32
    %sign3A_77 = arith.subi %sign3A_73, %sign3A_76 : i32
    %sign3A_78 = arith.constant 0 : i32
    %sign3A_79 = arith.cmpi sgt, %jit3A_69, %sign3A_78 : i32
    %sign3A_80 = arith.extui %sign3A_79 : i1 to i32
    %sign3A_81 = arith.constant 0 : i32
    %sign3A_82 = arith.cmpi slt, %jit3A_69, %sign3A_81 : i32
    %sign3A_83 = arith.extui %sign3A_82 : i1 to i32
    %sign3A_84 = arith.subi %sign3A_80, %sign3A_83 : i32
    %ne3A_85 = arith.cmpi ne, %sign3A_77, %sign3A_84 : i32
    %rem3A_86 = arith.remsi %add3A_68, %jit3A_69 : i32
    %ne3A_87 = arith.constant 0 : i32
    %ne3A_88 = arith.cmpi ne, %rem3A_86, %ne3A_87 : i32
    %and3A_89 = arith.andi %ne3A_85, %ne3A_88 : i1
    %sub3A_90 = arith.constant 1 : i32
    %sub3A_91 = arith.subi %div3A_70, %sub3A_90 : i32
    %select_n3A_92 = arith.select %and3A_89, %sub3A_91, %div3A_70 : i32
    %iota3A_93 = tpu.iota {dimensions = array<i32: 0>} : vector<16xi32>
    %add3A_94 = arith.constant 0 : i32
    %add3A_95 = vector.broadcast %add3A_94 : i32 to vector<16xi32>
    %add3A_96 = arith.addi %iota3A_93, %add3A_95 : vector<16xi32>
    %iota3A_97 = tpu.iota {dimensions = array<i32: 0>} : vector<16xi32>
    %add3A_98 = arith.constant 16 : i32
    %add3A_99 = vector.broadcast %add3A_98 : i32 to vector<16xi32>
    %add3A_100 = arith.addi %iota3A_97, %add3A_99 : vector<16xi32>
    %iota3A_101 = tpu.iota {dimensions = array<i32: 0>} : vector<16xi32>
    %add3A_102 = arith.constant 32 : i32
    %add3A_103 = vector.broadcast %add3A_102 : i32 to vector<16xi32>
    %add3A_104 = arith.addi %iota3A_101, %add3A_103 : vector<16xi32>
    %iota3A_105 = tpu.iota {dimensions = array<i32: 0>} : vector<16xi32>
    %add3A_106 = arith.constant 48 : i32
    %add3A_107 = vector.broadcast %add3A_106 : i32 to vector<16xi32>
    %add3A_108 = arith.addi %iota3A_105, %add3A_107 : vector<16xi32>
    %iota3A_109 = tpu.iota {dimensions = array<i32: 0>} : vector<16xi32>
    %add3A_110 = arith.constant 64 : i32
    %add3A_111 = vector.broadcast %add3A_110 : i32 to vector<16xi32>
    %add3A_112 = arith.addi %iota3A_109, %add3A_111 : vector<16xi32>
    %iota3A_113 = tpu.iota {dimensions = array<i32: 0>} : vector<16xi32>
    %add3A_114 = arith.constant 80 : i32
    %add3A_115 = vector.broadcast %add3A_114 : i32 to vector<16xi32>
    %add3A_116 = arith.addi %iota3A_113, %add3A_115 : vector<16xi32>
    %iota3A_117 = tpu.iota {dimensions = array<i32: 0>} : vector<16xi32>
    %add3A_118 = arith.constant 96 : i32
    %add3A_119 = vector.broadcast %add3A_118 : i32 to vector<16xi32>
    %add3A_120 = arith.addi %iota3A_117, %add3A_119 : vector<16xi32>
    %iota3A_121 = tpu.iota {dimensions = array<i32: 0>} : vector<16xi32>
    %add3A_122 = arith.constant 112 : i32
    %add3A_123 = vector.broadcast %add3A_122 : i32 to vector<16xi32>
    %add3A_124 = arith.addi %iota3A_121, %add3A_123 : vector<16xi32>
    %get3A = arith.constant 0 : index
    %get3A_125 = tpu.vector_load %arg12[%get3A] {strides = array<i32>} : memref<16528xi32, #tpu.memory_space<vmem>>, vector<16xi32>,
    %and3A_126 = arith.constant 511 : i32
    %and3A_127 = vector.broadcast %and3A_126 : i32 to vector<16xi32>
    %and3A_128 = arith.andi %get3A_125, %and3A_127 : vector<16xi32>
    %shift_right_arithmetic3A = arith.constant 9 : i32
    %shift_right_arithmetic3A_129 = vector.broadcast %shift_right_arithmetic3A : i32 to vector<16xi32>
    %shift_right_arithmetic3A_130 = arith.shrsi %get3A_125, %shift_right_arithmetic3A_129 : vector<16xi32>
    %swap3A = arith.constant 0 : index
    %swap3A_131 = tpu.vector_load %arg13[%swap3A] {strides = array<i32>} : memref<64xi32, #tpu.memory_space<vmem>>, vector<16xi32>,
    tpu.vector_store %arg13[%swap3A], %shift_right_arithmetic3A_130 {strides = array<i32>} : memref<64xi32, #tpu.memory_space<vmem>>, vector<16xi32>,
    %add3A_132 = vector.broadcast %mul3A_2 : i32 to vector<16xi32>
    %add3A_133 = arith.addi %and3A_128, %add3A_132 : vector<16xi32>
    %min3A_134 = arith.constant 9999 : i32
    %min3A_135 = vector.broadcast %min3A_134 : i32 to vector<16xi32>
    %min3A_136 = arith.minsi %add3A_133, %min3A_135 : vector<16xi32>
    %swap3A_137 = arith.constant 0 : index
    %swap3A_138 = tpu.vector_load %arg14[%swap3A_137] {strides = array<i32>} : memref<64xi32, #tpu.memory_space<vmem>>, vector<16xi32>,
    tpu.vector_store %arg14[%swap3A_137], %min3A_136 {strides = array<i32>} : memref<64xi32, #tpu.memory_space<vmem>>, vector<16xi32>,
    %get3A_139 = arith.constant 16 : index
    %get3A_140 = tpu.vector_load %arg12[%get3A_139] {strides = array<i32>} : memref<16528xi32, #tpu.memory_space<vmem>>, vector<16xi32>,
    %and3A_141 = arith.constant 511 : i32
    %and3A_142 = vector.broadcast %and3A_141 : i32 to vector<16xi32>
    %and3A_143 = arith.andi %get3A_140, %and3A_142 : vector<16xi32>
    %shift_right_arithmetic3A_144 = arith.constant 9 : i32
    %shift_right_arithmetic3A_145 = vector.broadcast %shift_right_arithmetic3A_144 : i32 to vector<16xi32>
    %shift_right_arithmetic3A_146 = arith.shrsi %get3A_140, %shift_right_arithmetic3A_145 : vector<16xi32>
    %swap3A_147 = arith.constant 16 : index
    %swap3A_148 = tpu.vector_load %arg13[%swap3A_147] {strides = array<i32>} : memref<64xi32, #tpu.memory_space<vmem>>, vector<16xi32>,
    tpu.vector_store %arg13[%swap3A_147], %shift_right_arithmetic3A_146 {strides = array<i32>} : memref<64xi32, #tpu.memory_space<vmem>>, vector<16xi32>,
    %add3A_149 = vector.broadcast %mul3A_2 : i32 to vector<16xi32>
    %add3A_150 = arith.addi %and3A_143, %add3A_149 : vector<16xi32>
    %min3A_151 = arith.constant 9999 : i32
    %min3A_152 = vector.broadcast %min3A_151 : i32 to vector<16xi32>
    %min3A_153 = arith.minsi %add3A_150, %min3A_152 : vector<16xi32>
    %swap3A_154 = arith.constant 16 : index
    %swap3A_155 = tpu.vector_load %arg14[%swap3A_154] {strides = array<i32>} : memref<64xi32, #tpu.memory_space<vmem>>, vector<16xi32>,
    tpu.vector_store %arg14[%swap3A_154], %min3A_153 {strides = array<i32>} : memref<64xi32, #tpu.memory_space<vmem>>, vector<16xi32>,
    %get3A_156 = arith.constant 32 : index
    %get3A_157 = tpu.vector_load %arg12[%get3A_156] {strides = array<i32>} : memref<16528xi32, #tpu.memory_space<vmem>>, vector<16xi32>,
    %and3A_158 = arith.constant 511 : i32
    %and3A_159 = vector.broadcast %and3A_158 : i32 to vector<16xi32>
    %and3A_160 = arith.andi %get3A_157, %and3A_159 : vector<16xi32>
    %shift_right_arithmetic3A_161 = arith.constant 9 : i32
    %shift_right_arithmetic3A_162 = vector.broadcast %shift_right_arithmetic3A_161 : i32 to vector<16xi32>
    %shift_right_arithmetic3A_163 = arith.shrsi %get3A_157, %shift_right_arithmetic3A_162 : vector<16xi32>
    %swap3A_164 = arith.constant 32 : index
    %swap3A_165 = tpu.vector_load %arg13[%swap3A_164] {strides = array<i32>} : memref<64xi32, #tpu.memory_space<vmem>>, vector<16xi32>,
    tpu.vector_store %arg13[%swap3A_164], %shift_right_arithmetic3A_163 {strides = array<i32>} : memref<64xi32, #tpu.memory_space<vmem>>, vector<16xi32>,
    %add3A_166 = vector.broadcast %mul3A_2 : i32 to vector<16xi32>
    %add3A_167 = arith.addi %and3A_160, %add3A_166 : vector<16xi32>
    %min3A_168 = arith.constant 9999 : i32
    %min3A_169 = vector.broadcast %min3A_168 : i32 to vector<16xi32>
    %min3A_170 = arith.minsi %add3A_167, %min3A_169 : vector<16xi32>
    %swap3A_171 = arith.constant 32 : index
    %swap3A_172 = tpu.vector_load %arg14[%swap3A_171] {strides = array<i32>} : memref<64xi32, #tpu.memory_space<vmem>>, vector<16xi32>,
    tpu.vector_store %arg14[%swap3A_171], %min3A_170 {strides = array<i32>} : memref<64xi32, #tpu.memory_space<vmem>>, vector<16xi32>,
    %get3A_173 = arith.constant 48 : index
    %get3A_174 = tpu.vector_load %arg12[%get3A_173] {strides = array<i32>} : memref<16528xi32, #tpu.memory_space<vmem>>, vector<16xi32>,
    %and3A_175 = arith.constant 511 : i32
    %and3A_176 = vector.broadcast %and3A_175 : i32 to vector<16xi32>
    %and3A_177 = arith.andi %get3A_174, %and3A_176 : vector<16xi32>
    %shift_right_arithmetic3A_178 = arith.constant 9 : i32
    %shift_right_arithmetic3A_179 = vector.broadcast %shift_right_arithmetic3A_178 : i32 to vector<16xi32>
    %shift_right_arithmetic3A_180 = arith.shrsi %get3A_174, %shift_right_arithmetic3A_179 : vector<16xi32>
    %swap3A_181 = arith.constant 48 : index
    %swap3A_182 = tpu.vector_load %arg13[%swap3A_181] {strides = array<i32>} : memref<64xi32, #tpu.memory_space<vmem>>, vector<16xi32>,
    tpu.vector_store %arg13[%swap3A_181], %shift_right_arithmetic3A_180 {strides = array<i32>} : memref<64xi32, #tpu.memory_space<vmem>>, vector<16xi32>,
    %add3A_183 = vector.broadcast %mul3A_2 : i32 to vector<16xi32>
    %add3A_184 = arith.addi %and3A_177, %add3A_183 : vector<16xi32>
    %min3A_185 = arith.constant 9999 : i32
    %min3A_186 = vector.broadcast %min3A_185 : i32 to vector<16xi32>
    %min3A_187 = arith.minsi %add3A_184, %min3A_186 : vector<16xi32>
    %swap3A_188 = arith.constant 48 : index
    %swap3A_189 = tpu.vector_load %arg14[%swap3A_188] {strides = array<i32>} : memref<64xi32, #tpu.memory_space<vmem>>, vector<16xi32>,
    tpu.vector_store %arg14[%swap3A_188], %min3A_187 {strides = array<i32>} : memref<64xi32, #tpu.memory_space<vmem>>, vector<16xi32>,
    %dma_start3A_190 = arith.constant 0 : i32
    %dma_start3A_191 = arith.constant 0 : i32
    %dma_start3A_192 = tpu.memref_slice %arg2[%dma_start3A_190, %dma_start3A_191] : memref<10000x128xf32, #tpu.memory_space<hbm>> -> memref<10000x128xf32, #tpu.memory_space<hbm>>
    tpu.enqueue_indirect_dma source(%dma_start3A_192 : memref<10000x128xf32, #tpu.memory_space<hbm>>) target(%arg15 : memref<64x128xf32, #tpu.memory_space<vmem>>) offsets(%arg13 : memref<64xi32, #tpu.memory_space<vmem>>) semaphore(%arg23 : memref<!tpu.dma_semaphore, #tpu.memory_space<semaphore_mem>>)
    %dma_start3A_193 = arith.constant 0 : i32
    %dma_start3A_194 = arith.constant 0 : i32
    %dma_start3A_195 = tpu.memref_slice %arg3[%dma_start3A_193, %dma_start3A_194] : memref<10000x256xf32, #tpu.memory_space<hbm>> -> memref<10000x256xf32, #tpu.memory_space<hbm>>
    tpu.enqueue_indirect_dma source(%dma_start3A_195 : memref<10000x256xf32, #tpu.memory_space<hbm>>) target(%arg16 : memref<64x256xf32, #tpu.memory_space<vmem>>) offsets(%arg14 : memref<64xi32, #tpu.memory_space<vmem>>) semaphore(%arg24 : memref<!tpu.dma_semaphore, #tpu.memory_space<semaphore_mem>>)
    %while3A = arith.constant 0 : i32
    %while3A_196 = arith.constant 0 : i32
    %while3A_197 = arith.subi %select_n3A_92, %while3A : i32
    %while3A_198 = arith.addi %while3A, %while3A_197 : i32
    %while3A_199 = arith.constant 1 : i32
    %while3A_200 = arith.divsi %while3A_197, %while3A_199 : i32
    %while3A_201 = arith.muli %while3A_200, %while3A_199 : i32
    %while3A_202 = arith.addi %while3A, %while3A_201 : i32
    %while3A_203 = arith.constant 1 : i32
    %while3A_204 = scf.for %while3A_217 = %while3A to %while3A_202 step %while3A_203 iter_args(%while3A_218 = %while3A_196) -> (i32)  : i32 {
      %mul3A_219 = arith.constant 2 : i32
      %mul3A_220 = arith.muli %mul3A_219, %while3A_217 : i32
      %add3A_221 = arith.constant 1 : i32
      %add3A_222 = arith.addi %mul3A_220, %add3A_221 : i32
      %mul3A_223 = arith.constant 64 : i32
      %mul3A_224 = arith.muli %add3A_222, %mul3A_223 : i32
      %add3A_225 = arith.constant 0 : i32
      %add3A_226 = arith.addi %mul3A_224, %add3A_225 : i32
      %get3A_227 = arith.index_cast %add3A_226 : i32 to index
      %get3A_228 = tpu.vector_load %arg12[%get3A_227] {strides = array<i32>} : memref<16528xi32, #tpu.memory_space<vmem>>, vector<16xi32>,
      %and3A_229 = arith.constant 511 : i32
      %and3A_230 = vector.broadcast %and3A_229 : i32 to vector<16xi32>
      %and3A_231 = arith.andi %get3A_228, %and3A_230 : vector<16xi32>
      %shift_right_arithmetic3A_232 = arith.constant 9 : i32
      %shift_right_arithmetic3A_233 = vector.broadcast %shift_right_arithmetic3A_232 : i32 to vector<16xi32>
      %shift_right_arithmetic3A_234 = arith.shrsi %get3A_228, %shift_right_arithmetic3A_233 : vector<16xi32>
      %swap3A_235 = arith.constant 0 : index
      %swap3A_236 = tpu.vector_load %arg17[%swap3A_235] {strides = array<i32>} : memref<64xi32, #tpu.memory_space<vmem>>, vector<16xi32>,
      tpu.vector_store %arg17[%swap3A_235], %shift_right_arithmetic3A_234 {strides = array<i32>} : memref<64xi32, #tpu.memory_space<vmem>>, vector<16xi32>,
      %add3A_237 = vector.broadcast %mul3A_2 : i32 to vector<16xi32>
      %add3A_238 = arith.addi %and3A_231, %add3A_237 : vector<16xi32>
      %min3A_239 = arith.constant 9999 : i32
      %min3A_240 = vector.broadcast %min3A_239 : i32 to vector<16xi32>
      %min3A_241 = arith.minsi %add3A_238, %min3A_240 : vector<16xi32>
      %swap3A_242 = arith.constant 0 : index
      %swap3A_243 = tpu.vector_load %arg18[%swap3A_242] {strides = array<i32>} : memref<64xi32, #tpu.memory_space<vmem>>, vector<16xi32>,
      tpu.vector_store %arg18[%swap3A_242], %min3A_241 {strides = array<i32>} : memref<64xi32, #tpu.memory_space<vmem>>, vector<16xi32>,
      %add3A_244 = arith.constant 16 : i32
      %add3A_245 = arith.addi %mul3A_224, %add3A_244 : i32
      %get3A_246 = arith.index_cast %add3A_245 : i32 to index
      %get3A_247 = tpu.vector_load %arg12[%get3A_246] {strides = array<i32>} : memref<16528xi32, #tpu.memory_space<vmem>>, vector<16xi32>,
      %and3A_248 = arith.constant 511 : i32
      %and3A_249 = vector.broadcast %and3A_248 : i32 to vector<16xi32>
      %and3A_250 = arith.andi %get3A_247, %and3A_249 : vector<16xi32>
      %shift_right_arithmetic3A_251 = arith.constant 9 : i32
      %shift_right_arithmetic3A_252 = vector.broadcast %shift_right_arithmetic3A_251 : i32 to vector<16xi32>
      %shift_right_arithmetic3A_253 = arith.shrsi %get3A_247, %shift_right_arithmetic3A_252 : vector<16xi32>
      %swap3A_254 = arith.constant 16 : index
      %swap3A_255 = tpu.vector_load %arg17[%swap3A_254] {strides = array<i32>} : memref<64xi32, #tpu.memory_space<vmem>>, vector<16xi32>,
      tpu.vector_store %arg17[%swap3A_254], %shift_right_arithmetic3A_253 {strides = array<i32>} : memref<64xi32, #tpu.memory_space<vmem>>, vector<16xi32>,
      %add3A_256 = vector.broadcast %mul3A_2 : i32 to vector<16xi32>
      %add3A_257 = arith.addi %and3A_250, %add3A_256 : vector<16xi32>
      %min3A_258 = arith.constant 9999 : i32
      %min3A_259 = vector.broadcast %min3A_258 : i32 to vector<16xi32>
      %min3A_260 = arith.minsi %add3A_257, %min3A_259 : vector<16xi32>
      %swap3A_261 = arith.constant 16 : index
      %swap3A_262 = tpu.vector_load %arg18[%swap3A_261] {strides = array<i32>} : memref<64xi32, #tpu.memory_space<vmem>>, vector<16xi32>,
      tpu.vector_store %arg18[%swap3A_261], %min3A_260 {strides = array<i32>} : memref<64xi32, #tpu.memory_space<vmem>>, vector<16xi32>,
      %add3A_263 = arith.constant 32 : i32
      %add3A_264 = arith.addi %mul3A_224, %add3A_263 : i32
      %get3A_265 = arith.index_cast %add3A_264 : i32 to index
      %get3A_266 = tpu.vector_load %arg12[%get3A_265] {strides = array<i32>} : memref<16528xi32, #tpu.memory_space<vmem>>, vector<16xi32>,
      %and3A_267 = arith.constant 511 : i32
      %and3A_268 = vector.broadcast %and3A_267 : i32 to vector<16xi32>
      %and3A_269 = arith.andi %get3A_266, %and3A_268 : vector<16xi32>
      %shift_right_arithmetic3A_270 = arith.constant 9 : i32
      %shift_right_arithmetic3A_271 = vector.broadcast %shift_right_arithmetic3A_270 : i32 to vector<16xi32>
      %shift_right_arithmetic3A_272 = arith.shrsi %get3A_266, %shift_right_arithmetic3A_271 : vector<16xi32>
      %swap3A_273 = arith.constant 32 : index
      %swap3A_274 = tpu.vector_load %arg17[%swap3A_273] {strides = array<i32>} : memref<64xi32, #tpu.memory_space<vmem>>, vector<16xi32>,
      tpu.vector_store %arg17[%swap3A_273], %shift_right_arithmetic3A_272 {strides = array<i32>} : memref<64xi32, #tpu.memory_space<vmem>>, vector<16xi32>,
      %add3A_275 = vector.broadcast %mul3A_2 : i32 to vector<16xi32>
      %add3A_276 = arith.addi %and3A_269, %add3A_275 : vector<16xi32>
      %min3A_277 = arith.constant 9999 : i32
      %min3A_278 = vector.broadcast %min3A_277 : i32 to vector<16xi32>
      %min3A_279 = arith.minsi %add3A_276, %min3A_278 : vector<16xi32>
      %swap3A_280 = arith.constant 32 : index
      %swap3A_281 = tpu.vector_load %arg18[%swap3A_280] {strides = array<i32>} : memref<64xi32, #tpu.memory_space<vmem>>, vector<16xi32>,
      tpu.vector_store %arg18[%swap3A_280], %min3A_279 {strides = array<i32>} : memref<64xi32, #tpu.memory_space<vmem>>, vector<16xi32>,
      %add3A_282 = arith.constant 48 : i32
      %add3A_283 = arith.addi %mul3A_224, %add3A_282 : i32
      %get3A_284 = arith.index_cast %add3A_283 : i32 to index
      %get3A_285 = tpu.vector_load %arg12[%get3A_284] {strides = array<i32>} : memref<16528xi32, #tpu.memory_space<vmem>>, vector<16xi32>,
      %and3A_286 = arith.constant 511 : i32
      %and3A_287 = vector.broadcast %and3A_286 : i32 to vector<16xi32>
      %and3A_288 = arith.andi %get3A_285, %and3A_287 : vector<16xi32>
      %shift_right_arithmetic3A_289 = arith.constant 9 : i32
      %shift_right_arithmetic3A_290 = vector.broadcast %shift_right_arithmetic3A_289 : i32 to vector<16xi32>
      %shift_right_arithmetic3A_291 = arith.shrsi %get3A_285, %shift_right_arithmetic3A_290 : vector<16xi32>
      %swap3A_292 = arith.constant 48 : index
      %swap3A_293 = tpu.vector_load %arg17[%swap3A_292] {strides = array<i32>} : memref<64xi32, #tpu.memory_space<vmem>>, vector<16xi32>,
      tpu.vector_store %arg17[%swap3A_292], %shift_right_arithmetic3A_291 {strides = array<i32>} : memref<64xi32, #tpu.memory_space<vmem>>, vector<16xi32>,
      %add3A_294 = vector.broadcast %mul3A_2 : i32 to vector<16xi32>
      %add3A_295 = arith.addi %and3A_288, %add3A_294 : vector<16xi32>
      %min3A_296 = arith.constant 9999 : i32
      %min3A_297 = vector.broadcast %min3A_296 : i32 to vector<16xi32>
      %min3A_298 = arith.minsi %add3A_295, %min3A_297 : vector<16xi32>
      %swap3A_299 = arith.constant 48 : index
      %swap3A_300 = tpu.vector_load %arg18[%swap3A_299] {strides = array<i32>} : memref<64xi32, #tpu.memory_space<vmem>>, vector<16xi32>,
      tpu.vector_store %arg18[%swap3A_299], %min3A_298 {strides = array<i32>} : memref<64xi32, #tpu.memory_space<vmem>>, vector<16xi32>,
      %dma_start3A_301 = arith.constant 0 : i32
      %dma_start3A_302 = arith.constant 0 : i32
      %dma_start3A_303 = tpu.memref_slice %arg2[%dma_start3A_301, %dma_start3A_302] : memref<10000x128xf32, #tpu.memory_space<hbm>> -> memref<10000x128xf32, #tpu.memory_space<hbm>>
      tpu.enqueue_indirect_dma source(%dma_start3A_303 : memref<10000x128xf32, #tpu.memory_space<hbm>>) target(%arg19 : memref<64x128xf32, #tpu.memory_space<vmem>>) offsets(%arg17 : memref<64xi32, #tpu.memory_space<vmem>>) semaphore(%arg25 : memref<!tpu.dma_semaphore, #tpu.memory_space<semaphore_mem>>)
      %dma_start3A_304 = arith.constant 0 : i32
      %dma_start3A_305 = arith.constant 0 : i32
      %dma_start3A_306 = tpu.memref_slice %arg3[%dma_start3A_304, %dma_start3A_305] : memref<10000x256xf32, #tpu.memory_space<hbm>> -> memref<10000x256xf32, #tpu.memory_space<hbm>>
      tpu.enqueue_indirect_dma source(%dma_start3A_306 : memref<10000x256xf32, #tpu.memory_space<hbm>>) target(%arg20 : memref<64x256xf32, #tpu.memory_space<vmem>>) offsets(%arg18 : memref<64xi32, #tpu.memory_space<vmem>>) semaphore(%arg26 : memref<!tpu.dma_semaphore, #tpu.memory_space<semaphore_mem>>)
      %dma_wait3A_307 = arith.constant 0 : i32
      %dma_wait3A_308 = arith.constant 0 : i32
      %dma_wait3A_309 = tpu.memref_slice %arg2[%dma_wait3A_307, %dma_wait3A_308] : memref<10000x128xf32, #tpu.memory_space<hbm>> -> memref<10000x128xf32, #tpu.memory_space<hbm>>
      tpu.wait_indirect_dma semaphore(%arg23 : memref<!tpu.dma_semaphore, #tpu.memory_space<semaphore_mem>>) src(%dma_wait3A_309 : memref<10000x128xf32, #tpu.memory_space<hbm>>) dst(%arg15 : memref<64x128xf32, #tpu.memory_space<vmem>>)
      %dma_wait3A_310 = arith.constant 0 : i32
      %dma_wait3A_311 = arith.constant 0 : i32
      %dma_wait3A_312 = tpu.memref_slice %arg3[%dma_wait3A_310, %dma_wait3A_311] : memref<10000x256xf32, #tpu.memory_space<hbm>> -> memref<10000x256xf32, #tpu.memory_space<hbm>>
      tpu.wait_indirect_dma semaphore(%arg24 : memref<!tpu.dma_semaphore, #tpu.memory_space<semaphore_mem>>) src(%dma_wait3A_312 : memref<10000x256xf32, #tpu.memory_space<hbm>>) dst(%arg16 : memref<64x256xf32, #tpu.memory_space<vmem>>)
      %mul3A_313 = arith.constant 64 : i32
      %mul3A_314 = arith.muli %mul3A_220, %mul3A_313 : i32
      %scan3A_315 = arith.constant 0 : i32
      %scan3A_316 = arith.constant 0 : i32
      %scan3A_317 = arith.constant 64 : i32
      %scan3A_318 = arith.addi %scan3A_316, %scan3A_317 : i32
      %scan3A_319 = arith.constant 1 : i32
      %scan3A_320 = scf.for %scan3A_426 = %scan3A_316 to %scan3A_318 step %scan3A_319 iter_args(%scan3A_427 = %scan3A_315) -> (i32)  : i32 {
        %and3A_428 = arith.constant -16 : i32
        %and3A_429 = arith.andi %scan3A_426, %and3A_428 : i32
        %and3A_430 = arith.constant 15 : i32
        %and3A_431 = arith.andi %scan3A_426, %and3A_430 : i32
        %add3A_432 = arith.addi %mul3A_314, %and3A_429 : i32
        %get3A_433 = arith.index_cast %add3A_432 : i32 to index
        %get3A_434 = tpu.vector_load %arg12[%get3A_433] {strides = array<i32>} : memref<16528xi32, #tpu.memory_space<vmem>>, vector<16xi32>,
        %and3A_435 = arith.constant 511 : i32
        %and3A_436 = vector.broadcast %and3A_435 : i32 to vector<16xi32>
        %and3A_437 = arith.andi %get3A_434, %and3A_436 : vector<16xi32>
        %broadcast_in_dim3A_438 = vector.broadcast %and3A_431 : i32 to vector<16xi32>
        %lt3A = arith.constant 0 : i32
        %lt3A_439 = vector.broadcast %lt3A : i32 to vector<16xi32>
        %lt3A_440 = arith.cmpi slt, %broadcast_in_dim3A_438, %lt3A_439 : vector<16xi32>
        %add3A_441 = arith.constant 16 : i32
        %add3A_442 = vector.broadcast %add3A_441 : i32 to vector<16xi32>
        %add3A_443 = arith.addi %broadcast_in_dim3A_438, %add3A_442 : vector<16xi32>
        %select_n3A_444 = arith.select %lt3A_440, %add3A_443, %broadcast_in_dim3A_438 : vector<16xi1>, vector<16xi32>
        %broadcast_in_dim3A_445 = vector.shape_cast %select_n3A_444 : vector<16xi32> to vector<16x1xi32>
        %gather3A = vector.shape_cast %broadcast_in_dim3A_445 : vector<16x1xi32> to vector<16xi32>
        %gather3A_446 = tpu.dynamic_gather %and3A_437[%gather3A] in [0] : vector<16xi32>, vector<16xi32> -> vector<16xi32>
        %mul3A_447 = arith.constant 128 : i32
        %mul3A_448 = vector.broadcast %mul3A_447 : i32 to vector<16xi32>
        %mul3A_449 = arith.muli %gather3A_446, %mul3A_448 : vector<16xi32>
        %mul3A_450 = arith.constant 16 : i32
        %mul3A_451 = vector.broadcast %mul3A_450 : i32 to vector<16xi32>
        %mul3A_452 = arith.muli %gather3A_446, %mul3A_451 : vector<16xi32>
        %add3A_453 = arith.addi %mul3A_452, %iota3A : vector<16xi32>
        %gather3A_454 = tpu.vector_load_idx %arg22[%add3A_453] : memref<5136xf32, #tpu.memory_space<vmem>>[vector<16xi32>], vector<16xf32>,
        %add3A_455 = arith.constant 6.250000e-02 : f32
        %add3A_456 = vector.broadcast %add3A_455 : f32 to vector<16xf32>
        %add3A_457 = arith.addf %gather3A_454, %add3A_456 : vector<16xf32>
        tpu.vector_store_idx %arg22[%add3A_453], %add3A_457 : memref<5136xf32, #tpu.memory_space<vmem>>[vector<16xi32>], vector<16xf32>,
        %get3A_458 = arith.index_cast %scan3A_426 : i32 to index
        %get3A_459 = arith.constant 0 : index
        %get3A_460 = tpu.vector_load %arg15[%get3A_458, %get3A_459] {strides = array<i32>} : memref<64x128xf32, #tpu.memory_space<vmem>>, vector<16xf32>,
        %get3A_461 = arith.index_cast %scan3A_426 : i32 to index
        %get3A_462 = arith.constant 0 : index
        %get3A_463 = tpu.vector_load %arg16[%get3A_461, %get3A_462] {strides = array<i32>} : memref<64x256xf32, #tpu.memory_space<vmem>>, vector<16xf32>,
        %get3A_464 = arith.index_cast %scan3A_426 : i32 to index
        %get3A_465 = arith.constant 128 : index
        %get3A_466 = tpu.vector_load %arg16[%get3A_464, %get3A_465] {strides = array<i32>} : memref<64x256xf32, #tpu.memory_space<vmem>>, vector<16xf32>,
        %add3A_467 = arith.addi %mul3A_449, %add3A_96 : vector<16xi32>
        %gather3A_468 = tpu.vector_load_idx %arg21[%add3A_467] : memref<41088xf32, #tpu.memory_space<vmem>>[vector<16xi32>], vector<16xf32>,
        %add3A_469 = arith.addi %mul3A_449, %add3A_96 : vector<16xi32>
        %mul3A_470 = arith.mulf %get3A_466, %get3A_460 : vector<16xf32>
        %add3A_471 = arith.addf %mul3A_470, %get3A_463 : vector<16xf32>
        %max3A = arith.constant 0.000000e+00 : f32
        %max3A_472 = vector.broadcast %max3A : f32 to vector<16xf32>
        %max3A_473 = arith.maximumf %add3A_471, %max3A_472 : vector<16xf32>
        %add3A_474 = arith.addf %gather3A_468, %max3A_473 : vector<16xf32>
        tpu.vector_store_idx %arg21[%add3A_469], %add3A_474 : memref<41088xf32, #tpu.memory_space<vmem>>[vector<16xi32>], vector<16xf32>,
        %get3A_475 = arith.index_cast %scan3A_426 : i32 to index
        %get3A_476 = arith.constant 16 : index
        %get3A_477 = tpu.vector_load %arg15[%get3A_475, %get3A_476] {strides = array<i32>} : memref<64x128xf32, #tpu.memory_space<vmem>>, vector<16xf32>,
        %get3A_478 = arith.index_cast %scan3A_426 : i32 to index
        %get3A_479 = arith.constant 16 : index
        %get3A_480 = tpu.vector_load %arg16[%get3A_478, %get3A_479] {strides = array<i32>} : memref<64x256xf32, #tpu.memory_space<vmem>>, vector<16xf32>,
        %get3A_481 = arith.index_cast %scan3A_426 : i32 to index
        %get3A_482 = arith.constant 144 : index
        %get3A_483 = tpu.vector_load %arg16[%get3A_481, %get3A_482] {strides = array<i32>} : memref<64x256xf32, #tpu.memory_space<vmem>>, vector<16xf32>,
        %add3A_484 = arith.addi %mul3A_449, %add3A_100 : vector<16xi32>
        %gather3A_485 = tpu.vector_load_idx %arg21[%add3A_484] : memref<41088xf32, #tpu.memory_space<vmem>>[vector<16xi32>], vector<16xf32>,
        %add3A_486 = arith.addi %mul3A_449, %add3A_100 : vector<16xi32>
        %mul3A_487 = arith.mulf %get3A_483, %get3A_477 : vector<16xf32>
        %add3A_488 = arith.addf %mul3A_487, %get3A_480 : vector<16xf32>
        %max3A_489 = arith.constant 0.000000e+00 : f32
        %max3A_490 = vector.broadcast %max3A_489 : f32 to vector<16xf32>
        %max3A_491 = arith.maximumf %add3A_488, %max3A_490 : vector<16xf32>
        %add3A_492 = arith.addf %gather3A_485, %max3A_491 : vector<16xf32>
        tpu.vector_store_idx %arg21[%add3A_486], %add3A_492 : memref<41088xf32, #tpu.memory_space<vmem>>[vector<16xi32>], vector<16xf32>,
        %get3A_493 = arith.index_cast %scan3A_426 : i32 to index
        %get3A_494 = arith.constant 32 : index
        %get3A_495 = tpu.vector_load %arg15[%get3A_493, %get3A_494] {strides = array<i32>} : memref<64x128xf32, #tpu.memory_space<vmem>>, vector<16xf32>,
        %get3A_496 = arith.index_cast %scan3A_426 : i32 to index
        %get3A_497 = arith.constant 32 : index
        %get3A_498 = tpu.vector_load %arg16[%get3A_496, %get3A_497] {strides = array<i32>} : memref<64x256xf32, #tpu.memory_space<vmem>>, vector<16xf32>,
        %get3A_499 = arith.index_cast %scan3A_426 : i32 to index
        %get3A_500 = arith.constant 160 : index
        %get3A_501 = tpu.vector_load %arg16[%get3A_499, %get3A_500] {strides = array<i32>} : memref<64x256xf32, #tpu.memory_space<vmem>>, vector<16xf32>,
        %add3A_502 = arith.addi %mul3A_449, %add3A_104 : vector<16xi32>
        %gather3A_503 = tpu.vector_load_idx %arg21[%add3A_502] : memref<41088xf32, #tpu.memory_space<vmem>>[vector<16xi32>], vector<16xf32>,
        %add3A_504 = arith.addi %mul3A_449, %add3A_104 : vector<16xi32>
        %mul3A_505 = arith.mulf %get3A_501, %get3A_495 : vector<16xf32>
        %add3A_506 = arith.addf %mul3A_505, %get3A_498 : vector<16xf32>
        %max3A_507 = arith.constant 0.000000e+00 : f32
        %max3A_508 = vector.broadcast %max3A_507 : f32 to vector<16xf32>
        %max3A_509 = arith.maximumf %add3A_506, %max3A_508 : vector<16xf32>
        %add3A_510 = arith.addf %gather3A_503, %max3A_509 : vector<16xf32>
        tpu.vector_store_idx %arg21[%add3A_504], %add3A_510 : memref<41088xf32, #tpu.memory_space<vmem>>[vector<16xi32>], vector<16xf32>,
        %get3A_511 = arith.index_cast %scan3A_426 : i32 to index
        %get3A_512 = arith.constant 48 : index
        %get3A_513 = tpu.vector_load %arg15[%get3A_511, %get3A_512] {strides = array<i32>} : memref<64x128xf32, #tpu.memory_space<vmem>>, vector<16xf32>,
        %get3A_514 = arith.index_cast %scan3A_426 : i32 to index
        %get3A_515 = arith.constant 48 : index
        %get3A_516 = tpu.vector_load %arg16[%get3A_514, %get3A_515] {strides = array<i32>} : memref<64x256xf32, #tpu.memory_space<vmem>>, vector<16xf32>,
        %get3A_517 = arith.index_cast %scan3A_426 : i32 to index
        %get3A_518 = arith.constant 176 : index
        %get3A_519 = tpu.vector_load %arg16[%get3A_517, %get3A_518] {strides = array<i32>} : memref<64x256xf32, #tpu.memory_space<vmem>>, vector<16xf32>,
        %add3A_520 = arith.addi %mul3A_449, %add3A_108 : vector<16xi32>
        %gather3A_521 = tpu.vector_load_idx %arg21[%add3A_520] : memref<41088xf32, #tpu.memory_space<vmem>>[vector<16xi32>], vector<16xf32>,
        %add3A_522 = arith.addi %mul3A_449, %add3A_108 : vector<16xi32>
        %mul3A_523 = arith.mulf %get3A_519, %get3A_513 : vector<16xf32>
        %add3A_524 = arith.addf %mul3A_523, %get3A_516 : vector<16xf32>
        %max3A_525 = arith.constant 0.000000e+00 : f32
        %max3A_526 = vector.broadcast %max3A_525 : f32 to vector<16xf32>
        %max3A_527 = arith.maximumf %add3A_524, %max3A_526 : vector<16xf32>
        %add3A_528 = arith.addf %gather3A_521, %max3A_527 : vector<16xf32>
        tpu.vector_store_idx %arg21[%add3A_522], %add3A_528 : memref<41088xf32, #tpu.memory_space<vmem>>[vector<16xi32>], vector<16xf32>,
        %get3A_529 = arith.index_cast %scan3A_426 : i32 to index
        %get3A_530 = arith.constant 64 : index
        %get3A_531 = tpu.vector_load %arg15[%get3A_529, %get3A_530] {strides = array<i32>} : memref<64x128xf32, #tpu.memory_space<vmem>>, vector<16xf32>,
        %get3A_532 = arith.index_cast %scan3A_426 : i32 to index
        %get3A_533 = arith.constant 64 : index
        %get3A_534 = tpu.vector_load %arg16[%get3A_532, %get3A_533] {strides = array<i32>} : memref<64x256xf32, #tpu.memory_space<vmem>>, vector<16xf32>,
        %get3A_535 = arith.index_cast %scan3A_426 : i32 to index
        %get3A_536 = arith.constant 192 : index
        %get3A_537 = tpu.vector_load %arg16[%get3A_535, %get3A_536] {strides = array<i32>} : memref<64x256xf32, #tpu.memory_space<vmem>>, vector<16xf32>,
        %add3A_538 = arith.addi %mul3A_449, %add3A_112 : vector<16xi32>
        %gather3A_539 = tpu.vector_load_idx %arg21[%add3A_538] : memref<41088xf32, #tpu.memory_space<vmem>>[vector<16xi32>], vector<16xf32>,
        %add3A_540 = arith.addi %mul3A_449, %add3A_112 : vector<16xi32>
        %mul3A_541 = arith.mulf %get3A_537, %get3A_531 : vector<16xf32>
        %add3A_542 = arith.addf %mul3A_541, %get3A_534 : vector<16xf32>
        %max3A_543 = arith.constant 0.000000e+00 : f32
        %max3A_544 = vector.broadcast %max3A_543 : f32 to vector<16xf32>
        %max3A_545 = arith.maximumf %add3A_542, %max3A_544 : vector<16xf32>
        %add3A_546 = arith.addf %gather3A_539, %max3A_545 : vector<16xf32>
        tpu.vector_store_idx %arg21[%add3A_540], %add3A_546 : memref<41088xf32, #tpu.memory_space<vmem>>[vector<16xi32>], vector<16xf32>,
        %get3A_547 = arith.index_cast %scan3A_426 : i32 to index
        %get3A_548 = arith.constant 80 : index
        %get3A_549 = tpu.vector_load %arg15[%get3A_547, %get3A_548] {strides = array<i32>} : memref<64x128xf32, #tpu.memory_space<vmem>>, vector<16xf32>,
        %get3A_550 = arith.index_cast %scan3A_426 : i32 to index
        %get3A_551 = arith.constant 80 : index
        %get3A_552 = tpu.vector_load %arg16[%get3A_550, %get3A_551] {strides = array<i32>} : memref<64x256xf32, #tpu.memory_space<vmem>>, vector<16xf32>,
        %get3A_553 = arith.index_cast %scan3A_426 : i32 to index
        %get3A_554 = arith.constant 208 : index
        %get3A_555 = tpu.vector_load %arg16[%get3A_553, %get3A_554] {strides = array<i32>} : memref<64x256xf32, #tpu.memory_space<vmem>>, vector<16xf32>,
        %add3A_556 = arith.addi %mul3A_449, %add3A_116 : vector<16xi32>
        %gather3A_557 = tpu.vector_load_idx %arg21[%add3A_556] : memref<41088xf32, #tpu.memory_space<vmem>>[vector<16xi32>], vector<16xf32>,
        %add3A_558 = arith.addi %mul3A_449, %add3A_116 : vector<16xi32>
        %mul3A_559 = arith.mulf %get3A_555, %get3A_549 : vector<16xf32>
        %add3A_560 = arith.addf %mul3A_559, %get3A_552 : vector<16xf32>
        %max3A_561 = arith.constant 0.000000e+00 : f32
        %max3A_562 = vector.broadcast %max3A_561 : f32 to vector<16xf32>
        %max3A_563 = arith.maximumf %add3A_560, %max3A_562 : vector<16xf32>
        %add3A_564 = arith.addf %gather3A_557, %max3A_563 : vector<16xf32>
        tpu.vector_store_idx %arg21[%add3A_558], %add3A_564 : memref<41088xf32, #tpu.memory_space<vmem>>[vector<16xi32>], vector<16xf32>,
        %get3A_565 = arith.index_cast %scan3A_426 : i32 to index
        %get3A_566 = arith.constant 96 : index
        %get3A_567 = tpu.vector_load %arg15[%get3A_565, %get3A_566] {strides = array<i32>} : memref<64x128xf32, #tpu.memory_space<vmem>>, vector<16xf32>,
        %get3A_568 = arith.index_cast %scan3A_426 : i32 to index
        %get3A_569 = arith.constant 96 : index
        %get3A_570 = tpu.vector_load %arg16[%get3A_568, %get3A_569] {strides = array<i32>} : memref<64x256xf32, #tpu.memory_space<vmem>>, vector<16xf32>,
        %get3A_571 = arith.index_cast %scan3A_426 : i32 to index
        %get3A_572 = arith.constant 224 : index
        %get3A_573 = tpu.vector_load %arg16[%get3A_571, %get3A_572] {strides = array<i32>} : memref<64x256xf32, #tpu.memory_space<vmem>>, vector<16xf32>,
        %add3A_574 = arith.addi %mul3A_449, %add3A_120 : vector<16xi32>
        %gather3A_575 = tpu.vector_load_idx %arg21[%add3A_574] : memref<41088xf32, #tpu.memory_space<vmem>>[vector<16xi32>], vector<16xf32>,
        %add3A_576 = arith.addi %mul3A_449, %add3A_120 : vector<16xi32>
        %mul3A_577 = arith.mulf %get3A_573, %get3A_567 : vector<16xf32>
        %add3A_578 = arith.addf %mul3A_577, %get3A_570 : vector<16xf32>
        %max3A_579 = arith.constant 0.000000e+00 : f32
        %max3A_580 = vector.broadcast %max3A_579 : f32 to vector<16xf32>
        %max3A_581 = arith.maximumf %add3A_578, %max3A_580 : vector<16xf32>
        %add3A_582 = arith.addf %gather3A_575, %max3A_581 : vector<16xf32>
        tpu.vector_store_idx %arg21[%add3A_576], %add3A_582 : memref<41088xf32, #tpu.memory_space<vmem>>[vector<16xi32>], vector<16xf32>,
        %get3A_583 = arith.index_cast %scan3A_426 : i32 to index
        %get3A_584 = arith.constant 112 : index
        %get3A_585 = tpu.vector_load %arg15[%get3A_583, %get3A_584] {strides = array<i32>} : memref<64x128xf32, #tpu.memory_space<vmem>>, vector<16xf32>,
        %get3A_586 = arith.index_cast %scan3A_426 : i32 to index
        %get3A_587 = arith.constant 112 : index
        %get3A_588 = tpu.vector_load %arg16[%get3A_586, %get3A_587] {strides = array<i32>} : memref<64x256xf32, #tpu.memory_space<vmem>>, vector<16xf32>,
        %get3A_589 = arith.index_cast %scan3A_426 : i32 to index
        %get3A_590 = arith.constant 240 : index
        %get3A_591 = tpu.vector_load %arg16[%get3A_589, %get3A_590] {strides = array<i32>} : memref<64x256xf32, #tpu.memory_space<vmem>>, vector<16xf32>,
        %add3A_592 = arith.addi %mul3A_449, %add3A_124 : vector<16xi32>
        %gather3A_593 = tpu.vector_load_idx %arg21[%add3A_592] : memref<41088xf32, #tpu.memory_space<vmem>>[vector<16xi32>], vector<16xf32>,
        %add3A_594 = arith.addi %mul3A_449, %add3A_124 : vector<16xi32>
        %mul3A_595 = arith.mulf %get3A_591, %get3A_585 : vector<16xf32>
        %add3A_596 = arith.addf %mul3A_595, %get3A_588 : vector<16xf32>
        %max3A_597 = arith.constant 0.000000e+00 : f32
        %max3A_598 = vector.broadcast %max3A_597 : f32 to vector<16xf32>
        %max3A_599 = arith.maximumf %add3A_596, %max3A_598 : vector<16xf32>
        %add3A_600 = arith.addf %gather3A_593, %max3A_599 : vector<16xf32>
        tpu.vector_store_idx %arg21[%add3A_594], %add3A_600 : memref<41088xf32, #tpu.memory_space<vmem>>[vector<16xi32>], vector<16xf32>,
        %scan3A_601 = arith.constant 0 : i32
        scf.yield %scan3A_601 : i32
      }
      %scan3A_321 = arith.constant 64 : i32
      %add3A_322 = arith.constant 2 : i32
      %add3A_323 = arith.addi %mul3A_220, %add3A_322 : i32
      %mul3A_324 = arith.constant 64 : i32
      %mul3A_325 = arith.muli %add3A_323, %mul3A_324 : i32
      %add3A_326 = arith.constant 0 : i32
      %add3A_327 = arith.addi %mul3A_325, %add3A_326 : i32
      %get3A_328 = arith.index_cast %add3A_327 : i32 to index
      %get3A_329 = tpu.vector_load %arg12[%get3A_328] {strides = array<i32>} : memref<16528xi32, #tpu.memory_space<vmem>>, vector<16xi32>,
      %and3A_330 = arith.constant 511 : i32
      %and3A_331 = vector.broadcast %and3A_330 : i32 to vector<16xi32>
      %and3A_332 = arith.andi %get3A_329, %and3A_331 : vector<16xi32>
      %shift_right_arithmetic3A_333 = arith.constant 9 : i32
      %shift_right_arithmetic3A_334 = vector.broadcast %shift_right_arithmetic3A_333 : i32 to vector<16xi32>
      %shift_right_arithmetic3A_335 = arith.shrsi %get3A_329, %shift_right_arithmetic3A_334 : vector<16xi32>
      %swap3A_336 = arith.constant 0 : index
      %swap3A_337 = tpu.vector_load %arg13[%swap3A_336] {strides = array<i32>} : memref<64xi32, #tpu.memory_space<vmem>>, vector<16xi32>,
      tpu.vector_store %arg13[%swap3A_336], %shift_right_arithmetic3A_335 {strides = array<i32>} : memref<64xi32, #tpu.memory_space<vmem>>, vector<16xi32>,
      %add3A_338 = vector.broadcast %mul3A_2 : i32 to vector<16xi32>
      %add3A_339 = arith.addi %and3A_332, %add3A_338 : vector<16xi32>
      %min3A_340 = arith.constant 9999 : i32
      %min3A_341 = vector.broadcast %min3A_340 : i32 to vector<16xi32>
      %min3A_342 = arith.minsi %add3A_339, %min3A_341 : vector<16xi32>
      %swap3A_343 = arith.constant 0 : index
      %swap3A_344 = tpu.vector_load %arg14[%swap3A_343] {strides = array<i32>} : memref<64xi32, #tpu.memory_space<vmem>>, vector<16xi32>,
      tpu.vector_store %arg14[%swap3A_343], %min3A_342 {strides = array<i32>} : memref<64xi32, #tpu.memory_space<vmem>>, vector<16xi32>,
      %add3A_345 = arith.constant 16 : i32
      %add3A_346 = arith.addi %mul3A_325, %add3A_345 : i32
      %get3A_347 = arith.index_cast %add3A_346 : i32 to index
      %get3A_348 = tpu.vector_load %arg12[%get3A_347] {strides = array<i32>} : memref<16528xi32, #tpu.memory_space<vmem>>, vector<16xi32>,
      %and3A_349 = arith.constant 511 : i32
      %and3A_350 = vector.broadcast %and3A_349 : i32 to vector<16xi32>
      %and3A_351 = arith.andi %get3A_348, %and3A_350 : vector<16xi32>
      %shift_right_arithmetic3A_352 = arith.constant 9 : i32
      %shift_right_arithmetic3A_353 = vector.broadcast %shift_right_arithmetic3A_352 : i32 to vector<16xi32>
      %shift_right_arithmetic3A_354 = arith.shrsi %get3A_348, %shift_right_arithmetic3A_353 : vector<16xi32>
      %swap3A_355 = arith.constant 16 : index
      %swap3A_356 = tpu.vector_load %arg13[%swap3A_355] {strides = array<i32>} : memref<64xi32, #tpu.memory_space<vmem>>, vector<16xi32>,
      tpu.vector_store %arg13[%swap3A_355], %shift_right_arithmetic3A_354 {strides = array<i32>} : memref<64xi32, #tpu.memory_space<vmem>>, vector<16xi32>,
      %add3A_357 = vector.broadcast %mul3A_2 : i32 to vector<16xi32>
      %add3A_358 = arith.addi %and3A_351, %add3A_357 : vector<16xi32>
      %min3A_359 = arith.constant 9999 : i32
      %min3A_360 = vector.broadcast %min3A_359 : i32 to vector<16xi32>
      %min3A_361 = arith.minsi %add3A_358, %min3A_360 : vector<16xi32>
      %swap3A_362 = arith.constant 16 : index
      %swap3A_363 = tpu.vector_load %arg14[%swap3A_362] {strides = array<i32>} : memref<64xi32, #tpu.memory_space<vmem>>, vector<16xi32>,
      tpu.vector_store %arg14[%swap3A_362], %min3A_361 {strides = array<i32>} : memref<64xi32, #tpu.memory_space<vmem>>, vector<16xi32>,
      %add3A_364 = arith.constant 32 : i32
      %add3A_365 = arith.addi %mul3A_325, %add3A_364 : i32
      %get3A_366 = arith.index_cast %add3A_365 : i32 to index
      %get3A_367 = tpu.vector_load %arg12[%get3A_366] {strides = array<i32>} : memref<16528xi32, #tpu.memory_space<vmem>>, vector<16xi32>,
      %and3A_368 = arith.constant 511 : i32
      %and3A_369 = vector.broadcast %and3A_368 : i32 to vector<16xi32>
      %and3A_370 = arith.andi %get3A_367, %and3A_369 : vector<16xi32>
      %shift_right_arithmetic3A_371 = arith.constant 9 : i32
      %shift_right_arithmetic3A_372 = vector.broadcast %shift_right_arithmetic3A_371 : i32 to vector<16xi32>
      %shift_right_arithmetic3A_373 = arith.shrsi %get3A_367, %shift_right_arithmetic3A_372 : vector<16xi32>
      %swap3A_374 = arith.constant 32 : index
      %swap3A_375 = tpu.vector_load %arg13[%swap3A_374] {strides = array<i32>} : memref<64xi32, #tpu.memory_space<vmem>>, vector<16xi32>,
      tpu.vector_store %arg13[%swap3A_374], %shift_right_arithmetic3A_373 {strides = array<i32>} : memref<64xi32, #tpu.memory_space<vmem>>, vector<16xi32>,
      %add3A_376 = vector.broadcast %mul3A_2 : i32 to vector<16xi32>
      %add3A_377 = arith.addi %and3A_370, %add3A_376 : vector<16xi32>
      %min3A_378 = arith.constant 9999 : i32
      %min3A_379 = vector.broadcast %min3A_378 : i32 to vector<16xi32>
      %min3A_380 = arith.minsi %add3A_377, %min3A_379 : vector<16xi32>
      %swap3A_381 = arith.constant 32 : index
      %swap3A_382 = tpu.vector_load %arg14[%swap3A_381] {strides = array<i32>} : memref<64xi32, #tpu.memory_space<vmem>>, vector<16xi32>,
      tpu.vector_store %arg14[%swap3A_381], %min3A_380 {strides = array<i32>} : memref<64xi32, #tpu.memory_space<vmem>>, vector<16xi32>,
      %add3A_383 = arith.constant 48 : i32
      %add3A_384 = arith.addi %mul3A_325, %add3A_383 : i32
      %get3A_385 = arith.index_cast %add3A_384 : i32 to index
      %get3A_386 = tpu.vector_load %arg12[%get3A_385] {strides = array<i32>} : memref<16528xi32, #tpu.memory_space<vmem>>, vector<16xi32>,
      %and3A_387 = arith.constant 511 : i32
      %and3A_388 = vector.broadcast %and3A_387 : i32 to vector<16xi32>
      %and3A_389 = arith.andi %get3A_386, %and3A_388 : vector<16xi32>
      %shift_right_arithmetic3A_390 = arith.constant 9 : i32
      %shift_right_arithmetic3A_391 = vector.broadcast %shift_right_arithmetic3A_390 : i32 to vector<16xi32>
      %shift_right_arithmetic3A_392 = arith.shrsi %get3A_386, %shift_right_arithmetic3A_391 : vector<16xi32>
      %swap3A_393 = arith.constant 48 : index
      %swap3A_394 = tpu.vector_load %arg13[%swap3A_393] {strides = array<i32>} : memref<64xi32, #tpu.memory_space<vmem>>, vector<16xi32>,
      tpu.vector_store %arg13[%swap3A_393], %shift_right_arithmetic3A_392 {strides = array<i32>} : memref<64xi32, #tpu.memory_space<vmem>>, vector<16xi32>,
      %add3A_395 = vector.broadcast %mul3A_2 : i32 to vector<16xi32>
      %add3A_396 = arith.addi %and3A_389, %add3A_395 : vector<16xi32>
      %min3A_397 = arith.constant 9999 : i32
      %min3A_398 = vector.broadcast %min3A_397 : i32 to vector<16xi32>
      %min3A_399 = arith.minsi %add3A_396, %min3A_398 : vector<16xi32>
      %swap3A_400 = arith.constant 48 : index
      %swap3A_401 = tpu.vector_load %arg14[%swap3A_400] {strides = array<i32>} : memref<64xi32, #tpu.memory_space<vmem>>, vector<16xi32>,
      tpu.vector_store %arg14[%swap3A_400], %min3A_399 {strides = array<i32>} : memref<64xi32, #tpu.memory_space<vmem>>, vector<16xi32>,
      %dma_start3A_402 = arith.constant 0 : i32
      %dma_start3A_403 = arith.constant 0 : i32
      %dma_start3A_404 = tpu.memref_slice %arg2[%dma_start3A_402, %dma_start3A_403] : memref<10000x128xf32, #tpu.memory_space<hbm>> -> memref<10000x128xf32, #tpu.memory_space<hbm>>
      tpu.enqueue_indirect_dma source(%dma_start3A_404 : memref<10000x128xf32, #tpu.memory_space<hbm>>) target(%arg15 : memref<64x128xf32, #tpu.memory_space<vmem>>) offsets(%arg13 : memref<64xi32, #tpu.memory_space<vmem>>) semaphore(%arg23 : memref<!tpu.dma_semaphore, #tpu.memory_space<semaphore_mem>>)
      %dma_start3A_405 = arith.constant 0 : i32
      %dma_start3A_406 = arith.constant 0 : i32
      %dma_start3A_407 = tpu.memref_slice %arg3[%dma_start3A_405, %dma_start3A_406] : memref<10000x256xf32, #tpu.memory_space<hbm>> -> memref<10000x256xf32, #tpu.memory_space<hbm>>
      tpu.enqueue_indirect_dma source(%dma_start3A_407 : memref<10000x256xf32, #tpu.memory_space<hbm>>) target(%arg16 : memref<64x256xf32, #tpu.memory_space<vmem>>) offsets(%arg14 : memref<64xi32, #tpu.memory_space<vmem>>) semaphore(%arg24 : memref<!tpu.dma_semaphore, #tpu.memory_space<semaphore_mem>>)
      %dma_wait3A_408 = arith.constant 0 : i32
      %dma_wait3A_409 = arith.constant 0 : i32
      %dma_wait3A_410 = tpu.memref_slice %arg2[%dma_wait3A_408, %dma_wait3A_409] : memref<10000x128xf32, #tpu.memory_space<hbm>> -> memref<10000x128xf32, #tpu.memory_space<hbm>>
      tpu.wait_indirect_dma semaphore(%arg25 : memref<!tpu.dma_semaphore, #tpu.memory_space<semaphore_mem>>) src(%dma_wait3A_410 : memref<10000x128xf32, #tpu.memory_space<hbm>>) dst(%arg19 : memref<64x128xf32, #tpu.memory_space<vmem>>)
      %dma_wait3A_411 = arith.constant 0 : i32
      %dma_wait3A_412 = arith.constant 0 : i32
      %dma_wait3A_413 = tpu.memref_slice %arg3[%dma_wait3A_411, %dma_wait3A_412] : memref<10000x256xf32, #tpu.memory_space<hbm>> -> memref<10000x256xf32, #tpu.memory_space<hbm>>
      tpu.wait_indirect_dma semaphore(%arg26 : memref<!tpu.dma_semaphore, #tpu.memory_space<semaphore_mem>>) src(%dma_wait3A_413 : memref<10000x256xf32, #tpu.memory_space<hbm>>) dst(%arg20 : memref<64x256xf32, #tpu.memory_space<vmem>>)
      %add3A_414 = arith.constant 1 : i32
      %add3A_415 = arith.addi %mul3A_220, %add3A_414 : i32
      %mul3A_416 = arith.constant 64 : i32
      %mul3A_417 = arith.muli %add3A_415, %mul3A_416 : i32
      %scan3A_418 = arith.constant 0 : i32
      %scan3A_419 = arith.constant 0 : i32
      %scan3A_420 = arith.constant 64 : i32
      %scan3A_421 = arith.addi %scan3A_419, %scan3A_420 : i32
      %scan3A_422 = arith.constant 1 : i32
      %scan3A_423 = scf.for %scan3A_426 = %scan3A_419 to %scan3A_421 step %scan3A_422 iter_args(%scan3A_427 = %scan3A_418) -> (i32)  : i32 {
        %and3A_428 = arith.constant -16 : i32
        %and3A_429 = arith.andi %scan3A_426, %and3A_428 : i32
        %and3A_430 = arith.constant 15 : i32
        %and3A_431 = arith.andi %scan3A_426, %and3A_430 : i32
        %add3A_432 = arith.addi %mul3A_417, %and3A_429 : i32
        %get3A_433 = arith.index_cast %add3A_432 : i32 to index
        %get3A_434 = tpu.vector_load %arg12[%get3A_433] {strides = array<i32>} : memref<16528xi32, #tpu.memory_space<vmem>>, vector<16xi32>,
        %and3A_435 = arith.constant 511 : i32
        %and3A_436 = vector.broadcast %and3A_435 : i32 to vector<16xi32>
        %and3A_437 = arith.andi %get3A_434, %and3A_436 : vector<16xi32>
        %broadcast_in_dim3A_438 = vector.broadcast %and3A_431 : i32 to vector<16xi32>
        %lt3A = arith.constant 0 : i32
        %lt3A_439 = vector.broadcast %lt3A : i32 to vector<16xi32>
        %lt3A_440 = arith.cmpi slt, %broadcast_in_dim3A_438, %lt3A_439 : vector<16xi32>
        %add3A_441 = arith.constant 16 : i32
        %add3A_442 = vector.broadcast %add3A_441 : i32 to vector<16xi32>
        %add3A_443 = arith.addi %broadcast_in_dim3A_438, %add3A_442 : vector<16xi32>
        %select_n3A_444 = arith.select %lt3A_440, %add3A_443, %broadcast_in_dim3A_438 : vector<16xi1>, vector<16xi32>
        %broadcast_in_dim3A_445 = vector.shape_cast %select_n3A_444 : vector<16xi32> to vector<16x1xi32>
        %gather3A = vector.shape_cast %broadcast_in_dim3A_445 : vector<16x1xi32> to vector<16xi32>
        %gather3A_446 = tpu.dynamic_gather %and3A_437[%gather3A] in [0] : vector<16xi32>, vector<16xi32> -> vector<16xi32>
        %mul3A_447 = arith.constant 128 : i32
        %mul3A_448 = vector.broadcast %mul3A_447 : i32 to vector<16xi32>
        %mul3A_449 = arith.muli %gather3A_446, %mul3A_448 : vector<16xi32>
        %mul3A_450 = arith.constant 16 : i32
        %mul3A_451 = vector.broadcast %mul3A_450 : i32 to vector<16xi32>
        %mul3A_452 = arith.muli %gather3A_446, %mul3A_451 : vector<16xi32>
        %add3A_453 = arith.addi %mul3A_452, %iota3A : vector<16xi32>
        %gather3A_454 = tpu.vector_load_idx %arg22[%add3A_453] : memref<5136xf32, #tpu.memory_space<vmem>>[vector<16xi32>], vector<16xf32>,
        %add3A_455 = arith.constant 6.250000e-02 : f32
        %add3A_456 = vector.broadcast %add3A_455 : f32 to vector<16xf32>
        %add3A_457 = arith.addf %gather3A_454, %add3A_456 : vector<16xf32>
        tpu.vector_store_idx %arg22[%add3A_453], %add3A_457 : memref<5136xf32, #tpu.memory_space<vmem>>[vector<16xi32>], vector<16xf32>,
        %get3A_458 = arith.index_cast %scan3A_426 : i32 to index
        %get3A_459 = arith.constant 0 : index
        %get3A_460 = tpu.vector_load %arg19[%get3A_458, %get3A_459] {strides = array<i32>} : memref<64x128xf32, #tpu.memory_space<vmem>>, vector<16xf32>,
        %get3A_461 = arith.index_cast %scan3A_426 : i32 to index
        %get3A_462 = arith.constant 0 : index
        %get3A_463 = tpu.vector_load %arg20[%get3A_461, %get3A_462] {strides = array<i32>} : memref<64x256xf32, #tpu.memory_space<vmem>>, vector<16xf32>,
        %get3A_464 = arith.index_cast %scan3A_426 : i32 to index
        %get3A_465 = arith.constant 128 : index
        %get3A_466 = tpu.vector_load %arg20[%get3A_464, %get3A_465] {strides = array<i32>} : memref<64x256xf32, #tpu.memory_space<vmem>>, vector<16xf32>,
        %add3A_467 = arith.addi %mul3A_449, %add3A_96 : vector<16xi32>
        %gather3A_468 = tpu.vector_load_idx %arg21[%add3A_467] : memref<41088xf32, #tpu.memory_space<vmem>>[vector<16xi32>], vector<16xf32>,
        %add3A_469 = arith.addi %mul3A_449, %add3A_96 : vector<16xi32>
        %mul3A_470 = arith.mulf %get3A_466, %get3A_460 : vector<16xf32>
        %add3A_471 = arith.addf %mul3A_470, %get3A_463 : vector<16xf32>
        %max3A = arith.constant 0.000000e+00 : f32
        %max3A_472 = vector.broadcast %max3A : f32 to vector<16xf32>
        %max3A_473 = arith.maximumf %add3A_471, %max3A_472 : vector<16xf32>
        %add3A_474 = arith.addf %gather3A_468, %max3A_473 : vector<16xf32>
        tpu.vector_store_idx %arg21[%add3A_469], %add3A_474 : memref<41088xf32, #tpu.memory_space<vmem>>[vector<16xi32>], vector<16xf32>,
        %get3A_475 = arith.index_cast %scan3A_426 : i32 to index
        %get3A_476 = arith.constant 16 : index
        %get3A_477 = tpu.vector_load %arg19[%get3A_475, %get3A_476] {strides = array<i32>} : memref<64x128xf32, #tpu.memory_space<vmem>>, vector<16xf32>,
        %get3A_478 = arith.index_cast %scan3A_426 : i32 to index
        %get3A_479 = arith.constant 16 : index
        %get3A_480 = tpu.vector_load %arg20[%get3A_478, %get3A_479] {strides = array<i32>} : memref<64x256xf32, #tpu.memory_space<vmem>>, vector<16xf32>,
        %get3A_481 = arith.index_cast %scan3A_426 : i32 to index
        %get3A_482 = arith.constant 144 : index
        %get3A_483 = tpu.vector_load %arg20[%get3A_481, %get3A_482] {strides = array<i32>} : memref<64x256xf32, #tpu.memory_space<vmem>>, vector<16xf32>,
        %add3A_484 = arith.addi %mul3A_449, %add3A_100 : vector<16xi32>
        %gather3A_485 = tpu.vector_load_idx %arg21[%add3A_484] : memref<41088xf32, #tpu.memory_space<vmem>>[vector<16xi32>], vector<16xf32>,
        %add3A_486 = arith.addi %mul3A_449, %add3A_100 : vector<16xi32>
        %mul3A_487 = arith.mulf %get3A_483, %get3A_477 : vector<16xf32>
        %add3A_488 = arith.addf %mul3A_487, %get3A_480 : vector<16xf32>
        %max3A_489 = arith.constant 0.000000e+00 : f32
        %max3A_490 = vector.broadcast %max3A_489 : f32 to vector<16xf32>
        %max3A_491 = arith.maximumf %add3A_488, %max3A_490 : vector<16xf32>
        %add3A_492 = arith.addf %gather3A_485, %max3A_491 : vector<16xf32>
        tpu.vector_store_idx %arg21[%add3A_486], %add3A_492 : memref<41088xf32, #tpu.memory_space<vmem>>[vector<16xi32>], vector<16xf32>,
        %get3A_493 = arith.index_cast %scan3A_426 : i32 to index
        %get3A_494 = arith.constant 32 : index
        %get3A_495 = tpu.vector_load %arg19[%get3A_493, %get3A_494] {strides = array<i32>} : memref<64x128xf32, #tpu.memory_space<vmem>>, vector<16xf32>,
        %get3A_496 = arith.index_cast %scan3A_426 : i32 to index
        %get3A_497 = arith.constant 32 : index
        %get3A_498 = tpu.vector_load %arg20[%get3A_496, %get3A_497] {strides = array<i32>} : memref<64x256xf32, #tpu.memory_space<vmem>>, vector<16xf32>,
        %get3A_499 = arith.index_cast %scan3A_426 : i32 to index
        %get3A_500 = arith.constant 160 : index
        %get3A_501 = tpu.vector_load %arg20[%get3A_499, %get3A_500] {strides = array<i32>} : memref<64x256xf32, #tpu.memory_space<vmem>>, vector<16xf32>,
        %add3A_502 = arith.addi %mul3A_449, %add3A_104 : vector<16xi32>
        %gather3A_503 = tpu.vector_load_idx %arg21[%add3A_502] : memref<41088xf32, #tpu.memory_space<vmem>>[vector<16xi32>], vector<16xf32>,
        %add3A_504 = arith.addi %mul3A_449, %add3A_104 : vector<16xi32>
        %mul3A_505 = arith.mulf %get3A_501, %get3A_495 : vector<16xf32>
        %add3A_506 = arith.addf %mul3A_505, %get3A_498 : vector<16xf32>
        %max3A_507 = arith.constant 0.000000e+00 : f32
        %max3A_508 = vector.broadcast %max3A_507 : f32 to vector<16xf32>
        %max3A_509 = arith.maximumf %add3A_506, %max3A_508 : vector<16xf32>
        %add3A_510 = arith.addf %gather3A_503, %max3A_509 : vector<16xf32>
        tpu.vector_store_idx %arg21[%add3A_504], %add3A_510 : memref<41088xf32, #tpu.memory_space<vmem>>[vector<16xi32>], vector<16xf32>,
        %get3A_511 = arith.index_cast %scan3A_426 : i32 to index
        %get3A_512 = arith.constant 48 : index
        %get3A_513 = tpu.vector_load %arg19[%get3A_511, %get3A_512] {strides = array<i32>} : memref<64x128xf32, #tpu.memory_space<vmem>>, vector<16xf32>,
        %get3A_514 = arith.index_cast %scan3A_426 : i32 to index
        %get3A_515 = arith.constant 48 : index
        %get3A_516 = tpu.vector_load %arg20[%get3A_514, %get3A_515] {strides = array<i32>} : memref<64x256xf32, #tpu.memory_space<vmem>>, vector<16xf32>,
        %get3A_517 = arith.index_cast %scan3A_426 : i32 to index
        %get3A_518 = arith.constant 176 : index
        %get3A_519 = tpu.vector_load %arg20[%get3A_517, %get3A_518] {strides = array<i32>} : memref<64x256xf32, #tpu.memory_space<vmem>>, vector<16xf32>,
        %add3A_520 = arith.addi %mul3A_449, %add3A_108 : vector<16xi32>
        %gather3A_521 = tpu.vector_load_idx %arg21[%add3A_520] : memref<41088xf32, #tpu.memory_space<vmem>>[vector<16xi32>], vector<16xf32>,
        %add3A_522 = arith.addi %mul3A_449, %add3A_108 : vector<16xi32>
        %mul3A_523 = arith.mulf %get3A_519, %get3A_513 : vector<16xf32>
        %add3A_524 = arith.addf %mul3A_523, %get3A_516 : vector<16xf32>
        %max3A_525 = arith.constant 0.000000e+00 : f32
        %max3A_526 = vector.broadcast %max3A_525 : f32 to vector<16xf32>
        %max3A_527 = arith.maximumf %add3A_524, %max3A_526 : vector<16xf32>
        %add3A_528 = arith.addf %gather3A_521, %max3A_527 : vector<16xf32>
        tpu.vector_store_idx %arg21[%add3A_522], %add3A_528 : memref<41088xf32, #tpu.memory_space<vmem>>[vector<16xi32>], vector<16xf32>,
        %get3A_529 = arith.index_cast %scan3A_426 : i32 to index
        %get3A_530 = arith.constant 64 : index
        %get3A_531 = tpu.vector_load %arg19[%get3A_529, %get3A_530] {strides = array<i32>} : memref<64x128xf32, #tpu.memory_space<vmem>>, vector<16xf32>,
        %get3A_532 = arith.index_cast %scan3A_426 : i32 to index
        %get3A_533 = arith.constant 64 : index
        %get3A_534 = tpu.vector_load %arg20[%get3A_532, %get3A_533] {strides = array<i32>} : memref<64x256xf32, #tpu.memory_space<vmem>>, vector<16xf32>,
        %get3A_535 = arith.index_cast %scan3A_426 : i32 to index
        %get3A_536 = arith.constant 192 : index
        %get3A_537 = tpu.vector_load %arg20[%get3A_535, %get3A_536] {strides = array<i32>} : memref<64x256xf32, #tpu.memory_space<vmem>>, vector<16xf32>,
        %add3A_538 = arith.addi %mul3A_449, %add3A_112 : vector<16xi32>
        %gather3A_539 = tpu.vector_load_idx %arg21[%add3A_538] : memref<41088xf32, #tpu.memory_space<vmem>>[vector<16xi32>], vector<16xf32>,
        %add3A_540 = arith.addi %mul3A_449, %add3A_112 : vector<16xi32>
        %mul3A_541 = arith.mulf %get3A_537, %get3A_531 : vector<16xf32>
        %add3A_542 = arith.addf %mul3A_541, %get3A_534 : vector<16xf32>
        %max3A_543 = arith.constant 0.000000e+00 : f32
        %max3A_544 = vector.broadcast %max3A_543 : f32 to vector<16xf32>
        %max3A_545 = arith.maximumf %add3A_542, %max3A_544 : vector<16xf32>
        %add3A_546 = arith.addf %gather3A_539, %max3A_545 : vector<16xf32>
        tpu.vector_store_idx %arg21[%add3A_540], %add3A_546 : memref<41088xf32, #tpu.memory_space<vmem>>[vector<16xi32>], vector<16xf32>,
        %get3A_547 = arith.index_cast %scan3A_426 : i32 to index
        %get3A_548 = arith.constant 80 : index
        %get3A_549 = tpu.vector_load %arg19[%get3A_547, %get3A_548] {strides = array<i32>} : memref<64x128xf32, #tpu.memory_space<vmem>>, vector<16xf32>,
        %get3A_550 = arith.index_cast %scan3A_426 : i32 to index
        %get3A_551 = arith.constant 80 : index
        %get3A_552 = tpu.vector_load %arg20[%get3A_550, %get3A_551] {strides = array<i32>} : memref<64x256xf32, #tpu.memory_space<vmem>>, vector<16xf32>,
        %get3A_553 = arith.index_cast %scan3A_426 : i32 to index
        %get3A_554 = arith.constant 208 : index
        %get3A_555 = tpu.vector_load %arg20[%get3A_553, %get3A_554] {strides = array<i32>} : memref<64x256xf32, #tpu.memory_space<vmem>>, vector<16xf32>,
        %add3A_556 = arith.addi %mul3A_449, %add3A_116 : vector<16xi32>
        %gather3A_557 = tpu.vector_load_idx %arg21[%add3A_556] : memref<41088xf32, #tpu.memory_space<vmem>>[vector<16xi32>], vector<16xf32>,
        %add3A_558 = arith.addi %mul3A_449, %add3A_116 : vector<16xi32>
        %mul3A_559 = arith.mulf %get3A_555, %get3A_549 : vector<16xf32>
        %add3A_560 = arith.addf %mul3A_559, %get3A_552 : vector<16xf32>
        %max3A_561 = arith.constant 0.000000e+00 : f32
        %max3A_562 = vector.broadcast %max3A_561 : f32 to vector<16xf32>
        %max3A_563 = arith.maximumf %add3A_560, %max3A_562 : vector<16xf32>
        %add3A_564 = arith.addf %gather3A_557, %max3A_563 : vector<16xf32>
        tpu.vector_store_idx %arg21[%add3A_558], %add3A_564 : memref<41088xf32, #tpu.memory_space<vmem>>[vector<16xi32>], vector<16xf32>,
        %get3A_565 = arith.index_cast %scan3A_426 : i32 to index
        %get3A_566 = arith.constant 96 : index
        %get3A_567 = tpu.vector_load %arg19[%get3A_565, %get3A_566] {strides = array<i32>} : memref<64x128xf32, #tpu.memory_space<vmem>>, vector<16xf32>,
        %get3A_568 = arith.index_cast %scan3A_426 : i32 to index
        %get3A_569 = arith.constant 96 : index
        %get3A_570 = tpu.vector_load %arg20[%get3A_568, %get3A_569] {strides = array<i32>} : memref<64x256xf32, #tpu.memory_space<vmem>>, vector<16xf32>,
        %get3A_571 = arith.index_cast %scan3A_426 : i32 to index
        %get3A_572 = arith.constant 224 : index
        %get3A_573 = tpu.vector_load %arg20[%get3A_571, %get3A_572] {strides = array<i32>} : memref<64x256xf32, #tpu.memory_space<vmem>>, vector<16xf32>,
        %add3A_574 = arith.addi %mul3A_449, %add3A_120 : vector<16xi32>
        %gather3A_575 = tpu.vector_load_idx %arg21[%add3A_574] : memref<41088xf32, #tpu.memory_space<vmem>>[vector<16xi32>], vector<16xf32>,
        %add3A_576 = arith.addi %mul3A_449, %add3A_120 : vector<16xi32>
        %mul3A_577 = arith.mulf %get3A_573, %get3A_567 : vector<16xf32>
        %add3A_578 = arith.addf %mul3A_577, %get3A_570 : vector<16xf32>
        %max3A_579 = arith.constant 0.000000e+00 : f32
        %max3A_580 = vector.broadcast %max3A_579 : f32 to vector<16xf32>
        %max3A_581 = arith.maximumf %add3A_578, %max3A_580 : vector<16xf32>
        %add3A_582 = arith.addf %gather3A_575, %max3A_581 : vector<16xf32>
        tpu.vector_store_idx %arg21[%add3A_576], %add3A_582 : memref<41088xf32, #tpu.memory_space<vmem>>[vector<16xi32>], vector<16xf32>,
        %get3A_583 = arith.index_cast %scan3A_426 : i32 to index
        %get3A_584 = arith.constant 112 : index
        %get3A_585 = tpu.vector_load %arg19[%get3A_583, %get3A_584] {strides = array<i32>} : memref<64x128xf32, #tpu.memory_space<vmem>>, vector<16xf32>,
        %get3A_586 = arith.index_cast %scan3A_426 : i32 to index
        %get3A_587 = arith.constant 112 : index
        %get3A_588 = tpu.vector_load %arg20[%get3A_586, %get3A_587] {strides = array<i32>} : memref<64x256xf32, #tpu.memory_space<vmem>>, vector<16xf32>,
        %get3A_589 = arith.index_cast %scan3A_426 : i32 to index
        %get3A_590 = arith.constant 240 : index
        %get3A_591 = tpu.vector_load %arg20[%get3A_589, %get3A_590] {strides = array<i32>} : memref<64x256xf32, #tpu.memory_space<vmem>>, vector<16xf32>,
        %add3A_592 = arith.addi %mul3A_449, %add3A_124 : vector<16xi32>
        %gather3A_593 = tpu.vector_load_idx %arg21[%add3A_592] : memref<41088xf32, #tpu.memory_space<vmem>>[vector<16xi32>], vector<16xf32>,
        %add3A_594 = arith.addi %mul3A_449, %add3A_124 : vector<16xi32>
        %mul3A_595 = arith.mulf %get3A_591, %get3A_585 : vector<16xf32>
        %add3A_596 = arith.addf %mul3A_595, %get3A_588 : vector<16xf32>
        %max3A_597 = arith.constant 0.000000e+00 : f32
        %max3A_598 = vector.broadcast %max3A_597 : f32 to vector<16xf32>
        %max3A_599 = arith.maximumf %add3A_596, %max3A_598 : vector<16xf32>
        %add3A_600 = arith.addf %gather3A_593, %max3A_599 : vector<16xf32>
        tpu.vector_store_idx %arg21[%add3A_594], %add3A_600 : memref<41088xf32, #tpu.memory_space<vmem>>[vector<16xi32>], vector<16xf32>,
        %scan3A_601 = arith.constant 0 : i32
        scf.yield %scan3A_601 : i32
      }
      %scan3A_424 = arith.constant 64 : i32
      %while3A_425 = arith.constant 0 : i32
      scf.yield %while3A_425 : i32
    }
    %while3A_205 = arith.constant 1 : i32
    %while3A_206 = scf.for %while3A_217 = %while3A_202 to %while3A_198 step %while3A_205 iter_args(%while3A_218 = %while3A_204) -> (i32)  : i32 {
      %mul3A_219 = arith.constant 2 : i32
      %mul3A_220 = arith.muli %mul3A_219, %while3A_217 : i32
      %add3A_221 = arith.constant 1 : i32
      %add3A_222 = arith.addi %mul3A_220, %add3A_221 : i32
      %mul3A_223 = arith.constant 64 : i32
      %mul3A_224 = arith.muli %add3A_222, %mul3A_223 : i32
      %add3A_225 = arith.constant 0 : i32
      %add3A_226 = arith.addi %mul3A_224, %add3A_225 : i32
      %get3A_227 = arith.index_cast %add3A_226 : i32 to index
      %get3A_228 = tpu.vector_load %arg12[%get3A_227] {strides = array<i32>} : memref<16528xi32, #tpu.memory_space<vmem>>, vector<16xi32>,
      %and3A_229 = arith.constant 511 : i32
      %and3A_230 = vector.broadcast %and3A_229 : i32 to vector<16xi32>
      %and3A_231 = arith.andi %get3A_228, %and3A_230 : vector<16xi32>
      %shift_right_arithmetic3A_232 = arith.constant 9 : i32
      %shift_right_arithmetic3A_233 = vector.broadcast %shift_right_arithmetic3A_232 : i32 to vector<16xi32>
      %shift_right_arithmetic3A_234 = arith.shrsi %get3A_228, %shift_right_arithmetic3A_233 : vector<16xi32>
      %swap3A_235 = arith.constant 0 : index
      %swap3A_236 = tpu.vector_load %arg17[%swap3A_235] {strides = array<i32>} : memref<64xi32, #tpu.memory_space<vmem>>, vector<16xi32>,
      tpu.vector_store %arg17[%swap3A_235], %shift_right_arithmetic3A_234 {strides = array<i32>} : memref<64xi32, #tpu.memory_space<vmem>>, vector<16xi32>,
      %add3A_237 = vector.broadcast %mul3A_2 : i32 to vector<16xi32>
      %add3A_238 = arith.addi %and3A_231, %add3A_237 : vector<16xi32>
      %min3A_239 = arith.constant 9999 : i32
      %min3A_240 = vector.broadcast %min3A_239 : i32 to vector<16xi32>
      %min3A_241 = arith.minsi %add3A_238, %min3A_240 : vector<16xi32>
      %swap3A_242 = arith.constant 0 : index
      %swap3A_243 = tpu.vector_load %arg18[%swap3A_242] {strides = array<i32>} : memref<64xi32, #tpu.memory_space<vmem>>, vector<16xi32>,
      tpu.vector_store %arg18[%swap3A_242], %min3A_241 {strides = array<i32>} : memref<64xi32, #tpu.memory_space<vmem>>, vector<16xi32>,
      %add3A_244 = arith.constant 16 : i32
      %add3A_245 = arith.addi %mul3A_224, %add3A_244 : i32
      %get3A_246 = arith.index_cast %add3A_245 : i32 to index
      %get3A_247 = tpu.vector_load %arg12[%get3A_246] {strides = array<i32>} : memref<16528xi32, #tpu.memory_space<vmem>>, vector<16xi32>,
      %and3A_248 = arith.constant 511 : i32
      %and3A_249 = vector.broadcast %and3A_248 : i32 to vector<16xi32>
      %and3A_250 = arith.andi %get3A_247, %and3A_249 : vector<16xi32>
      %shift_right_arithmetic3A_251 = arith.constant 9 : i32
      %shift_right_arithmetic3A_252 = vector.broadcast %shift_right_arithmetic3A_251 : i32 to vector<16xi32>
      %shift_right_arithmetic3A_253 = arith.shrsi %get3A_247, %shift_right_arithmetic3A_252 : vector<16xi32>
      %swap3A_254 = arith.constant 16 : index
      %swap3A_255 = tpu.vector_load %arg17[%swap3A_254] {strides = array<i32>} : memref<64xi32, #tpu.memory_space<vmem>>, vector<16xi32>,
      tpu.vector_store %arg17[%swap3A_254], %shift_right_arithmetic3A_253 {strides = array<i32>} : memref<64xi32, #tpu.memory_space<vmem>>, vector<16xi32>,
      %add3A_256 = vector.broadcast %mul3A_2 : i32 to vector<16xi32>
      %add3A_257 = arith.addi %and3A_250, %add3A_256 : vector<16xi32>
      %min3A_258 = arith.constant 9999 : i32
      %min3A_259 = vector.broadcast %min3A_258 : i32 to vector<16xi32>
      %min3A_260 = arith.minsi %add3A_257, %min3A_259 : vector<16xi32>
      %swap3A_261 = arith.constant 16 : index
      %swap3A_262 = tpu.vector_load %arg18[%swap3A_261] {strides = array<i32>} : memref<64xi32, #tpu.memory_space<vmem>>, vector<16xi32>,
      tpu.vector_store %arg18[%swap3A_261], %min3A_260 {strides = array<i32>} : memref<64xi32, #tpu.memory_space<vmem>>, vector<16xi32>,
      %add3A_263 = arith.constant 32 : i32
      %add3A_264 = arith.addi %mul3A_224, %add3A_263 : i32
      %get3A_265 = arith.index_cast %add3A_264 : i32 to index
      %get3A_266 = tpu.vector_load %arg12[%get3A_265] {strides = array<i32>} : memref<16528xi32, #tpu.memory_space<vmem>>, vector<16xi32>,
      %and3A_267 = arith.constant 511 : i32
      %and3A_268 = vector.broadcast %and3A_267 : i32 to vector<16xi32>
      %and3A_269 = arith.andi %get3A_266, %and3A_268 : vector<16xi32>
      %shift_right_arithmetic3A_270 = arith.constant 9 : i32
      %shift_right_arithmetic3A_271 = vector.broadcast %shift_right_arithmetic3A_270 : i32 to vector<16xi32>
      %shift_right_arithmetic3A_272 = arith.shrsi %get3A_266, %shift_right_arithmetic3A_271 : vector<16xi32>
      %swap3A_273 = arith.constant 32 : index
      %swap3A_274 = tpu.vector_load %arg17[%swap3A_273] {strides = array<i32>} : memref<64xi32, #tpu.memory_space<vmem>>, vector<16xi32>,
      tpu.vector_store %arg17[%swap3A_273], %shift_right_arithmetic3A_272 {strides = array<i32>} : memref<64xi32, #tpu.memory_space<vmem>>, vector<16xi32>,
      %add3A_275 = vector.broadcast %mul3A_2 : i32 to vector<16xi32>
      %add3A_276 = arith.addi %and3A_269, %add3A_275 : vector<16xi32>
      %min3A_277 = arith.constant 9999 : i32
      %min3A_278 = vector.broadcast %min3A_277 : i32 to vector<16xi32>
      %min3A_279 = arith.minsi %add3A_276, %min3A_278 : vector<16xi32>
      %swap3A_280 = arith.constant 32 : index
      %swap3A_281 = tpu.vector_load %arg18[%swap3A_280] {strides = array<i32>} : memref<64xi32, #tpu.memory_space<vmem>>, vector<16xi32>,
      tpu.vector_store %arg18[%swap3A_280], %min3A_279 {strides = array<i32>} : memref<64xi32, #tpu.memory_space<vmem>>, vector<16xi32>,
      %add3A_282 = arith.constant 48 : i32
      %add3A_283 = arith.addi %mul3A_224, %add3A_282 : i32
      %get3A_284 = arith.index_cast %add3A_283 : i32 to index
      %get3A_285 = tpu.vector_load %arg12[%get3A_284] {strides = array<i32>} : memref<16528xi32, #tpu.memory_space<vmem>>, vector<16xi32>,
      %and3A_286 = arith.constant 511 : i32
      %and3A_287 = vector.broadcast %and3A_286 : i32 to vector<16xi32>
      %and3A_288 = arith.andi %get3A_285, %and3A_287 : vector<16xi32>
      %shift_right_arithmetic3A_289 = arith.constant 9 : i32
      %shift_right_arithmetic3A_290 = vector.broadcast %shift_right_arithmetic3A_289 : i32 to vector<16xi32>
      %shift_right_arithmetic3A_291 = arith.shrsi %get3A_285, %shift_right_arithmetic3A_290 : vector<16xi32>
      %swap3A_292 = arith.constant 48 : index
      %swap3A_293 = tpu.vector_load %arg17[%swap3A_292] {strides = array<i32>} : memref<64xi32, #tpu.memory_space<vmem>>, vector<16xi32>,
      tpu.vector_store %arg17[%swap3A_292], %shift_right_arithmetic3A_291 {strides = array<i32>} : memref<64xi32, #tpu.memory_space<vmem>>, vector<16xi32>,
      %add3A_294 = vector.broadcast %mul3A_2 : i32 to vector<16xi32>
      %add3A_295 = arith.addi %and3A_288, %add3A_294 : vector<16xi32>
      %min3A_296 = arith.constant 9999 : i32
      %min3A_297 = vector.broadcast %min3A_296 : i32 to vector<16xi32>
      %min3A_298 = arith.minsi %add3A_295, %min3A_297 : vector<16xi32>
      %swap3A_299 = arith.constant 48 : index
      %swap3A_300 = tpu.vector_load %arg18[%swap3A_299] {strides = array<i32>} : memref<64xi32, #tpu.memory_space<vmem>>, vector<16xi32>,
      tpu.vector_store %arg18[%swap3A_299], %min3A_298 {strides = array<i32>} : memref<64xi32, #tpu.memory_space<vmem>>, vector<16xi32>,
      %dma_start3A_301 = arith.constant 0 : i32
      %dma_start3A_302 = arith.constant 0 : i32
      %dma_start3A_303 = tpu.memref_slice %arg2[%dma_start3A_301, %dma_start3A_302] : memref<10000x128xf32, #tpu.memory_space<hbm>> -> memref<10000x128xf32, #tpu.memory_space<hbm>>
      tpu.enqueue_indirect_dma source(%dma_start3A_303 : memref<10000x128xf32, #tpu.memory_space<hbm>>) target(%arg19 : memref<64x128xf32, #tpu.memory_space<vmem>>) offsets(%arg17 : memref<64xi32, #tpu.memory_space<vmem>>) semaphore(%arg25 : memref<!tpu.dma_semaphore, #tpu.memory_space<semaphore_mem>>)
      %dma_start3A_304 = arith.constant 0 : i32
      %dma_start3A_305 = arith.constant 0 : i32
      %dma_start3A_306 = tpu.memref_slice %arg3[%dma_start3A_304, %dma_start3A_305] : memref<10000x256xf32, #tpu.memory_space<hbm>> -> memref<10000x256xf32, #tpu.memory_space<hbm>>
      tpu.enqueue_indirect_dma source(%dma_start3A_306 : memref<10000x256xf32, #tpu.memory_space<hbm>>) target(%arg20 : memref<64x256xf32, #tpu.memory_space<vmem>>) offsets(%arg18 : memref<64xi32, #tpu.memory_space<vmem>>) semaphore(%arg26 : memref<!tpu.dma_semaphore, #tpu.memory_space<semaphore_mem>>)
      %dma_wait3A_307 = arith.constant 0 : i32
      %dma_wait3A_308 = arith.constant 0 : i32
      %dma_wait3A_309 = tpu.memref_slice %arg2[%dma_wait3A_307, %dma_wait3A_308] : memref<10000x128xf32, #tpu.memory_space<hbm>> -> memref<10000x128xf32, #tpu.memory_space<hbm>>
      tpu.wait_indirect_dma semaphore(%arg23 : memref<!tpu.dma_semaphore, #tpu.memory_space<semaphore_mem>>) src(%dma_wait3A_309 : memref<10000x128xf32, #tpu.memory_space<hbm>>) dst(%arg15 : memref<64x128xf32, #tpu.memory_space<vmem>>)
      %dma_wait3A_310 = arith.constant 0 : i32
      %dma_wait3A_311 = arith.constant 0 : i32
      %dma_wait3A_312 = tpu.memref_slice %arg3[%dma_wait3A_310, %dma_wait3A_311] : memref<10000x256xf32, #tpu.memory_space<hbm>> -> memref<10000x256xf32, #tpu.memory_space<hbm>>
      tpu.wait_indirect_dma semaphore(%arg24 : memref<!tpu.dma_semaphore, #tpu.memory_space<semaphore_mem>>) src(%dma_wait3A_312 : memref<10000x256xf32, #tpu.memory_space<hbm>>) dst(%arg16 : memref<64x256xf32, #tpu.memory_space<vmem>>)
      %mul3A_313 = arith.constant 64 : i32
      %mul3A_314 = arith.muli %mul3A_220, %mul3A_313 : i32
      %scan3A_315 = arith.constant 0 : i32
      %scan3A_316 = arith.constant 0 : i32
      %scan3A_317 = arith.constant 64 : i32
      %scan3A_318 = arith.addi %scan3A_316, %scan3A_317 : i32
      %scan3A_319 = arith.constant 1 : i32
      %scan3A_320 = scf.for %scan3A_426 = %scan3A_316 to %scan3A_318 step %scan3A_319 iter_args(%scan3A_427 = %scan3A_315) -> (i32)  : i32 {
        %and3A_428 = arith.constant -16 : i32
        %and3A_429 = arith.andi %scan3A_426, %and3A_428 : i32
        %and3A_430 = arith.constant 15 : i32
        %and3A_431 = arith.andi %scan3A_426, %and3A_430 : i32
        %add3A_432 = arith.addi %mul3A_314, %and3A_429 : i32
        %get3A_433 = arith.index_cast %add3A_432 : i32 to index
        %get3A_434 = tpu.vector_load %arg12[%get3A_433] {strides = array<i32>} : memref<16528xi32, #tpu.memory_space<vmem>>, vector<16xi32>,
        %and3A_435 = arith.constant 511 : i32
        %and3A_436 = vector.broadcast %and3A_435 : i32 to vector<16xi32>
        %and3A_437 = arith.andi %get3A_434, %and3A_436 : vector<16xi32>
        %broadcast_in_dim3A_438 = vector.broadcast %and3A_431 : i32 to vector<16xi32>
        %lt3A = arith.constant 0 : i32
        %lt3A_439 = vector.broadcast %lt3A : i32 to vector<16xi32>
        %lt3A_440 = arith.cmpi slt, %broadcast_in_dim3A_438, %lt3A_439 : vector<16xi32>
        %add3A_441 = arith.constant 16 : i32
        %add3A_442 = vector.broadcast %add3A_441 : i32 to vector<16xi32>
        %add3A_443 = arith.addi %broadcast_in_dim3A_438, %add3A_442 : vector<16xi32>
        %select_n3A_444 = arith.select %lt3A_440, %add3A_443, %broadcast_in_dim3A_438 : vector<16xi1>, vector<16xi32>
        %broadcast_in_dim3A_445 = vector.shape_cast %select_n3A_444 : vector<16xi32> to vector<16x1xi32>
        %gather3A = vector.shape_cast %broadcast_in_dim3A_445 : vector<16x1xi32> to vector<16xi32>
        %gather3A_446 = tpu.dynamic_gather %and3A_437[%gather3A] in [0] : vector<16xi32>, vector<16xi32> -> vector<16xi32>
        %mul3A_447 = arith.constant 128 : i32
        %mul3A_448 = vector.broadcast %mul3A_447 : i32 to vector<16xi32>
        %mul3A_449 = arith.muli %gather3A_446, %mul3A_448 : vector<16xi32>
        %mul3A_450 = arith.constant 16 : i32
        %mul3A_451 = vector.broadcast %mul3A_450 : i32 to vector<16xi32>
        %mul3A_452 = arith.muli %gather3A_446, %mul3A_451 : vector<16xi32>
        %add3A_453 = arith.addi %mul3A_452, %iota3A : vector<16xi32>
        %gather3A_454 = tpu.vector_load_idx %arg22[%add3A_453] : memref<5136xf32, #tpu.memory_space<vmem>>[vector<16xi32>], vector<16xf32>,
        %add3A_455 = arith.constant 6.250000e-02 : f32
        %add3A_456 = vector.broadcast %add3A_455 : f32 to vector<16xf32>
        %add3A_457 = arith.addf %gather3A_454, %add3A_456 : vector<16xf32>
        tpu.vector_store_idx %arg22[%add3A_453], %add3A_457 : memref<5136xf32, #tpu.memory_space<vmem>>[vector<16xi32>], vector<16xf32>,
        %get3A_458 = arith.index_cast %scan3A_426 : i32 to index
        %get3A_459 = arith.constant 0 : index
        %get3A_460 = tpu.vector_load %arg15[%get3A_458, %get3A_459] {strides = array<i32>} : memref<64x128xf32, #tpu.memory_space<vmem>>, vector<16xf32>,
        %get3A_461 = arith.index_cast %scan3A_426 : i32 to index
        %get3A_462 = arith.constant 0 : index
        %get3A_463 = tpu.vector_load %arg16[%get3A_461, %get3A_462] {strides = array<i32>} : memref<64x256xf32, #tpu.memory_space<vmem>>, vector<16xf32>,
        %get3A_464 = arith.index_cast %scan3A_426 : i32 to index
        %get3A_465 = arith.constant 128 : index
        %get3A_466 = tpu.vector_load %arg16[%get3A_464, %get3A_465] {strides = array<i32>} : memref<64x256xf32, #tpu.memory_space<vmem>>, vector<16xf32>,
        %add3A_467 = arith.addi %mul3A_449, %add3A_96 : vector<16xi32>
        %gather3A_468 = tpu.vector_load_idx %arg21[%add3A_467] : memref<41088xf32, #tpu.memory_space<vmem>>[vector<16xi32>], vector<16xf32>,
        %add3A_469 = arith.addi %mul3A_449, %add3A_96 : vector<16xi32>
        %mul3A_470 = arith.mulf %get3A_466, %get3A_460 : vector<16xf32>
        %add3A_471 = arith.addf %mul3A_470, %get3A_463 : vector<16xf32>
        %max3A = arith.constant 0.000000e+00 : f32
        %max3A_472 = vector.broadcast %max3A : f32 to vector<16xf32>
        %max3A_473 = arith.maximumf %add3A_471, %max3A_472 : vector<16xf32>
        %add3A_474 = arith.addf %gather3A_468, %max3A_473 : vector<16xf32>
        tpu.vector_store_idx %arg21[%add3A_469], %add3A_474 : memref<41088xf32, #tpu.memory_space<vmem>>[vector<16xi32>], vector<16xf32>,
        %get3A_475 = arith.index_cast %scan3A_426 : i32 to index
        %get3A_476 = arith.constant 16 : index
        %get3A_477 = tpu.vector_load %arg15[%get3A_475, %get3A_476] {strides = array<i32>} : memref<64x128xf32, #tpu.memory_space<vmem>>, vector<16xf32>,
        %get3A_478 = arith.index_cast %scan3A_426 : i32 to index
        %get3A_479 = arith.constant 16 : index
        %get3A_480 = tpu.vector_load %arg16[%get3A_478, %get3A_479] {strides = array<i32>} : memref<64x256xf32, #tpu.memory_space<vmem>>, vector<16xf32>,
        %get3A_481 = arith.index_cast %scan3A_426 : i32 to index
        %get3A_482 = arith.constant 144 : index
        %get3A_483 = tpu.vector_load %arg16[%get3A_481, %get3A_482] {strides = array<i32>} : memref<64x256xf32, #tpu.memory_space<vmem>>, vector<16xf32>,
        %add3A_484 = arith.addi %mul3A_449, %add3A_100 : vector<16xi32>
        %gather3A_485 = tpu.vector_load_idx %arg21[%add3A_484] : memref<41088xf32, #tpu.memory_space<vmem>>[vector<16xi32>], vector<16xf32>,
        %add3A_486 = arith.addi %mul3A_449, %add3A_100 : vector<16xi32>
        %mul3A_487 = arith.mulf %get3A_483, %get3A_477 : vector<16xf32>
        %add3A_488 = arith.addf %mul3A_487, %get3A_480 : vector<16xf32>
        %max3A_489 = arith.constant 0.000000e+00 : f32
        %max3A_490 = vector.broadcast %max3A_489 : f32 to vector<16xf32>
        %max3A_491 = arith.maximumf %add3A_488, %max3A_490 : vector<16xf32>
        %add3A_492 = arith.addf %gather3A_485, %max3A_491 : vector<16xf32>
        tpu.vector_store_idx %arg21[%add3A_486], %add3A_492 : memref<41088xf32, #tpu.memory_space<vmem>>[vector<16xi32>], vector<16xf32>,
        %get3A_493 = arith.index_cast %scan3A_426 : i32 to index
        %get3A_494 = arith.constant 32 : index
        %get3A_495 = tpu.vector_load %arg15[%get3A_493, %get3A_494] {strides = array<i32>} : memref<64x128xf32, #tpu.memory_space<vmem>>, vector<16xf32>,
        %get3A_496 = arith.index_cast %scan3A_426 : i32 to index
        %get3A_497 = arith.constant 32 : index
        %get3A_498 = tpu.vector_load %arg16[%get3A_496, %get3A_497] {strides = array<i32>} : memref<64x256xf32, #tpu.memory_space<vmem>>, vector<16xf32>,
        %get3A_499 = arith.index_cast %scan3A_426 : i32 to index
        %get3A_500 = arith.constant 160 : index
        %get3A_501 = tpu.vector_load %arg16[%get3A_499, %get3A_500] {strides = array<i32>} : memref<64x256xf32, #tpu.memory_space<vmem>>, vector<16xf32>,
        %add3A_502 = arith.addi %mul3A_449, %add3A_104 : vector<16xi32>
        %gather3A_503 = tpu.vector_load_idx %arg21[%add3A_502] : memref<41088xf32, #tpu.memory_space<vmem>>[vector<16xi32>], vector<16xf32>,
        %add3A_504 = arith.addi %mul3A_449, %add3A_104 : vector<16xi32>
        %mul3A_505 = arith.mulf %get3A_501, %get3A_495 : vector<16xf32>
        %add3A_506 = arith.addf %mul3A_505, %get3A_498 : vector<16xf32>
        %max3A_507 = arith.constant 0.000000e+00 : f32
        %max3A_508 = vector.broadcast %max3A_507 : f32 to vector<16xf32>
        %max3A_509 = arith.maximumf %add3A_506, %max3A_508 : vector<16xf32>
        %add3A_510 = arith.addf %gather3A_503, %max3A_509 : vector<16xf32>
        tpu.vector_store_idx %arg21[%add3A_504], %add3A_510 : memref<41088xf32, #tpu.memory_space<vmem>>[vector<16xi32>], vector<16xf32>,
        %get3A_511 = arith.index_cast %scan3A_426 : i32 to index
        %get3A_512 = arith.constant 48 : index
        %get3A_513 = tpu.vector_load %arg15[%get3A_511, %get3A_512] {strides = array<i32>} : memref<64x128xf32, #tpu.memory_space<vmem>>, vector<16xf32>,
        %get3A_514 = arith.index_cast %scan3A_426 : i32 to index
        %get3A_515 = arith.constant 48 : index
        %get3A_516 = tpu.vector_load %arg16[%get3A_514, %get3A_515] {strides = array<i32>} : memref<64x256xf32, #tpu.memory_space<vmem>>, vector<16xf32>,
        %get3A_517 = arith.index_cast %scan3A_426 : i32 to index
        %get3A_518 = arith.constant 176 : index
        %get3A_519 = tpu.vector_load %arg16[%get3A_517, %get3A_518] {strides = array<i32>} : memref<64x256xf32, #tpu.memory_space<vmem>>, vector<16xf32>,
        %add3A_520 = arith.addi %mul3A_449, %add3A_108 : vector<16xi32>
        %gather3A_521 = tpu.vector_load_idx %arg21[%add3A_520] : memref<41088xf32, #tpu.memory_space<vmem>>[vector<16xi32>], vector<16xf32>,
        %add3A_522 = arith.addi %mul3A_449, %add3A_108 : vector<16xi32>
        %mul3A_523 = arith.mulf %get3A_519, %get3A_513 : vector<16xf32>
        %add3A_524 = arith.addf %mul3A_523, %get3A_516 : vector<16xf32>
        %max3A_525 = arith.constant 0.000000e+00 : f32
        %max3A_526 = vector.broadcast %max3A_525 : f32 to vector<16xf32>
        %max3A_527 = arith.maximumf %add3A_524, %max3A_526 : vector<16xf32>
        %add3A_528 = arith.addf %gather3A_521, %max3A_527 : vector<16xf32>
        tpu.vector_store_idx %arg21[%add3A_522], %add3A_528 : memref<41088xf32, #tpu.memory_space<vmem>>[vector<16xi32>], vector<16xf32>,
        %get3A_529 = arith.index_cast %scan3A_426 : i32 to index
        %get3A_530 = arith.constant 64 : index
        %get3A_531 = tpu.vector_load %arg15[%get3A_529, %get3A_530] {strides = array<i32>} : memref<64x128xf32, #tpu.memory_space<vmem>>, vector<16xf32>,
        %get3A_532 = arith.index_cast %scan3A_426 : i32 to index
        %get3A_533 = arith.constant 64 : index
        %get3A_534 = tpu.vector_load %arg16[%get3A_532, %get3A_533] {strides = array<i32>} : memref<64x256xf32, #tpu.memory_space<vmem>>, vector<16xf32>,
        %get3A_535 = arith.index_cast %scan3A_426 : i32 to index
        %get3A_536 = arith.constant 192 : index
        %get3A_537 = tpu.vector_load %arg16[%get3A_535, %get3A_536] {strides = array<i32>} : memref<64x256xf32, #tpu.memory_space<vmem>>, vector<16xf32>,
        %add3A_538 = arith.addi %mul3A_449, %add3A_112 : vector<16xi32>
        %gather3A_539 = tpu.vector_load_idx %arg21[%add3A_538] : memref<41088xf32, #tpu.memory_space<vmem>>[vector<16xi32>], vector<16xf32>,
        %add3A_540 = arith.addi %mul3A_449, %add3A_112 : vector<16xi32>
        %mul3A_541 = arith.mulf %get3A_537, %get3A_531 : vector<16xf32>
        %add3A_542 = arith.addf %mul3A_541, %get3A_534 : vector<16xf32>
        %max3A_543 = arith.constant 0.000000e+00 : f32
        %max3A_544 = vector.broadcast %max3A_543 : f32 to vector<16xf32>
        %max3A_545 = arith.maximumf %add3A_542, %max3A_544 : vector<16xf32>
        %add3A_546 = arith.addf %gather3A_539, %max3A_545 : vector<16xf32>
        tpu.vector_store_idx %arg21[%add3A_540], %add3A_546 : memref<41088xf32, #tpu.memory_space<vmem>>[vector<16xi32>], vector<16xf32>,
        %get3A_547 = arith.index_cast %scan3A_426 : i32 to index
        %get3A_548 = arith.constant 80 : index
        %get3A_549 = tpu.vector_load %arg15[%get3A_547, %get3A_548] {strides = array<i32>} : memref<64x128xf32, #tpu.memory_space<vmem>>, vector<16xf32>,
        %get3A_550 = arith.index_cast %scan3A_426 : i32 to index
        %get3A_551 = arith.constant 80 : index
        %get3A_552 = tpu.vector_load %arg16[%get3A_550, %get3A_551] {strides = array<i32>} : memref<64x256xf32, #tpu.memory_space<vmem>>, vector<16xf32>,
        %get3A_553 = arith.index_cast %scan3A_426 : i32 to index
        %get3A_554 = arith.constant 208 : index
        %get3A_555 = tpu.vector_load %arg16[%get3A_553, %get3A_554] {strides = array<i32>} : memref<64x256xf32, #tpu.memory_space<vmem>>, vector<16xf32>,
        %add3A_556 = arith.addi %mul3A_449, %add3A_116 : vector<16xi32>
        %gather3A_557 = tpu.vector_load_idx %arg21[%add3A_556] : memref<41088xf32, #tpu.memory_space<vmem>>[vector<16xi32>], vector<16xf32>,
        %add3A_558 = arith.addi %mul3A_449, %add3A_116 : vector<16xi32>
        %mul3A_559 = arith.mulf %get3A_555, %get3A_549 : vector<16xf32>
        %add3A_560 = arith.addf %mul3A_559, %get3A_552 : vector<16xf32>
        %max3A_561 = arith.constant 0.000000e+00 : f32
        %max3A_562 = vector.broadcast %max3A_561 : f32 to vector<16xf32>
        %max3A_563 = arith.maximumf %add3A_560, %max3A_562 : vector<16xf32>
        %add3A_564 = arith.addf %gather3A_557, %max3A_563 : vector<16xf32>
        tpu.vector_store_idx %arg21[%add3A_558], %add3A_564 : memref<41088xf32, #tpu.memory_space<vmem>>[vector<16xi32>], vector<16xf32>,
        %get3A_565 = arith.index_cast %scan3A_426 : i32 to index
        %get3A_566 = arith.constant 96 : index
        %get3A_567 = tpu.vector_load %arg15[%get3A_565, %get3A_566] {strides = array<i32>} : memref<64x128xf32, #tpu.memory_space<vmem>>, vector<16xf32>,
        %get3A_568 = arith.index_cast %scan3A_426 : i32 to index
        %get3A_569 = arith.constant 96 : index
        %get3A_570 = tpu.vector_load %arg16[%get3A_568, %get3A_569] {strides = array<i32>} : memref<64x256xf32, #tpu.memory_space<vmem>>, vector<16xf32>,
        %get3A_571 = arith.index_cast %scan3A_426 : i32 to index
        %get3A_572 = arith.constant 224 : index
        %get3A_573 = tpu.vector_load %arg16[%get3A_571, %get3A_572] {strides = array<i32>} : memref<64x256xf32, #tpu.memory_space<vmem>>, vector<16xf32>,
        %add3A_574 = arith.addi %mul3A_449, %add3A_120 : vector<16xi32>
        %gather3A_575 = tpu.vector_load_idx %arg21[%add3A_574] : memref<41088xf32, #tpu.memory_space<vmem>>[vector<16xi32>], vector<16xf32>,
        %add3A_576 = arith.addi %mul3A_449, %add3A_120 : vector<16xi32>
        %mul3A_577 = arith.mulf %get3A_573, %get3A_567 : vector<16xf32>
        %add3A_578 = arith.addf %mul3A_577, %get3A_570 : vector<16xf32>
        %max3A_579 = arith.constant 0.000000e+00 : f32
        %max3A_580 = vector.broadcast %max3A_579 : f32 to vector<16xf32>
        %max3A_581 = arith.maximumf %add3A_578, %max3A_580 : vector<16xf32>
        %add3A_582 = arith.addf %gather3A_575, %max3A_581 : vector<16xf32>
        tpu.vector_store_idx %arg21[%add3A_576], %add3A_582 : memref<41088xf32, #tpu.memory_space<vmem>>[vector<16xi32>], vector<16xf32>,
        %get3A_583 = arith.index_cast %scan3A_426 : i32 to index
        %get3A_584 = arith.constant 112 : index
        %get3A_585 = tpu.vector_load %arg15[%get3A_583, %get3A_584] {strides = array<i32>} : memref<64x128xf32, #tpu.memory_space<vmem>>, vector<16xf32>,
        %get3A_586 = arith.index_cast %scan3A_426 : i32 to index
        %get3A_587 = arith.constant 112 : index
        %get3A_588 = tpu.vector_load %arg16[%get3A_586, %get3A_587] {strides = array<i32>} : memref<64x256xf32, #tpu.memory_space<vmem>>, vector<16xf32>,
        %get3A_589 = arith.index_cast %scan3A_426 : i32 to index
        %get3A_590 = arith.constant 240 : index
        %get3A_591 = tpu.vector_load %arg16[%get3A_589, %get3A_590] {strides = array<i32>} : memref<64x256xf32, #tpu.memory_space<vmem>>, vector<16xf32>,
        %add3A_592 = arith.addi %mul3A_449, %add3A_124 : vector<16xi32>
        %gather3A_593 = tpu.vector_load_idx %arg21[%add3A_592] : memref<41088xf32, #tpu.memory_space<vmem>>[vector<16xi32>], vector<16xf32>,
        %add3A_594 = arith.addi %mul3A_449, %add3A_124 : vector<16xi32>
        %mul3A_595 = arith.mulf %get3A_591, %get3A_585 : vector<16xf32>
        %add3A_596 = arith.addf %mul3A_595, %get3A_588 : vector<16xf32>
        %max3A_597 = arith.constant 0.000000e+00 : f32
        %max3A_598 = vector.broadcast %max3A_597 : f32 to vector<16xf32>
        %max3A_599 = arith.maximumf %add3A_596, %max3A_598 : vector<16xf32>
        %add3A_600 = arith.addf %gather3A_593, %max3A_599 : vector<16xf32>
        tpu.vector_store_idx %arg21[%add3A_594], %add3A_600 : memref<41088xf32, #tpu.memory_space<vmem>>[vector<16xi32>], vector<16xf32>,
        %scan3A_601 = arith.constant 0 : i32
        scf.yield %scan3A_601 : i32
      }
      %scan3A_321 = arith.constant 64 : i32
      %add3A_322 = arith.constant 2 : i32
      %add3A_323 = arith.addi %mul3A_220, %add3A_322 : i32
      %mul3A_324 = arith.constant 64 : i32
      %mul3A_325 = arith.muli %add3A_323, %mul3A_324 : i32
      %add3A_326 = arith.constant 0 : i32
      %add3A_327 = arith.addi %mul3A_325, %add3A_326 : i32
      %get3A_328 = arith.index_cast %add3A_327 : i32 to index
      %get3A_329 = tpu.vector_load %arg12[%get3A_328] {strides = array<i32>} : memref<16528xi32, #tpu.memory_space<vmem>>, vector<16xi32>,
      %and3A_330 = arith.constant 511 : i32
      %and3A_331 = vector.broadcast %and3A_330 : i32 to vector<16xi32>
      %and3A_332 = arith.andi %get3A_329, %and3A_331 : vector<16xi32>
      %shift_right_arithmetic3A_333 = arith.constant 9 : i32
      %shift_right_arithmetic3A_334 = vector.broadcast %shift_right_arithmetic3A_333 : i32 to vector<16xi32>
      %shift_right_arithmetic3A_335 = arith.shrsi %get3A_329, %shift_right_arithmetic3A_334 : vector<16xi32>
      %swap3A_336 = arith.constant 0 : index
      %swap3A_337 = tpu.vector_load %arg13[%swap3A_336] {strides = array<i32>} : memref<64xi32, #tpu.memory_space<vmem>>, vector<16xi32>,
      tpu.vector_store %arg13[%swap3A_336], %shift_right_arithmetic3A_335 {strides = array<i32>} : memref<64xi32, #tpu.memory_space<vmem>>, vector<16xi32>,
      %add3A_338 = vector.broadcast %mul3A_2 : i32 to vector<16xi32>
      %add3A_339 = arith.addi %and3A_332, %add3A_338 : vector<16xi32>
      %min3A_340 = arith.constant 9999 : i32
      %min3A_341 = vector.broadcast %min3A_340 : i32 to vector<16xi32>
      %min3A_342 = arith.minsi %add3A_339, %min3A_341 : vector<16xi32>
      %swap3A_343 = arith.constant 0 : index
      %swap3A_344 = tpu.vector_load %arg14[%swap3A_343] {strides = array<i32>} : memref<64xi32, #tpu.memory_space<vmem>>, vector<16xi32>,
      tpu.vector_store %arg14[%swap3A_343], %min3A_342 {strides = array<i32>} : memref<64xi32, #tpu.memory_space<vmem>>, vector<16xi32>,
      %add3A_345 = arith.constant 16 : i32
      %add3A_346 = arith.addi %mul3A_325, %add3A_345 : i32
      %get3A_347 = arith.index_cast %add3A_346 : i32 to index
      %get3A_348 = tpu.vector_load %arg12[%get3A_347] {strides = array<i32>} : memref<16528xi32, #tpu.memory_space<vmem>>, vector<16xi32>,
      %and3A_349 = arith.constant 511 : i32
      %and3A_350 = vector.broadcast %and3A_349 : i32 to vector<16xi32>
      %and3A_351 = arith.andi %get3A_348, %and3A_350 : vector<16xi32>
      %shift_right_arithmetic3A_352 = arith.constant 9 : i32
      %shift_right_arithmetic3A_353 = vector.broadcast %shift_right_arithmetic3A_352 : i32 to vector<16xi32>
      %shift_right_arithmetic3A_354 = arith.shrsi %get3A_348, %shift_right_arithmetic3A_353 : vector<16xi32>
      %swap3A_355 = arith.constant 16 : index
      %swap3A_356 = tpu.vector_load %arg13[%swap3A_355] {strides = array<i32>} : memref<64xi32, #tpu.memory_space<vmem>>, vector<16xi32>,
      tpu.vector_store %arg13[%swap3A_355], %shift_right_arithmetic3A_354 {strides = array<i32>} : memref<64xi32, #tpu.memory_space<vmem>>, vector<16xi32>,
      %add3A_357 = vector.broadcast %mul3A_2 : i32 to vector<16xi32>
      %add3A_358 = arith.addi %and3A_351, %add3A_357 : vector<16xi32>
      %min3A_359 = arith.constant 9999 : i32
      %min3A_360 = vector.broadcast %min3A_359 : i32 to vector<16xi32>
      %min3A_361 = arith.minsi %add3A_358, %min3A_360 : vector<16xi32>
      %swap3A_362 = arith.constant 16 : index
      %swap3A_363 = tpu.vector_load %arg14[%swap3A_362] {strides = array<i32>} : memref<64xi32, #tpu.memory_space<vmem>>, vector<16xi32>,
      tpu.vector_store %arg14[%swap3A_362], %min3A_361 {strides = array<i32>} : memref<64xi32, #tpu.memory_space<vmem>>, vector<16xi32>,
      %add3A_364 = arith.constant 32 : i32
      %add3A_365 = arith.addi %mul3A_325, %add3A_364 : i32
      %get3A_366 = arith.index_cast %add3A_365 : i32 to index
      %get3A_367 = tpu.vector_load %arg12[%get3A_366] {strides = array<i32>} : memref<16528xi32, #tpu.memory_space<vmem>>, vector<16xi32>,
      %and3A_368 = arith.constant 511 : i32
      %and3A_369 = vector.broadcast %and3A_368 : i32 to vector<16xi32>
      %and3A_370 = arith.andi %get3A_367, %and3A_369 : vector<16xi32>
      %shift_right_arithmetic3A_371 = arith.constant 9 : i32
      %shift_right_arithmetic3A_372 = vector.broadcast %shift_right_arithmetic3A_371 : i32 to vector<16xi32>
      %shift_right_arithmetic3A_373 = arith.shrsi %get3A_367, %shift_right_arithmetic3A_372 : vector<16xi32>
      %swap3A_374 = arith.constant 32 : index
      %swap3A_375 = tpu.vector_load %arg13[%swap3A_374] {strides = array<i32>} : memref<64xi32, #tpu.memory_space<vmem>>, vector<16xi32>,
      tpu.vector_store %arg13[%swap3A_374], %shift_right_arithmetic3A_373 {strides = array<i32>} : memref<64xi32, #tpu.memory_space<vmem>>, vector<16xi32>,
      %add3A_376 = vector.broadcast %mul3A_2 : i32 to vector<16xi32>
      %add3A_377 = arith.addi %and3A_370, %add3A_376 : vector<16xi32>
      %min3A_378 = arith.constant 9999 : i32
      %min3A_379 = vector.broadcast %min3A_378 : i32 to vector<16xi32>
      %min3A_380 = arith.minsi %add3A_377, %min3A_379 : vector<16xi32>
      %swap3A_381 = arith.constant 32 : index
      %swap3A_382 = tpu.vector_load %arg14[%swap3A_381] {strides = array<i32>} : memref<64xi32, #tpu.memory_space<vmem>>, vector<16xi32>,
      tpu.vector_store %arg14[%swap3A_381], %min3A_380 {strides = array<i32>} : memref<64xi32, #tpu.memory_space<vmem>>, vector<16xi32>,
      %add3A_383 = arith.constant 48 : i32
      %add3A_384 = arith.addi %mul3A_325, %add3A_383 : i32
      %get3A_385 = arith.index_cast %add3A_384 : i32 to index
      %get3A_386 = tpu.vector_load %arg12[%get3A_385] {strides = array<i32>} : memref<16528xi32, #tpu.memory_space<vmem>>, vector<16xi32>,
      %and3A_387 = arith.constant 511 : i32
      %and3A_388 = vector.broadcast %and3A_387 : i32 to vector<16xi32>
      %and3A_389 = arith.andi %get3A_386, %and3A_388 : vector<16xi32>
      %shift_right_arithmetic3A_390 = arith.constant 9 : i32
      %shift_right_arithmetic3A_391 = vector.broadcast %shift_right_arithmetic3A_390 : i32 to vector<16xi32>
      %shift_right_arithmetic3A_392 = arith.shrsi %get3A_386, %shift_right_arithmetic3A_391 : vector<16xi32>
      %swap3A_393 = arith.constant 48 : index
      %swap3A_394 = tpu.vector_load %arg13[%swap3A_393] {strides = array<i32>} : memref<64xi32, #tpu.memory_space<vmem>>, vector<16xi32>,
      tpu.vector_store %arg13[%swap3A_393], %shift_right_arithmetic3A_392 {strides = array<i32>} : memref<64xi32, #tpu.memory_space<vmem>>, vector<16xi32>,
      %add3A_395 = vector.broadcast %mul3A_2 : i32 to vector<16xi32>
      %add3A_396 = arith.addi %and3A_389, %add3A_395 : vector<16xi32>
      %min3A_397 = arith.constant 9999 : i32
      %min3A_398 = vector.broadcast %min3A_397 : i32 to vector<16xi32>
      %min3A_399 = arith.minsi %add3A_396, %min3A_398 : vector<16xi32>
      %swap3A_400 = arith.constant 48 : index
      %swap3A_401 = tpu.vector_load %arg14[%swap3A_400] {strides = array<i32>} : memref<64xi32, #tpu.memory_space<vmem>>, vector<16xi32>,
      tpu.vector_store %arg14[%swap3A_400], %min3A_399 {strides = array<i32>} : memref<64xi32, #tpu.memory_space<vmem>>, vector<16xi32>,
      %dma_start3A_402 = arith.constant 0 : i32
      %dma_start3A_403 = arith.constant 0 : i32
      %dma_start3A_404 = tpu.memref_slice %arg2[%dma_start3A_402, %dma_start3A_403] : memref<10000x128xf32, #tpu.memory_space<hbm>> -> memref<10000x128xf32, #tpu.memory_space<hbm>>
      tpu.enqueue_indirect_dma source(%dma_start3A_404 : memref<10000x128xf32, #tpu.memory_space<hbm>>) target(%arg15 : memref<64x128xf32, #tpu.memory_space<vmem>>) offsets(%arg13 : memref<64xi32, #tpu.memory_space<vmem>>) semaphore(%arg23 : memref<!tpu.dma_semaphore, #tpu.memory_space<semaphore_mem>>)
      %dma_start3A_405 = arith.constant 0 : i32
      %dma_start3A_406 = arith.constant 0 : i32
      %dma_start3A_407 = tpu.memref_slice %arg3[%dma_start3A_405, %dma_start3A_406] : memref<10000x256xf32, #tpu.memory_space<hbm>> -> memref<10000x256xf32, #tpu.memory_space<hbm>>
      tpu.enqueue_indirect_dma source(%dma_start3A_407 : memref<10000x256xf32, #tpu.memory_space<hbm>>) target(%arg16 : memref<64x256xf32, #tpu.memory_space<vmem>>) offsets(%arg14 : memref<64xi32, #tpu.memory_space<vmem>>) semaphore(%arg24 : memref<!tpu.dma_semaphore, #tpu.memory_space<semaphore_mem>>)
      %dma_wait3A_408 = arith.constant 0 : i32
      %dma_wait3A_409 = arith.constant 0 : i32
      %dma_wait3A_410 = tpu.memref_slice %arg2[%dma_wait3A_408, %dma_wait3A_409] : memref<10000x128xf32, #tpu.memory_space<hbm>> -> memref<10000x128xf32, #tpu.memory_space<hbm>>
      tpu.wait_indirect_dma semaphore(%arg25 : memref<!tpu.dma_semaphore, #tpu.memory_space<semaphore_mem>>) src(%dma_wait3A_410 : memref<10000x128xf32, #tpu.memory_space<hbm>>) dst(%arg19 : memref<64x128xf32, #tpu.memory_space<vmem>>)
      %dma_wait3A_411 = arith.constant 0 : i32
      %dma_wait3A_412 = arith.constant 0 : i32
      %dma_wait3A_413 = tpu.memref_slice %arg3[%dma_wait3A_411, %dma_wait3A_412] : memref<10000x256xf32, #tpu.memory_space<hbm>> -> memref<10000x256xf32, #tpu.memory_space<hbm>>
      tpu.wait_indirect_dma semaphore(%arg26 : memref<!tpu.dma_semaphore, #tpu.memory_space<semaphore_mem>>) src(%dma_wait3A_413 : memref<10000x256xf32, #tpu.memory_space<hbm>>) dst(%arg20 : memref<64x256xf32, #tpu.memory_space<vmem>>)
      %add3A_414 = arith.constant 1 : i32
      %add3A_415 = arith.addi %mul3A_220, %add3A_414 : i32
      %mul3A_416 = arith.constant 64 : i32
      %mul3A_417 = arith.muli %add3A_415, %mul3A_416 : i32
      %scan3A_418 = arith.constant 0 : i32
      %scan3A_419 = arith.constant 0 : i32
      %scan3A_420 = arith.constant 64 : i32
      %scan3A_421 = arith.addi %scan3A_419, %scan3A_420 : i32
      %scan3A_422 = arith.constant 1 : i32
      %scan3A_423 = scf.for %scan3A_426 = %scan3A_419 to %scan3A_421 step %scan3A_422 iter_args(%scan3A_427 = %scan3A_418) -> (i32)  : i32 {
        %and3A_428 = arith.constant -16 : i32
        %and3A_429 = arith.andi %scan3A_426, %and3A_428 : i32
        %and3A_430 = arith.constant 15 : i32
        %and3A_431 = arith.andi %scan3A_426, %and3A_430 : i32
        %add3A_432 = arith.addi %mul3A_417, %and3A_429 : i32
        %get3A_433 = arith.index_cast %add3A_432 : i32 to index
        %get3A_434 = tpu.vector_load %arg12[%get3A_433] {strides = array<i32>} : memref<16528xi32, #tpu.memory_space<vmem>>, vector<16xi32>,
        %and3A_435 = arith.constant 511 : i32
        %and3A_436 = vector.broadcast %and3A_435 : i32 to vector<16xi32>
        %and3A_437 = arith.andi %get3A_434, %and3A_436 : vector<16xi32>
        %broadcast_in_dim3A_438 = vector.broadcast %and3A_431 : i32 to vector<16xi32>
        %lt3A = arith.constant 0 : i32
        %lt3A_439 = vector.broadcast %lt3A : i32 to vector<16xi32>
        %lt3A_440 = arith.cmpi slt, %broadcast_in_dim3A_438, %lt3A_439 : vector<16xi32>
        %add3A_441 = arith.constant 16 : i32
        %add3A_442 = vector.broadcast %add3A_441 : i32 to vector<16xi32>
        %add3A_443 = arith.addi %broadcast_in_dim3A_438, %add3A_442 : vector<16xi32>
        %select_n3A_444 = arith.select %lt3A_440, %add3A_443, %broadcast_in_dim3A_438 : vector<16xi1>, vector<16xi32>
        %broadcast_in_dim3A_445 = vector.shape_cast %select_n3A_444 : vector<16xi32> to vector<16x1xi32>
        %gather3A = vector.shape_cast %broadcast_in_dim3A_445 : vector<16x1xi32> to vector<16xi32>
        %gather3A_446 = tpu.dynamic_gather %and3A_437[%gather3A] in [0] : vector<16xi32>, vector<16xi32> -> vector<16xi32>
        %mul3A_447 = arith.constant 128 : i32
        %mul3A_448 = vector.broadcast %mul3A_447 : i32 to vector<16xi32>
        %mul3A_449 = arith.muli %gather3A_446, %mul3A_448 : vector<16xi32>
        %mul3A_450 = arith.constant 16 : i32
        %mul3A_451 = vector.broadcast %mul3A_450 : i32 to vector<16xi32>
        %mul3A_452 = arith.muli %gather3A_446, %mul3A_451 : vector<16xi32>
        %add3A_453 = arith.addi %mul3A_452, %iota3A : vector<16xi32>
        %gather3A_454 = tpu.vector_load_idx %arg22[%add3A_453] : memref<5136xf32, #tpu.memory_space<vmem>>[vector<16xi32>], vector<16xf32>,
        %add3A_455 = arith.constant 6.250000e-02 : f32
        %add3A_456 = vector.broadcast %add3A_455 : f32 to vector<16xf32>
        %add3A_457 = arith.addf %gather3A_454, %add3A_456 : vector<16xf32>
        tpu.vector_store_idx %arg22[%add3A_453], %add3A_457 : memref<5136xf32, #tpu.memory_space<vmem>>[vector<16xi32>], vector<16xf32>,
        %get3A_458 = arith.index_cast %scan3A_426 : i32 to index
        %get3A_459 = arith.constant 0 : index
        %get3A_460 = tpu.vector_load %arg19[%get3A_458, %get3A_459] {strides = array<i32>} : memref<64x128xf32, #tpu.memory_space<vmem>>, vector<16xf32>,
        %get3A_461 = arith.index_cast %scan3A_426 : i32 to index
        %get3A_462 = arith.constant 0 : index
        %get3A_463 = tpu.vector_load %arg20[%get3A_461, %get3A_462] {strides = array<i32>} : memref<64x256xf32, #tpu.memory_space<vmem>>, vector<16xf32>,
        %get3A_464 = arith.index_cast %scan3A_426 : i32 to index
        %get3A_465 = arith.constant 128 : index
        %get3A_466 = tpu.vector_load %arg20[%get3A_464, %get3A_465] {strides = array<i32>} : memref<64x256xf32, #tpu.memory_space<vmem>>, vector<16xf32>,
        %add3A_467 = arith.addi %mul3A_449, %add3A_96 : vector<16xi32>
        %gather3A_468 = tpu.vector_load_idx %arg21[%add3A_467] : memref<41088xf32, #tpu.memory_space<vmem>>[vector<16xi32>], vector<16xf32>,
        %add3A_469 = arith.addi %mul3A_449, %add3A_96 : vector<16xi32>
        %mul3A_470 = arith.mulf %get3A_466, %get3A_460 : vector<16xf32>
        %add3A_471 = arith.addf %mul3A_470, %get3A_463 : vector<16xf32>
        %max3A = arith.constant 0.000000e+00 : f32
        %max3A_472 = vector.broadcast %max3A : f32 to vector<16xf32>
        %max3A_473 = arith.maximumf %add3A_471, %max3A_472 : vector<16xf32>
        %add3A_474 = arith.addf %gather3A_468, %max3A_473 : vector<16xf32>
        tpu.vector_store_idx %arg21[%add3A_469], %add3A_474 : memref<41088xf32, #tpu.memory_space<vmem>>[vector<16xi32>], vector<16xf32>,
        %get3A_475 = arith.index_cast %scan3A_426 : i32 to index
        %get3A_476 = arith.constant 16 : index
        %get3A_477 = tpu.vector_load %arg19[%get3A_475, %get3A_476] {strides = array<i32>} : memref<64x128xf32, #tpu.memory_space<vmem>>, vector<16xf32>,
        %get3A_478 = arith.index_cast %scan3A_426 : i32 to index
        %get3A_479 = arith.constant 16 : index
        %get3A_480 = tpu.vector_load %arg20[%get3A_478, %get3A_479] {strides = array<i32>} : memref<64x256xf32, #tpu.memory_space<vmem>>, vector<16xf32>,
        %get3A_481 = arith.index_cast %scan3A_426 : i32 to index
        %get3A_482 = arith.constant 144 : index
        %get3A_483 = tpu.vector_load %arg20[%get3A_481, %get3A_482] {strides = array<i32>} : memref<64x256xf32, #tpu.memory_space<vmem>>, vector<16xf32>,
        %add3A_484 = arith.addi %mul3A_449, %add3A_100 : vector<16xi32>
        %gather3A_485 = tpu.vector_load_idx %arg21[%add3A_484] : memref<41088xf32, #tpu.memory_space<vmem>>[vector<16xi32>], vector<16xf32>,
        %add3A_486 = arith.addi %mul3A_449, %add3A_100 : vector<16xi32>
        %mul3A_487 = arith.mulf %get3A_483, %get3A_477 : vector<16xf32>
        %add3A_488 = arith.addf %mul3A_487, %get3A_480 : vector<16xf32>
        %max3A_489 = arith.constant 0.000000e+00 : f32
        %max3A_490 = vector.broadcast %max3A_489 : f32 to vector<16xf32>
        %max3A_491 = arith.maximumf %add3A_488, %max3A_490 : vector<16xf32>
        %add3A_492 = arith.addf %gather3A_485, %max3A_491 : vector<16xf32>
        tpu.vector_store_idx %arg21[%add3A_486], %add3A_492 : memref<41088xf32, #tpu.memory_space<vmem>>[vector<16xi32>], vector<16xf32>,
        %get3A_493 = arith.index_cast %scan3A_426 : i32 to index
        %get3A_494 = arith.constant 32 : index
        %get3A_495 = tpu.vector_load %arg19[%get3A_493, %get3A_494] {strides = array<i32>} : memref<64x128xf32, #tpu.memory_space<vmem>>, vector<16xf32>,
        %get3A_496 = arith.index_cast %scan3A_426 : i32 to index
        %get3A_497 = arith.constant 32 : index
        %get3A_498 = tpu.vector_load %arg20[%get3A_496, %get3A_497] {strides = array<i32>} : memref<64x256xf32, #tpu.memory_space<vmem>>, vector<16xf32>,
        %get3A_499 = arith.index_cast %scan3A_426 : i32 to index
        %get3A_500 = arith.constant 160 : index
        %get3A_501 = tpu.vector_load %arg20[%get3A_499, %get3A_500] {strides = array<i32>} : memref<64x256xf32, #tpu.memory_space<vmem>>, vector<16xf32>,
        %add3A_502 = arith.addi %mul3A_449, %add3A_104 : vector<16xi32>
        %gather3A_503 = tpu.vector_load_idx %arg21[%add3A_502] : memref<41088xf32, #tpu.memory_space<vmem>>[vector<16xi32>], vector<16xf32>,
        %add3A_504 = arith.addi %mul3A_449, %add3A_104 : vector<16xi32>
        %mul3A_505 = arith.mulf %get3A_501, %get3A_495 : vector<16xf32>
        %add3A_506 = arith.addf %mul3A_505, %get3A_498 : vector<16xf32>
        %max3A_507 = arith.constant 0.000000e+00 : f32
        %max3A_508 = vector.broadcast %max3A_507 : f32 to vector<16xf32>
        %max3A_509 = arith.maximumf %add3A_506, %max3A_508 : vector<16xf32>
        %add3A_510 = arith.addf %gather3A_503, %max3A_509 : vector<16xf32>
        tpu.vector_store_idx %arg21[%add3A_504], %add3A_510 : memref<41088xf32, #tpu.memory_space<vmem>>[vector<16xi32>], vector<16xf32>,
        %get3A_511 = arith.index_cast %scan3A_426 : i32 to index
        %get3A_512 = arith.constant 48 : index
        %get3A_513 = tpu.vector_load %arg19[%get3A_511, %get3A_512] {strides = array<i32>} : memref<64x128xf32, #tpu.memory_space<vmem>>, vector<16xf32>,
        %get3A_514 = arith.index_cast %scan3A_426 : i32 to index
        %get3A_515 = arith.constant 48 : index
        %get3A_516 = tpu.vector_load %arg20[%get3A_514, %get3A_515] {strides = array<i32>} : memref<64x256xf32, #tpu.memory_space<vmem>>, vector<16xf32>,
        %get3A_517 = arith.index_cast %scan3A_426 : i32 to index
        %get3A_518 = arith.constant 176 : index
        %get3A_519 = tpu.vector_load %arg20[%get3A_517, %get3A_518] {strides = array<i32>} : memref<64x256xf32, #tpu.memory_space<vmem>>, vector<16xf32>,
        %add3A_520 = arith.addi %mul3A_449, %add3A_108 : vector<16xi32>
        %gather3A_521 = tpu.vector_load_idx %arg21[%add3A_520] : memref<41088xf32, #tpu.memory_space<vmem>>[vector<16xi32>], vector<16xf32>,
        %add3A_522 = arith.addi %mul3A_449, %add3A_108 : vector<16xi32>
        %mul3A_523 = arith.mulf %get3A_519, %get3A_513 : vector<16xf32>
        %add3A_524 = arith.addf %mul3A_523, %get3A_516 : vector<16xf32>
        %max3A_525 = arith.constant 0.000000e+00 : f32
        %max3A_526 = vector.broadcast %max3A_525 : f32 to vector<16xf32>
        %max3A_527 = arith.maximumf %add3A_524, %max3A_526 : vector<16xf32>
        %add3A_528 = arith.addf %gather3A_521, %max3A_527 : vector<16xf32>
        tpu.vector_store_idx %arg21[%add3A_522], %add3A_528 : memref<41088xf32, #tpu.memory_space<vmem>>[vector<16xi32>], vector<16xf32>,
        %get3A_529 = arith.index_cast %scan3A_426 : i32 to index
        %get3A_530 = arith.constant 64 : index
        %get3A_531 = tpu.vector_load %arg19[%get3A_529, %get3A_530] {strides = array<i32>} : memref<64x128xf32, #tpu.memory_space<vmem>>, vector<16xf32>,
        %get3A_532 = arith.index_cast %scan3A_426 : i32 to index
        %get3A_533 = arith.constant 64 : index
        %get3A_534 = tpu.vector_load %arg20[%get3A_532, %get3A_533] {strides = array<i32>} : memref<64x256xf32, #tpu.memory_space<vmem>>, vector<16xf32>,
        %get3A_535 = arith.index_cast %scan3A_426 : i32 to index
        %get3A_536 = arith.constant 192 : index
        %get3A_537 = tpu.vector_load %arg20[%get3A_535, %get3A_536] {strides = array<i32>} : memref<64x256xf32, #tpu.memory_space<vmem>>, vector<16xf32>,
        %add3A_538 = arith.addi %mul3A_449, %add3A_112 : vector<16xi32>
        %gather3A_539 = tpu.vector_load_idx %arg21[%add3A_538] : memref<41088xf32, #tpu.memory_space<vmem>>[vector<16xi32>], vector<16xf32>,
        %add3A_540 = arith.addi %mul3A_449, %add3A_112 : vector<16xi32>
        %mul3A_541 = arith.mulf %get3A_537, %get3A_531 : vector<16xf32>
        %add3A_542 = arith.addf %mul3A_541, %get3A_534 : vector<16xf32>
        %max3A_543 = arith.constant 0.000000e+00 : f32
        %max3A_544 = vector.broadcast %max3A_543 : f32 to vector<16xf32>
        %max3A_545 = arith.maximumf %add3A_542, %max3A_544 : vector<16xf32>
        %add3A_546 = arith.addf %gather3A_539, %max3A_545 : vector<16xf32>
        tpu.vector_store_idx %arg21[%add3A_540], %add3A_546 : memref<41088xf32, #tpu.memory_space<vmem>>[vector<16xi32>], vector<16xf32>,
        %get3A_547 = arith.index_cast %scan3A_426 : i32 to index
        %get3A_548 = arith.constant 80 : index
        %get3A_549 = tpu.vector_load %arg19[%get3A_547, %get3A_548] {strides = array<i32>} : memref<64x128xf32, #tpu.memory_space<vmem>>, vector<16xf32>,
        %get3A_550 = arith.index_cast %scan3A_426 : i32 to index
        %get3A_551 = arith.constant 80 : index
        %get3A_552 = tpu.vector_load %arg20[%get3A_550, %get3A_551] {strides = array<i32>} : memref<64x256xf32, #tpu.memory_space<vmem>>, vector<16xf32>,
        %get3A_553 = arith.index_cast %scan3A_426 : i32 to index
        %get3A_554 = arith.constant 208 : index
        %get3A_555 = tpu.vector_load %arg20[%get3A_553, %get3A_554] {strides = array<i32>} : memref<64x256xf32, #tpu.memory_space<vmem>>, vector<16xf32>,
        %add3A_556 = arith.addi %mul3A_449, %add3A_116 : vector<16xi32>
        %gather3A_557 = tpu.vector_load_idx %arg21[%add3A_556] : memref<41088xf32, #tpu.memory_space<vmem>>[vector<16xi32>], vector<16xf32>,
        %add3A_558 = arith.addi %mul3A_449, %add3A_116 : vector<16xi32>
        %mul3A_559 = arith.mulf %get3A_555, %get3A_549 : vector<16xf32>
        %add3A_560 = arith.addf %mul3A_559, %get3A_552 : vector<16xf32>
        %max3A_561 = arith.constant 0.000000e+00 : f32
        %max3A_562 = vector.broadcast %max3A_561 : f32 to vector<16xf32>
        %max3A_563 = arith.maximumf %add3A_560, %max3A_562 : vector<16xf32>
        %add3A_564 = arith.addf %gather3A_557, %max3A_563 : vector<16xf32>
        tpu.vector_store_idx %arg21[%add3A_558], %add3A_564 : memref<41088xf32, #tpu.memory_space<vmem>>[vector<16xi32>], vector<16xf32>,
        %get3A_565 = arith.index_cast %scan3A_426 : i32 to index
        %get3A_566 = arith.constant 96 : index
        %get3A_567 = tpu.vector_load %arg19[%get3A_565, %get3A_566] {strides = array<i32>} : memref<64x128xf32, #tpu.memory_space<vmem>>, vector<16xf32>,
        %get3A_568 = arith.index_cast %scan3A_426 : i32 to index
        %get3A_569 = arith.constant 96 : index
        %get3A_570 = tpu.vector_load %arg20[%get3A_568, %get3A_569] {strides = array<i32>} : memref<64x256xf32, #tpu.memory_space<vmem>>, vector<16xf32>,
        %get3A_571 = arith.index_cast %scan3A_426 : i32 to index
        %get3A_572 = arith.constant 224 : index
        %get3A_573 = tpu.vector_load %arg20[%get3A_571, %get3A_572] {strides = array<i32>} : memref<64x256xf32, #tpu.memory_space<vmem>>, vector<16xf32>,
        %add3A_574 = arith.addi %mul3A_449, %add3A_120 : vector<16xi32>
        %gather3A_575 = tpu.vector_load_idx %arg21[%add3A_574] : memref<41088xf32, #tpu.memory_space<vmem>>[vector<16xi32>], vector<16xf32>,
        %add3A_576 = arith.addi %mul3A_449, %add3A_120 : vector<16xi32>
        %mul3A_577 = arith.mulf %get3A_573, %get3A_567 : vector<16xf32>
        %add3A_578 = arith.addf %mul3A_577, %get3A_570 : vector<16xf32>
        %max3A_579 = arith.constant 0.000000e+00 : f32
        %max3A_580 = vector.broadcast %max3A_579 : f32 to vector<16xf32>
        %max3A_581 = arith.maximumf %add3A_578, %max3A_580 : vector<16xf32>
        %add3A_582 = arith.addf %gather3A_575, %max3A_581 : vector<16xf32>
        tpu.vector_store_idx %arg21[%add3A_576], %add3A_582 : memref<41088xf32, #tpu.memory_space<vmem>>[vector<16xi32>], vector<16xf32>,
        %get3A_583 = arith.index_cast %scan3A_426 : i32 to index
        %get3A_584 = arith.constant 112 : index
        %get3A_585 = tpu.vector_load %arg19[%get3A_583, %get3A_584] {strides = array<i32>} : memref<64x128xf32, #tpu.memory_space<vmem>>, vector<16xf32>,
        %get3A_586 = arith.index_cast %scan3A_426 : i32 to index
        %get3A_587 = arith.constant 112 : index
        %get3A_588 = tpu.vector_load %arg20[%get3A_586, %get3A_587] {strides = array<i32>} : memref<64x256xf32, #tpu.memory_space<vmem>>, vector<16xf32>,
        %get3A_589 = arith.index_cast %scan3A_426 : i32 to index
        %get3A_590 = arith.constant 240 : index
        %get3A_591 = tpu.vector_load %arg20[%get3A_589, %get3A_590] {strides = array<i32>} : memref<64x256xf32, #tpu.memory_space<vmem>>, vector<16xf32>,
        %add3A_592 = arith.addi %mul3A_449, %add3A_124 : vector<16xi32>
        %gather3A_593 = tpu.vector_load_idx %arg21[%add3A_592] : memref<41088xf32, #tpu.memory_space<vmem>>[vector<16xi32>], vector<16xf32>,
        %add3A_594 = arith.addi %mul3A_449, %add3A_124 : vector<16xi32>
        %mul3A_595 = arith.mulf %get3A_591, %get3A_585 : vector<16xf32>
        %add3A_596 = arith.addf %mul3A_595, %get3A_588 : vector<16xf32>
        %max3A_597 = arith.constant 0.000000e+00 : f32
        %max3A_598 = vector.broadcast %max3A_597 : f32 to vector<16xf32>
        %max3A_599 = arith.maximumf %add3A_596, %max3A_598 : vector<16xf32>
        %add3A_600 = arith.addf %gather3A_593, %max3A_599 : vector<16xf32>
        tpu.vector_store_idx %arg21[%add3A_594], %add3A_600 : memref<41088xf32, #tpu.memory_space<vmem>>[vector<16xi32>], vector<16xf32>,
        %scan3A_601 = arith.constant 0 : i32
        scf.yield %scan3A_601 : i32
      }
      %scan3A_424 = arith.constant 64 : i32
      %while3A_425 = arith.constant 0 : i32
      scf.yield %while3A_425 : i32
    }
    %dma_wait3A_207 = arith.constant 0 : i32
    %dma_wait3A_208 = arith.constant 0 : i32
    %dma_wait3A_209 = tpu.memref_slice %arg2[%dma_wait3A_207, %dma_wait3A_208] : memref<10000x128xf32, #tpu.memory_space<hbm>> -> memref<10000x128xf32, #tpu.memory_space<hbm>>
    tpu.wait_indirect_dma semaphore(%arg23 : memref<!tpu.dma_semaphore, #tpu.memory_space<semaphore_mem>>) src(%dma_wait3A_209 : memref<10000x128xf32, #tpu.memory_space<hbm>>) dst(%arg15 : memref<64x128xf32, #tpu.memory_space<vmem>>)
    %dma_wait3A_210 = arith.constant 0 : i32
    %dma_wait3A_211 = arith.constant 0 : i32
    %dma_wait3A_212 = tpu.memref_slice %arg3[%dma_wait3A_210, %dma_wait3A_211] : memref<10000x256xf32, #tpu.memory_space<hbm>> -> memref<10000x256xf32, #tpu.memory_space<hbm>>
    tpu.wait_indirect_dma semaphore(%arg24 : memref<!tpu.dma_semaphore, #tpu.memory_space<semaphore_mem>>) src(%dma_wait3A_212 : memref<10000x256xf32, #tpu.memory_space<hbm>>) dst(%arg16 : memref<64x256xf32, #tpu.memory_space<vmem>>)
    %mul3A_213 = arith.constant 128 : i32
    %mul3A_214 = arith.muli %mul3A_2, %mul3A_213 : i32
    "tpu.region"() ({
      %run_scoped3A = tpu.sem_alloc : memref<!tpu.dma_semaphore, #tpu.memory_space<semaphore_mem>>
      %dma_start3A_217 = arith.constant 0 : i32
      %dma_start3A_218 = tpu.memref_slice %arg21[%dma_start3A_217] : memref<41088xf32, #tpu.memory_space<vmem>> -> memref<40960xf32, #tpu.memory_space<vmem>>
      %dma_start3A_219 = tpu.memref_slice %arg6[%mul3A_214] : memref<1310720xf32, #tpu.memory_space<hbm>> -> memref<40960xf32, #tpu.memory_space<hbm>>
      %dma_start3A_220 = tpu.memref_slice %arg6[%mul3A_214] : memref<1310720xf32, #tpu.memory_space<hbm>> -> memref<40960xf32, #tpu.memory_space<hbm>>
      %dma_start3A_221 = arith.constant 0 : i32
      %dma_start3A_222 = tpu.memref_slice %arg21[%dma_start3A_221] : memref<41088xf32, #tpu.memory_space<vmem>> -> memref<40960xf32, #tpu.memory_space<vmem>>
      tpu.enqueue_dma source(%dma_start3A_222 : memref<40960xf32, #tpu.memory_space<vmem>>) target(%dma_start3A_220 : memref<40960xf32, #tpu.memory_space<hbm>>) target_semaphore(%run_scoped3A : memref<!tpu.dma_semaphore, #tpu.memory_space<semaphore_mem>>)
      %dma_wait3A_223 = arith.constant 0 : i32
      %dma_wait3A_224 = tpu.memref_slice %arg21[%dma_wait3A_223] : memref<41088xf32, #tpu.memory_space<vmem>> -> memref<40960xf32, #tpu.memory_space<vmem>>
      %dma_wait3A_225 = tpu.memref_slice %arg6[%mul3A_214] : memref<1310720xf32, #tpu.memory_space<hbm>> -> memref<40960xf32, #tpu.memory_space<hbm>>
      %dma_wait3A_226 = tpu.memref_slice %arg6[%mul3A_214] : memref<1310720xf32, #tpu.memory_space<hbm>> -> memref<40960xf32, #tpu.memory_space<hbm>>
      %dma_wait3A_227 = arith.constant 0 : i32
      %dma_wait3A_228 = tpu.memref_slice %arg21[%dma_wait3A_227] : memref<41088xf32, #tpu.memory_space<vmem>> -> memref<40960xf32, #tpu.memory_space<vmem>>
      tpu.wait_dma2 semaphore(%run_scoped3A : memref<!tpu.dma_semaphore, #tpu.memory_space<semaphore_mem>>) src(%dma_wait3A_228 : memref<40960xf32, #tpu.memory_space<vmem>>) dst(%dma_wait3A_226 : memref<40960xf32, #tpu.memory_space<hbm>>)
      tpu.yield
    }) : () -> ()
    %mul3A_215 = arith.constant 16 : i32
    %mul3A_216 = arith.muli %mul3A_2, %mul3A_215 : i32
    "tpu.region"() ({
      %run_scoped3A = tpu.sem_alloc : memref<!tpu.dma_semaphore, #tpu.memory_space<semaphore_mem>>
      %dma_start3A_217 = arith.constant 0 : i32
      %dma_start3A_218 = tpu.memref_slice %arg22[%dma_start3A_217] : memref<5136xf32, #tpu.memory_space<vmem>> -> memref<5120xf32, #tpu.memory_space<vmem>>
      %dma_start3A_219 = tpu.memref_slice %arg7[%mul3A_216] : memref<163840xf32, #tpu.memory_space<hbm>> -> memref<5120xf32, #tpu.memory_space<hbm>>
      %dma_start3A_220 = tpu.memref_slice %arg7[%mul3A_216] : memref<163840xf32, #tpu.memory_space<hbm>> -> memref<5120xf32, #tpu.memory_space<hbm>>
      %dma_start3A_221 = arith.constant 0 : i32
      %dma_start3A_222 = tpu.memref_slice %arg22[%dma_start3A_221] : memref<5136xf32, #tpu.memory_space<vmem>> -> memref<5120xf32, #tpu.memory_space<vmem>>
      tpu.enqueue_dma source(%dma_start3A_222 : memref<5120xf32, #tpu.memory_space<vmem>>) target(%dma_start3A_220 : memref<5120xf32, #tpu.memory_space<hbm>>) target_semaphore(%run_scoped3A : memref<!tpu.dma_semaphore, #tpu.memory_space<semaphore_mem>>)
      %dma_wait3A_223 = arith.constant 0 : i32
      %dma_wait3A_224 = tpu.memref_slice %arg22[%dma_wait3A_223] : memref<5136xf32, #tpu.memory_space<vmem>> -> memref<5120xf32, #tpu.memory_space<vmem>>
      %dma_wait3A_225 = tpu.memref_slice %arg7[%mul3A_216] : memref<163840xf32, #tpu.memory_space<hbm>> -> memref<5120xf32, #tpu.memory_space<hbm>>
      %dma_wait3A_226 = tpu.memref_slice %arg7[%mul3A_216] : memref<163840xf32, #tpu.memory_space<hbm>> -> memref<5120xf32, #tpu.memory_space<hbm>>
      %dma_wait3A_227 = arith.constant 0 : i32
      %dma_wait3A_228 = tpu.memref_slice %arg22[%dma_wait3A_227] : memref<5136xf32, #tpu.memory_space<vmem>> -> memref<5120xf32, #tpu.memory_space<vmem>>
      tpu.wait_dma2 semaphore(%run_scoped3A : memref<!tpu.dma_semaphore, #tpu.memory_space<semaphore_mem>>) src(%dma_wait3A_228 : memref<5120xf32, #tpu.memory_space<vmem>>) dst(%dma_wait3A_226 : memref<5120xf32, #tpu.memory_space<hbm>>)
      tpu.yield
    }) : () -> ()
    return
  }
}

module attributes {stable_mosaic.version = 14 : i64} {
  func.func @_pre_body(%arg0: i32, %arg1: memref<1000x128xf32, #tpu.memory_space<vmem>>, %arg2: memref<128x128xf32, #tpu.memory_space<vmem>>, %arg3: memref<128x256xf32, #tpu.memory_space<vmem>>, %arg4: memref<128x128xf32, #tpu.memory_space<vmem>>, %arg5: memref<128x256xf32, #tpu.memory_space<vmem>>, %arg6: memref<1x256xf32, #tpu.memory_space<vmem>>, %arg7: memref<1000x128xf32, #tpu.memory_space<vmem>>, %arg8: memref<1000x128xf32, #tpu.memory_space<vmem>>, %arg9: memref<1000x256xf32, #tpu.memory_space<vmem>>) attributes {dimension_semantics = [#tpu.dimension_semantics<arbitrary>], iteration_bounds = array<i64: 10>, scalar_prefetch = 0 : i64, scratch_operands = 0 : i64, tpu.core_type = #tpu.core_type<tc>, window_params = [{transform_indices = @transform_0, window_bounds = array<i64: 1000, 128>}, {pipeline_mode = #tpu.pipeline_mode<synchronous>, transform_indices = @transform_1, window_bounds = array<i64: 128, 128>}, {pipeline_mode = #tpu.pipeline_mode<synchronous>, transform_indices = @transform_2, window_bounds = array<i64: 128, 256>}, {pipeline_mode = #tpu.pipeline_mode<synchronous>, transform_indices = @transform_3, window_bounds = array<i64: 128, 128>}, {pipeline_mode = #tpu.pipeline_mode<synchronous>, transform_indices = @transform_4, window_bounds = array<i64: 128, 256>}, {pipeline_mode = #tpu.pipeline_mode<synchronous>, transform_indices = @transform_5, window_bounds = array<i64: 1, 256>}, {transform_indices = @transform_6, window_bounds = array<i64: 1000, 128>}, {transform_indices = @transform_7, window_bounds = array<i64: 1000, 128>}, {transform_indices = @transform_8, window_bounds = array<i64: 1000, 256>}]} {
    %get3A = arith.constant 0 : index
    %get3A_0 = arith.constant 0 : index
    %get3A_1 = vector.load %arg1[%get3A, %get3A_0] : memref<1000x128xf32, #tpu.memory_space<vmem>>, vector<1000x128xf32>
    %get3A_2 = arith.constant 0 : index
    %get3A_3 = arith.constant 0 : index
    %get3A_4 = vector.load %arg3[%get3A_2, %get3A_3] : memref<128x256xf32, #tpu.memory_space<vmem>>, vector<128x256xf32>
    %dot_general3A = arith.constant dense<0.000000e+00> : vector<1000x256xf32>
    %dot_general3A_5 = tpu.matmul %get3A_1, %get3A_4, %dot_general3A {dimension_numbers = #tpu.dot_dimension_numbers<[1], [0], [0], [1], [0, 0, 1, 1], [], []>, transpose_lhs_hint = false} : vector<1000x128xf32>, vector<128x256xf32>, vector<1000x256xf32> -> vector<1000x256xf32>
    %slice3A = vector.extract_strided_slice %dot_general3A_5 {offsets = [0, 0], sizes = [1000, 128], strides = [1, 1]} : vector<1000x256xf32> to vector<1000x128xf32>
    %slice3A_6 = vector.extract_strided_slice %dot_general3A_5 {offsets = [0, 128], sizes = [1000, 128], strides = [1, 1]} : vector<1000x256xf32> to vector<1000x128xf32>
    %get3A_7 = arith.constant 0 : index
    %get3A_8 = arith.constant 0 : index
    %get3A_9 = vector.load %arg2[%get3A_7, %get3A_8] : memref<128x128xf32, #tpu.memory_space<vmem>>, vector<128x128xf32>
    %dot_general3A_10 = arith.constant dense<0.000000e+00> : vector<1000x128xf32>
    %dot_general3A_11 = tpu.matmul %get3A_1, %get3A_9, %dot_general3A_10 {dimension_numbers = #tpu.dot_dimension_numbers<[1], [0], [0], [1], [0, 0, 1, 1], [], []>, transpose_lhs_hint = false} : vector<1000x128xf32>, vector<128x128xf32>, vector<1000x128xf32> -> vector<1000x128xf32>
    %mul3A = arith.mulf %slice3A_6, %dot_general3A_11 : vector<1000x128xf32>
    %add3A = arith.addf %mul3A, %slice3A : vector<1000x128xf32>
    %max3A = arith.constant 0.000000e+00 : f32
    %max3A_12 = vector.broadcast %max3A : f32 to vector<1000x128xf32>
    %max3A_13 = arith.maximumf %add3A, %max3A_12 : vector<1000x128xf32>
    %swap3A = arith.constant 0 : index
    %swap3A_14 = arith.constant 0 : index
    %swap3A_15 = vector.load %arg7[%swap3A, %swap3A_14] : memref<1000x128xf32, #tpu.memory_space<vmem>>, vector<1000x128xf32>
    tpu.vector_store %arg7[%swap3A, %swap3A_14], %max3A_13 {strides = array<i32>} : memref<1000x128xf32, #tpu.memory_space<vmem>>, vector<1000x128xf32>,
    %get3A_16 = arith.constant 0 : index
    %get3A_17 = arith.constant 0 : index
    %get3A_18 = vector.load %arg4[%get3A_16, %get3A_17] : memref<128x128xf32, #tpu.memory_space<vmem>>, vector<128x128xf32>
    %dot_general3A_19 = arith.constant dense<0.000000e+00> : vector<1000x128xf32>
    %dot_general3A_20 = tpu.matmul %get3A_1, %get3A_18, %dot_general3A_19 {dimension_numbers = #tpu.dot_dimension_numbers<[1], [0], [0], [1], [0, 0, 1, 1], [], []>, transpose_lhs_hint = false} : vector<1000x128xf32>, vector<128x128xf32>, vector<1000x128xf32> -> vector<1000x128xf32>
    %swap3A_21 = arith.constant 0 : index
    %swap3A_22 = arith.constant 0 : index
    %swap3A_23 = vector.load %arg8[%swap3A_21, %swap3A_22] : memref<1000x128xf32, #tpu.memory_space<vmem>>, vector<1000x128xf32>
    tpu.vector_store %arg8[%swap3A_21, %swap3A_22], %dot_general3A_20 {strides = array<i32>} : memref<1000x128xf32, #tpu.memory_space<vmem>>, vector<1000x128xf32>,
    %get3A_24 = arith.constant 0 : index
    %get3A_25 = arith.constant 0 : index
    %get3A_26 = vector.load %arg5[%get3A_24, %get3A_25] : memref<128x256xf32, #tpu.memory_space<vmem>>, vector<128x256xf32>
    %dot_general3A_27 = arith.constant dense<0.000000e+00> : vector<1000x256xf32>
    %dot_general3A_28 = tpu.matmul %get3A_1, %get3A_26, %dot_general3A_27 {dimension_numbers = #tpu.dot_dimension_numbers<[1], [0], [0], [1], [0, 0, 1, 1], [], []>, transpose_lhs_hint = false} : vector<1000x128xf32>, vector<128x256xf32>, vector<1000x256xf32> -> vector<1000x256xf32>
    %get3A_29 = arith.constant 0 : index
    %get3A_30 = arith.constant 0 : index
    %get3A_31 = vector.load %arg6[%get3A_29, %get3A_30] : memref<1x256xf32, #tpu.memory_space<vmem>>, vector<1x256xf32>
    %add3A_32 = vector.broadcast %get3A_31 : vector<1x256xf32> to vector<1000x256xf32>
    %add3A_33 = arith.addf %dot_general3A_28, %add3A_32 : vector<1000x256xf32>
    %swap3A_34 = arith.constant 0 : index
    %swap3A_35 = arith.constant 0 : index
    %swap3A_36 = vector.load %arg9[%swap3A_34, %swap3A_35] : memref<1000x256xf32, #tpu.memory_space<vmem>>, vector<1000x256xf32>
    tpu.vector_store %arg9[%swap3A_34, %swap3A_35], %add3A_33 {strides = array<i32>} : memref<1000x256xf32, #tpu.memory_space<vmem>>, vector<1000x256xf32>,
    return
  }
  func.func @transform_0(%arg0: i32) -> (i32, i32) {
    %c0_i32 = arith.constant 0 : i32
    %c0_i32_0 = arith.constant 0 : i32
    return %arg0, %c0_i32 : i32, i32
  }
  func.func @transform_1(%arg0: i32) -> (i32, i32) {
    %c0_i32 = arith.constant 0 : i32
    %c0_i32_0 = arith.constant 0 : i32
    %c0_i32_1 = arith.constant 0 : i32
    return %c0_i32, %c0_i32_0 : i32, i32
  }
  func.func @transform_2(%arg0: i32) -> (i32, i32) {
    %c0_i32 = arith.constant 0 : i32
    %c0_i32_0 = arith.constant 0 : i32
    %c0_i32_1 = arith.constant 0 : i32
    return %c0_i32, %c0_i32_0 : i32, i32
  }
  func.func @transform_3(%arg0: i32) -> (i32, i32) {
    %c0_i32 = arith.constant 0 : i32
    %c0_i32_0 = arith.constant 0 : i32
    %c0_i32_1 = arith.constant 0 : i32
    return %c0_i32, %c0_i32_0 : i32, i32
  }
  func.func @transform_4(%arg0: i32) -> (i32, i32) {
    %c0_i32 = arith.constant 0 : i32
    %c0_i32_0 = arith.constant 0 : i32
    %c0_i32_1 = arith.constant 0 : i32
    return %c0_i32, %c0_i32_0 : i32, i32
  }
  func.func @transform_5(%arg0: i32) -> (i32, i32) {
    %c0_i32 = arith.constant 0 : i32
    %c0_i32_0 = arith.constant 0 : i32
    %c0_i32_1 = arith.constant 0 : i32
    return %c0_i32, %c0_i32_0 : i32, i32
  }
  func.func @transform_6(%arg0: i32) -> (i32, i32) {
    %c0_i32 = arith.constant 0 : i32
    %c0_i32_0 = arith.constant 0 : i32
    return %arg0, %c0_i32 : i32, i32
  }
  func.func @transform_7(%arg0: i32) -> (i32, i32) {
    %c0_i32 = arith.constant 0 : i32
    %c0_i32_0 = arith.constant 0 : i32
    return %arg0, %c0_i32 : i32, i32
  }
  func.func @transform_8(%arg0: i32) -> (i32, i32) {
    %c0_i32 = arith.constant 0 : i32
    %c0_i32_0 = arith.constant 0 : i32
    return %arg0, %c0_i32 : i32, i32
  }
}

module attributes {stable_mosaic.version = 14 : i64} {
  func.func @_mlp_body(%arg0: i32, %arg1: memref<1000x128xf32, #tpu.memory_space<vmem>>, %arg2: memref<1000x128xf32, #tpu.memory_space<vmem>>, %arg3: memref<1000x16xf32, #tpu.memory_space<vmem>>, %arg4: memref<128x256xf32, #tpu.memory_space<vmem>>, %arg5: memref<1x256xf32, #tpu.memory_space<vmem>>, %arg6: memref<256x256xf32, #tpu.memory_space<vmem>>, %arg7: memref<1x256xf32, #tpu.memory_space<vmem>>, %arg8: memref<256x256xf32, #tpu.memory_space<vmem>>, %arg9: memref<1x256xf32, #tpu.memory_space<vmem>>, %arg10: memref<256x128xf32, #tpu.memory_space<vmem>>, %arg11: memref<1x128xf32, #tpu.memory_space<vmem>>, %arg12: memref<1000x128xf32, #tpu.memory_space<vmem>>, %arg13: memref<8x128xf32, #tpu.memory_space<vmem>>) attributes {dimension_semantics = [#tpu.dimension_semantics<arbitrary>], iteration_bounds = array<i64: 10>, scalar_prefetch = 0 : i64, scratch_operands = 0 : i64, tpu.core_type = #tpu.core_type<tc>, window_params = [{transform_indices = @transform_0, window_bounds = array<i64: 1000, 128>}, {transform_indices = @transform_1, window_bounds = array<i64: 1000, 128>}, {transform_indices = @transform_2, window_bounds = array<i64: 1000, 16>}, {pipeline_mode = #tpu.pipeline_mode<synchronous>, transform_indices = @transform_3, window_bounds = array<i64: 128, 256>}, {pipeline_mode = #tpu.pipeline_mode<synchronous>, transform_indices = @transform_4, window_bounds = array<i64: 1, 256>}, {pipeline_mode = #tpu.pipeline_mode<synchronous>, transform_indices = @transform_5, window_bounds = array<i64: 256, 256>}, {pipeline_mode = #tpu.pipeline_mode<synchronous>, transform_indices = @transform_6, window_bounds = array<i64: 1, 256>}, {pipeline_mode = #tpu.pipeline_mode<synchronous>, transform_indices = @transform_7, window_bounds = array<i64: 256, 256>}, {pipeline_mode = #tpu.pipeline_mode<synchronous>, transform_indices = @transform_8, window_bounds = array<i64: 1, 256>}, {pipeline_mode = #tpu.pipeline_mode<synchronous>, transform_indices = @transform_9, window_bounds = array<i64: 256, 128>}, {pipeline_mode = #tpu.pipeline_mode<synchronous>, transform_indices = @transform_10, window_bounds = array<i64: 1, 128>}, {transform_indices = @transform_11, window_bounds = array<i64: 1000, 128>}, {pipeline_mode = #tpu.pipeline_mode<synchronous>, transform_indices = @transform_12, window_bounds = array<i64: 8, 128>}]} {
    %get3A = arith.constant 0 : index
    %get3A_0 = arith.constant 0 : index
    %get3A_1 = vector.load %arg3[%get3A, %get3A_0] : memref<1000x16xf32, #tpu.memory_space<vmem>>, vector<1000x16xf32>
    %reduce_sum3A = arith.constant dense<0.000000e+00> : vector<1000xf32>
    %reduce_sum3A_2 = vector.multi_reduction <add>, %get3A_1, %reduce_sum3A [1] : vector<1000x16xf32> to vector<1000xf32>
    %broadcast_in_dim3A = vector.shape_cast %reduce_sum3A_2 : vector<1000xf32> to vector<1000x1xf32>
    %max3A = arith.constant 1.000000e+00 : f32
    %max3A_3 = vector.broadcast %max3A : f32 to vector<1000x1xf32>
    %max3A_4 = arith.maximumf %broadcast_in_dim3A, %max3A_3 : vector<1000x1xf32>
    %get3A_5 = arith.constant 0 : index
    %get3A_6 = arith.constant 0 : index
    %get3A_7 = vector.load %arg1[%get3A_5, %get3A_6] : memref<1000x128xf32, #tpu.memory_space<vmem>>, vector<1000x128xf32>
    %get3A_8 = arith.constant 0 : index
    %get3A_9 = arith.constant 0 : index
    %get3A_10 = vector.load %arg2[%get3A_8, %get3A_9] : memref<1000x128xf32, #tpu.memory_space<vmem>>, vector<1000x128xf32>
    %div3A = vector.broadcast %max3A_4 : vector<1000x1xf32> to vector<1000x128xf32>
    %div3A_11 = arith.divf %get3A_10, %div3A : vector<1000x128xf32>
    %add3A = arith.addf %get3A_7, %div3A_11 : vector<1000x128xf32>
    %get3A_12 = arith.constant 0 : index
    %get3A_13 = arith.constant 0 : index
    %get3A_14 = vector.load %arg4[%get3A_12, %get3A_13] : memref<128x256xf32, #tpu.memory_space<vmem>>, vector<128x256xf32>
    %dot_general3A = arith.constant dense<0.000000e+00> : vector<1000x256xf32>
    %dot_general3A_15 = tpu.matmul %add3A, %get3A_14, %dot_general3A {dimension_numbers = #tpu.dot_dimension_numbers<[1], [0], [0], [1], [0, 0, 1, 1], [], []>, transpose_lhs_hint = false} : vector<1000x128xf32>, vector<128x256xf32>, vector<1000x256xf32> -> vector<1000x256xf32>
    %get3A_16 = arith.constant 0 : index
    %get3A_17 = arith.constant 0 : index
    %get3A_18 = vector.load %arg5[%get3A_16, %get3A_17] : memref<1x256xf32, #tpu.memory_space<vmem>>, vector<1x256xf32>
    %add3A_19 = vector.broadcast %get3A_18 : vector<1x256xf32> to vector<1000x256xf32>
    %add3A_20 = arith.addf %dot_general3A_15, %add3A_19 : vector<1000x256xf32>
    %gt3A = arith.constant 0.000000e+00 : f32
    %gt3A_21 = vector.broadcast %gt3A : f32 to vector<1000x256xf32>
    %gt3A_22 = arith.cmpf ogt, %add3A_20, %gt3A_21 : vector<1000x256xf32>
    %mul3A = arith.constant 0.00999999977 : f32
    %mul3A_23 = vector.broadcast %mul3A : f32 to vector<1000x256xf32>
    %mul3A_24 = arith.mulf %mul3A_23, %add3A_20 : vector<1000x256xf32>
    %select_n3A = arith.select %gt3A_22, %add3A_20, %mul3A_24 : vector<1000x256xi1>, vector<1000x256xf32>
    %get3A_25 = arith.constant 0 : index
    %get3A_26 = arith.constant 0 : index
    %get3A_27 = vector.load %arg6[%get3A_25, %get3A_26] : memref<256x256xf32, #tpu.memory_space<vmem>>, vector<256x256xf32>
    %dot_general3A_28 = arith.constant dense<0.000000e+00> : vector<1000x256xf32>
    %dot_general3A_29 = tpu.matmul %select_n3A, %get3A_27, %dot_general3A_28 {dimension_numbers = #tpu.dot_dimension_numbers<[1], [0], [0], [1], [0, 0, 1, 1], [], []>, transpose_lhs_hint = false} : vector<1000x256xf32>, vector<256x256xf32>, vector<1000x256xf32> -> vector<1000x256xf32>
    %get3A_30 = arith.constant 0 : index
    %get3A_31 = arith.constant 0 : index
    %get3A_32 = vector.load %arg7[%get3A_30, %get3A_31] : memref<1x256xf32, #tpu.memory_space<vmem>>, vector<1x256xf32>
    %add3A_33 = vector.broadcast %get3A_32 : vector<1x256xf32> to vector<1000x256xf32>
    %add3A_34 = arith.addf %dot_general3A_29, %add3A_33 : vector<1000x256xf32>
    %gt3A_35 = arith.constant 0.000000e+00 : f32
    %gt3A_36 = vector.broadcast %gt3A_35 : f32 to vector<1000x256xf32>
    %gt3A_37 = arith.cmpf ogt, %add3A_34, %gt3A_36 : vector<1000x256xf32>
    %mul3A_38 = arith.constant 0.00999999977 : f32
    %mul3A_39 = vector.broadcast %mul3A_38 : f32 to vector<1000x256xf32>
    %mul3A_40 = arith.mulf %mul3A_39, %add3A_34 : vector<1000x256xf32>
    %select_n3A_41 = arith.select %gt3A_37, %add3A_34, %mul3A_40 : vector<1000x256xi1>, vector<1000x256xf32>
    %get3A_42 = arith.constant 0 : index
    %get3A_43 = arith.constant 0 : index
    %get3A_44 = vector.load %arg8[%get3A_42, %get3A_43] : memref<256x256xf32, #tpu.memory_space<vmem>>, vector<256x256xf32>
    %dot_general3A_45 = arith.constant dense<0.000000e+00> : vector<1000x256xf32>
    %dot_general3A_46 = tpu.matmul %select_n3A_41, %get3A_44, %dot_general3A_45 {dimension_numbers = #tpu.dot_dimension_numbers<[1], [0], [0], [1], [0, 0, 1, 1], [], []>, transpose_lhs_hint = false} : vector<1000x256xf32>, vector<256x256xf32>, vector<1000x256xf32> -> vector<1000x256xf32>
    %get3A_47 = arith.constant 0 : index
    %get3A_48 = arith.constant 0 : index
    %get3A_49 = vector.load %arg9[%get3A_47, %get3A_48] : memref<1x256xf32, #tpu.memory_space<vmem>>, vector<1x256xf32>
    %add3A_50 = vector.broadcast %get3A_49 : vector<1x256xf32> to vector<1000x256xf32>
    %add3A_51 = arith.addf %dot_general3A_46, %add3A_50 : vector<1000x256xf32>
    %gt3A_52 = arith.constant 0.000000e+00 : f32
    %gt3A_53 = vector.broadcast %gt3A_52 : f32 to vector<1000x256xf32>
    %gt3A_54 = arith.cmpf ogt, %add3A_51, %gt3A_53 : vector<1000x256xf32>
    %mul3A_55 = arith.constant 0.00999999977 : f32
    %mul3A_56 = vector.broadcast %mul3A_55 : f32 to vector<1000x256xf32>
    %mul3A_57 = arith.mulf %mul3A_56, %add3A_51 : vector<1000x256xf32>
    %select_n3A_58 = arith.select %gt3A_54, %add3A_51, %mul3A_57 : vector<1000x256xi1>, vector<1000x256xf32>
    %get3A_59 = arith.constant 0 : index
    %get3A_60 = arith.constant 0 : index
    %get3A_61 = vector.load %arg10[%get3A_59, %get3A_60] : memref<256x128xf32, #tpu.memory_space<vmem>>, vector<256x128xf32>
    %dot_general3A_62 = arith.constant dense<0.000000e+00> : vector<1000x128xf32>
    %dot_general3A_63 = tpu.matmul %select_n3A_58, %get3A_61, %dot_general3A_62 {dimension_numbers = #tpu.dot_dimension_numbers<[1], [0], [0], [1], [0, 0, 1, 1], [], []>, transpose_lhs_hint = false} : vector<1000x256xf32>, vector<256x128xf32>, vector<1000x128xf32> -> vector<1000x128xf32>
    %get3A_64 = arith.constant 0 : index
    %get3A_65 = arith.constant 0 : index
    %get3A_66 = vector.load %arg11[%get3A_64, %get3A_65] : memref<1x128xf32, #tpu.memory_space<vmem>>, vector<1x128xf32>
    %add3A_67 = vector.broadcast %get3A_66 : vector<1x128xf32> to vector<1000x128xf32>
    %add3A_68 = arith.addf %dot_general3A_63, %add3A_67 : vector<1000x128xf32>
    %swap3A = arith.constant 0 : index
    %swap3A_69 = arith.constant 0 : index
    %swap3A_70 = vector.load %arg12[%swap3A, %swap3A_69] : memref<1000x128xf32, #tpu.memory_space<vmem>>, vector<1000x128xf32>
    tpu.vector_store %arg12[%swap3A, %swap3A_69], %add3A_68 {strides = array<i32>} : memref<1000x128xf32, #tpu.memory_space<vmem>>, vector<1000x128xf32>,
    %eq3A = arith.constant 0 : i32
    %eq3A_71 = arith.cmpi eq, %arg0, %eq3A : i32
    %convert_element_type3A = arith.extui %eq3A_71 : i1 to i32
    %cond3A = arith.constant 0 : i32
    %cond3A_72 = arith.cmpi ne, %convert_element_type3A, %cond3A : i32
    scf.if %cond3A_72 {
      %broadcast_in_dim3A_89 = arith.constant 0.000000e+00 : f32
      %broadcast_in_dim3A_90 = vector.broadcast %broadcast_in_dim3A_89 : f32 to vector<8x128xf32>
      %swap3A_91 = arith.constant 0 : index
      %swap3A_92 = arith.constant 0 : index
      %swap3A_93 = vector.load %arg13[%swap3A_91, %swap3A_92] : memref<8x128xf32, #tpu.memory_space<vmem>>, vector<8x128xf32>
      tpu.vector_store %arg13[%swap3A_91, %swap3A_92], %broadcast_in_dim3A_90 {strides = array<i32>} : memref<8x128xf32, #tpu.memory_space<vmem>>, vector<8x128xf32>,
    } else {
    }
    %reduce_sum3A_73 = arith.constant dense<0.000000e+00> : vector<128xf32>
    %reduce_sum3A_74 = vector.multi_reduction <add>, %add3A_68, %reduce_sum3A_73 [0] : vector<1000x128xf32> to vector<128xf32>
    %broadcast_in_dim3A_75 = vector.shape_cast %reduce_sum3A_74 : vector<128xf32> to vector<1x128xf32>
    %mul3A_76 = arith.mulf %add3A_68, %add3A_68 : vector<1000x128xf32>
    %reduce_sum3A_77 = arith.constant dense<0.000000e+00> : vector<128xf32>
    %reduce_sum3A_78 = vector.multi_reduction <add>, %mul3A_76, %reduce_sum3A_77 [0] : vector<1000x128xf32> to vector<128xf32>
    %broadcast_in_dim3A_79 = vector.shape_cast %reduce_sum3A_78 : vector<128xf32> to vector<1x128xf32>
    %get3A_80 = arith.constant 0 : index
    %get3A_81 = arith.constant 0 : index
    %get3A_82 = vector.load %arg13[%get3A_80, %get3A_81] : memref<8x128xf32, #tpu.memory_space<vmem>>, vector<8x128xf32>
    %broadcast_in_dim3A_83 = arith.constant 0.000000e+00 : f32
    %broadcast_in_dim3A_84 = vector.broadcast %broadcast_in_dim3A_83 : f32 to vector<6x128xf32>
    %concatenate3A = tpu.concatenate %broadcast_in_dim3A_75, %broadcast_in_dim3A_79, %broadcast_in_dim3A_84 in 0 : vector<1x128xf32>, vector<1x128xf32>, vector<6x128xf32> -> vector<8x128xf32>
    %add3A_85 = arith.addf %get3A_82, %concatenate3A : vector<8x128xf32>
    %swap3A_86 = arith.constant 0 : index
    %swap3A_87 = arith.constant 0 : index
    %swap3A_88 = vector.load %arg13[%swap3A_86, %swap3A_87] : memref<8x128xf32, #tpu.memory_space<vmem>>, vector<8x128xf32>
    tpu.vector_store %arg13[%swap3A_86, %swap3A_87], %add3A_85 {strides = array<i32>} : memref<8x128xf32, #tpu.memory_space<vmem>>, vector<8x128xf32>,
    return
  }
  func.func @transform_0(%arg0: i32) -> (i32, i32) {
    %c0_i32 = arith.constant 0 : i32
    %c0_i32_0 = arith.constant 0 : i32
    return %arg0, %c0_i32 : i32, i32
  }
  func.func @transform_1(%arg0: i32) -> (i32, i32) {
    %c0_i32 = arith.constant 0 : i32
    %c0_i32_0 = arith.constant 0 : i32
    return %arg0, %c0_i32 : i32, i32
  }
  func.func @transform_2(%arg0: i32) -> (i32, i32) {
    %c0_i32 = arith.constant 0 : i32
    %c0_i32_0 = arith.constant 0 : i32
    return %arg0, %c0_i32 : i32, i32
  }
  func.func @transform_3(%arg0: i32) -> (i32, i32) {
    %c0_i32 = arith.constant 0 : i32
    %c0_i32_0 = arith.constant 0 : i32
    %c0_i32_1 = arith.constant 0 : i32
    return %c0_i32, %c0_i32_0 : i32, i32
  }
  func.func @transform_4(%arg0: i32) -> (i32, i32) {
    %c0_i32 = arith.constant 0 : i32
    %c0_i32_0 = arith.constant 0 : i32
    %c0_i32_1 = arith.constant 0 : i32
    return %c0_i32, %c0_i32_0 : i32, i32
  }
  func.func @transform_5(%arg0: i32) -> (i32, i32) {
    %c0_i32 = arith.constant 0 : i32
    %c0_i32_0 = arith.constant 0 : i32
    %c0_i32_1 = arith.constant 0 : i32
    return %c0_i32, %c0_i32_0 : i32, i32
  }
  func.func @transform_6(%arg0: i32) -> (i32, i32) {
    %c0_i32 = arith.constant 0 : i32
    %c0_i32_0 = arith.constant 0 : i32
    %c0_i32_1 = arith.constant 0 : i32
    return %c0_i32, %c0_i32_0 : i32, i32
  }
  func.func @transform_7(%arg0: i32) -> (i32, i32) {
    %c0_i32 = arith.constant 0 : i32
    %c0_i32_0 = arith.constant 0 : i32
    %c0_i32_1 = arith.constant 0 : i32
    return %c0_i32, %c0_i32_0 : i32, i32
  }
  func.func @transform_8(%arg0: i32) -> (i32, i32) {
    %c0_i32 = arith.constant 0 : i32
    %c0_i32_0 = arith.constant 0 : i32
    %c0_i32_1 = arith.constant 0 : i32
    return %c0_i32, %c0_i32_0 : i32, i32
  }
  func.func @transform_9(%arg0: i32) -> (i32, i32) {
    %c0_i32 = arith.constant 0 : i32
    %c0_i32_0 = arith.constant 0 : i32
    %c0_i32_1 = arith.constant 0 : i32
    return %c0_i32, %c0_i32_0 : i32, i32
  }
  func.func @transform_10(%arg0: i32) -> (i32, i32) {
    %c0_i32 = arith.constant 0 : i32
    %c0_i32_0 = arith.constant 0 : i32
    %c0_i32_1 = arith.constant 0 : i32
    return %c0_i32, %c0_i32_0 : i32, i32
  }
  func.func @transform_11(%arg0: i32) -> (i32, i32) {
    %c0_i32 = arith.constant 0 : i32
    %c0_i32_0 = arith.constant 0 : i32
    return %arg0, %c0_i32 : i32, i32
  }
  func.func @transform_12(%arg0: i32) -> (i32, i32) {
    %c0_i32 = arith.constant 0 : i32
    %c0_i32_0 = arith.constant 0 : i32
    %c0_i32_1 = arith.constant 0 : i32
    return %c0_i32, %c0_i32_0 : i32, i32
  }
}

module attributes {stable_mosaic.version = 14 : i64} {
  func.func @_norm_body(%arg0: i32, %arg1: memref<1000x128xf32, #tpu.memory_space<vmem>>, %arg2: memref<8x128xf32, #tpu.memory_space<vmem>>, %arg3: memref<1x128xf32, #tpu.memory_space<vmem>>, %arg4: memref<1x128xf32, #tpu.memory_space<vmem>>, %arg5: memref<1x128xf32, #tpu.memory_space<vmem>>, %arg6: memref<1000x128xf32, #tpu.memory_space<vmem>>) attributes {dimension_semantics = [#tpu.dimension_semantics<arbitrary>], iteration_bounds = array<i64: 10>, scalar_prefetch = 0 : i64, scratch_operands = 0 : i64, tpu.core_type = #tpu.core_type<tc>, window_params = [{transform_indices = @transform_0, window_bounds = array<i64: 1000, 128>}, {pipeline_mode = #tpu.pipeline_mode<synchronous>, transform_indices = @transform_1, window_bounds = array<i64: 8, 128>}, {pipeline_mode = #tpu.pipeline_mode<synchronous>, transform_indices = @transform_2, window_bounds = array<i64: 1, 128>}, {pipeline_mode = #tpu.pipeline_mode<synchronous>, transform_indices = @transform_3, window_bounds = array<i64: 1, 128>}, {pipeline_mode = #tpu.pipeline_mode<synchronous>, transform_indices = @transform_4, window_bounds = array<i64: 1, 128>}, {transform_indices = @transform_5, window_bounds = array<i64: 1000, 128>}]} {
    %get3A = arith.constant 0 : index
    %get3A_0 = arith.constant 0 : index
    %get3A_1 = vector.load %arg2[%get3A, %get3A_0] : memref<8x128xf32, #tpu.memory_space<vmem>>, vector<1x128xf32>
    %get3A_2 = arith.constant 1 : index
    %get3A_3 = arith.constant 0 : index
    %get3A_4 = vector.load %arg2[%get3A_2, %get3A_3] : memref<8x128xf32, #tpu.memory_space<vmem>>, vector<1x128xf32>
    %mul3A = arith.constant 9.99999974E-5 : f32
    %mul3A_5 = vector.broadcast %mul3A : f32 to vector<1x128xf32>
    %mul3A_6 = arith.mulf %get3A_1, %mul3A_5 : vector<1x128xf32>
    %get3A_7 = arith.constant 0 : index
    %get3A_8 = arith.constant 0 : index
    %get3A_9 = vector.load %arg5[%get3A_7, %get3A_8] : memref<1x128xf32, #tpu.memory_space<vmem>>, vector<1x128xf32>
    %mul3A_10 = arith.mulf %get3A_9, %mul3A_6 : vector<1x128xf32>
    %mul3A_11 = arith.constant 9.99999974E-5 : f32
    %mul3A_12 = vector.broadcast %mul3A_11 : f32 to vector<1x128xf32>
    %mul3A_13 = arith.mulf %get3A_4, %mul3A_12 : vector<1x128xf32>
    %mul3A_14 = arith.constant 2.000000e+00 : f32
    %mul3A_15 = vector.broadcast %mul3A_14 : f32 to vector<1x128xf32>
    %mul3A_16 = arith.mulf %mul3A_15, %mul3A_10 : vector<1x128xf32>
    %mul3A_17 = arith.mulf %mul3A_16, %mul3A_6 : vector<1x128xf32>
    %sub3A = arith.subf %mul3A_13, %mul3A_17 : vector<1x128xf32>
    %mul3A_18 = arith.mulf %mul3A_10, %mul3A_10 : vector<1x128xf32>
    %add3A = arith.addf %sub3A, %mul3A_18 : vector<1x128xf32>
    %get3A_19 = arith.constant 0 : index
    %get3A_20 = arith.constant 0 : index
    %get3A_21 = vector.load %arg3[%get3A_19, %get3A_20] : memref<1x128xf32, #tpu.memory_space<vmem>>, vector<1x128xf32>
    %add3A_22 = arith.constant 9.99999974E-6 : f32
    %add3A_23 = vector.broadcast %add3A_22 : f32 to vector<1x128xf32>
    %add3A_24 = arith.addf %add3A, %add3A_23 : vector<1x128xf32>
    %rsqrt3A = math.rsqrt %add3A_24 : vector<1x128xf32>
    %mul3A_25 = arith.mulf %get3A_21, %rsqrt3A : vector<1x128xf32>
    %get3A_26 = arith.constant 0 : index
    %get3A_27 = arith.constant 0 : index
    %get3A_28 = vector.load %arg1[%get3A_26, %get3A_27] : memref<1000x128xf32, #tpu.memory_space<vmem>>, vector<1000x128xf32>
    %sub3A_29 = vector.broadcast %mul3A_10 : vector<1x128xf32> to vector<1000x128xf32>
    %sub3A_30 = arith.subf %get3A_28, %sub3A_29 : vector<1000x128xf32>
    %mul3A_31 = vector.broadcast %mul3A_25 : vector<1x128xf32> to vector<1000x128xf32>
    %mul3A_32 = arith.mulf %sub3A_30, %mul3A_31 : vector<1000x128xf32>
    %get3A_33 = arith.constant 0 : index
    %get3A_34 = arith.constant 0 : index
    %get3A_35 = vector.load %arg4[%get3A_33, %get3A_34] : memref<1x128xf32, #tpu.memory_space<vmem>>, vector<1x128xf32>
    %add3A_36 = vector.broadcast %get3A_35 : vector<1x128xf32> to vector<1000x128xf32>
    %add3A_37 = arith.addf %mul3A_32, %add3A_36 : vector<1000x128xf32>
    %swap3A = arith.constant 0 : index
    %swap3A_38 = arith.constant 0 : index
    %swap3A_39 = vector.load %arg6[%swap3A, %swap3A_38] : memref<1000x128xf32, #tpu.memory_space<vmem>>, vector<1000x128xf32>
    tpu.vector_store %arg6[%swap3A, %swap3A_38], %add3A_37 {strides = array<i32>} : memref<1000x128xf32, #tpu.memory_space<vmem>>, vector<1000x128xf32>,
    return
  }
  func.func @transform_0(%arg0: i32) -> (i32, i32) {
    %c0_i32 = arith.constant 0 : i32
    %c0_i32_0 = arith.constant 0 : i32
    return %arg0, %c0_i32 : i32, i32
  }
  func.func @transform_1(%arg0: i32) -> (i32, i32) {
    %c0_i32 = arith.constant 0 : i32
    %c0_i32_0 = arith.constant 0 : i32
    %c0_i32_1 = arith.constant 0 : i32
    return %c0_i32, %c0_i32_0 : i32, i32
  }
  func.func @transform_2(%arg0: i32) -> (i32, i32) {
    %c0_i32 = arith.constant 0 : i32
    %c0_i32_0 = arith.constant 0 : i32
    %c0_i32_1 = arith.constant 0 : i32
    return %c0_i32, %c0_i32_0 : i32, i32
  }
  func.func @transform_3(%arg0: i32) -> (i32, i32) {
    %c0_i32 = arith.constant 0 : i32
    %c0_i32_0 = arith.constant 0 : i32
    %c0_i32_1 = arith.constant 0 : i32
    return %c0_i32, %c0_i32_0 : i32, i32
  }
  func.func @transform_4(%arg0: i32) -> (i32, i32) {
    %c0_i32 = arith.constant 0 : i32
    %c0_i32_0 = arith.constant 0 : i32
    %c0_i32_1 = arith.constant 0 : i32
    return %c0_i32, %c0_i32_0 : i32, i32
  }
  func.func @transform_5(%arg0: i32) -> (i32, i32) {
    %c0_i32 = arith.constant 0 : i32
    %c0_i32_0 = arith.constant 0 : i32
    return %arg0, %c0_i32 : i32, i32
  }
}

</mosaic_0001>

<sc_bundles>
// kernel: kernel.6.cloned.1.call-start
scs
__scs_entry_jumppad:
0x0: {  	(pc) =	sbr.rel $0x88, $3  }
0x1: {  	(tag) =	ssettag $0x0;
	lr =	simm.s32 $0x1  }
0x2: {  	[smem:$0x3F8F] =	sst lr;
	_ =	strace $0xD0000000  }
0x3: {  	_ = 	snop  }
0x4: {  	_ = 	snop  }
0x5: {  	_ = 	snop  }
0x6: {  	_ = 	snop  }
0x7: {  	_ = 	snop  }
__scs_overlays_trampoline_lowered:
0x8: {  	[smem:$0x3F9E] =	sst s0  }
0x9: {  	[smem:$0x3F9F] =	sst s1  }
0xa: {  	[smem:$0x3FA0] =	sst s2  }
0xb: {  	[smem:$0x3FA1] =	sst s3  }
0xc: {  	[smem:$0x3FA2] =	sst s4  }
0xd: {  	[smem:$0x3FA3] =	sst s5  }
0xe: {  	[smem:$0x3FA4] =	sst s6  }
0xf: {  	[smem:$0x3FA5] =	sst s7  }
0x10: {  	[smem:$0x3FA6] =	sst s8  }
0x11: {  	[smem:$0x3FA7] =	sst s9;
	s0 =	simm.s32 @!p0 $0x0  }
0x12: {  	s1 =	sld [smem:$0x3F8D];
	s0 =	simm.s32 @p0 $0x1  }
0x13: {  	[smem:$0x3FA8] =	sst s0;
	s0 =	simm.s32 @!p1 $0x0  }
0x14: {  	s2 =	sld [smem:$0x3F8C];
	s0 =	simm.s32 @p1 $0x1  }
0x15: {  	[smem:$0x3FA9] =	sst s0;
	s0 =	simm.s32 @!p2 $0x0  }
0x16: {  	s3 =	sld [smem:$0x3FDB];
	s0 =	simm.s32 @p2 $0x1  }
0x17: {  	s4 =	simm.s32 $0x1BF5;
	[smem:$0x3FAB] =	sst s0  }
0x18: {  	s0 =	sld [smem:$0x3F8E];
	_ =	swait.ge [sflag:s4], $0x0  }
0x19: {  	s7 =	sld [smem:$0x3F8F]  }
0x1a: {  	s8 =	sadd.s32 $0xFFFFE003, lr  }
0x1b: {  	s9 =	sadd.s32 $0xFFFFFEF7, lr;
	s5 =	simm.s32 $0xFFFFFFFF;
	p2 =	slt.u32 s8, $0xFFFFF086  }
0x1c: {  	p1 =	slt.u32 s9, $0xF7A;
	s5 =	simm.s32 @!p2 $0x0  }
0x1d: {  	s5 =	simm.s32 @p1 $0x1;
	p0 =	seq.s32 s7, s2  }
0x1e: {  	s7 =	smul.u32 @!p0 $0xF7A, s2;
	p2 =	seq.s32 @!p0 s5, $0x0  }
0x1f: {  	s9 =	smul.u32 $0xF7A, s1;
	s8 =	simm.s32 @!p0 $0x1BF5;
	p2 =	por !p2, p0  }
0x20: {  	[sflag:s8] =	ssyncset.s32 @!p0 $0xFFFFF086;
	s6 =	sadd.s32 @!p0 s3, s7;
	s7 =	simm.s32 @!p0 $0x108  }
0x21: {  	s3 =	sadd.s32 s3, s9;
	s6 =	sadd.s32 @!p0 $0x88, s6;
	s7 =	simm.s32 @p2 $0x1082  }
0x22: {  	[simem:s7], [sflag:s8] =	dma.local @!p0 [hbm:s6], $0xF7A  }
0x23: {  	s9 =	sor.u32 $0xD0000000, s2;
	s6 =	simm.s32 $0x108;
	_ =	swait.ge @!p0 [sflag:s8], $0x0  }
0x24: {  	s3 =	sadd.s32 $0x88, s3;
	s6 =	simm.s32 @!p1 $0x1082;
	[sflag:s4] =	ssyncset.s32 $0xFFFFF086  }
0x25: {  	[simem:s6], [sflag:s4] =	dma.local [hbm:s3], $0xF7A  }
0x26: {  	[smem:$0x3F8F] =	sst s1;
	(tag) =	ssettag s2;
	_ =	strace s9  }
0x27: {  	s1 =	sld [smem:$0x3F9F]  }
0x28: {  	s2 =	sld [smem:$0x3FA0]  }
0x29: {  	s4 =	sld [smem:$0x3FA2]  }
0x2a: {  	p0 =	seq.s32 s5, $0x0;
	s5 =	sld [smem:$0x3FA3]  }
0x2b: {  	s6 =	sld [smem:$0x3FA4]  }
0x2c: {  	s7 =	sld [smem:$0x3FA5]  }
0x2d: {  	s3 =	simm.s32 $0x108;
	s8 =	sld [smem:$0x3FA6]  }
0x2e: {  	s3 =	simm.s32 @!p0 $0x1082;
	s9 =	sld [smem:$0x3FA7]  }
0x2f: {  	lr =	sadd.s32 s0, s3;
	s0 =	sld [smem:$0x3F9E]  }
0x30: {  	s3 =	sld [smem:$0x3FA1]  }
0x31: {  	[smem:$0x3FAA] =	sst s10  }
0x32: {  	s10 =	sld [smem:$0x3FA8];
	_ =	sdelay $0x3  }
0x33: {  	p0 =	seq.s32 s10, $0x1;
	s10 =	sld [smem:$0x3FAA];
	_ =	sdelay $0x3  }
0x34: {  	[smem:$0x3FAA] =	sst s10  }
0x35: {  	s10 =	sld [smem:$0x3FA9];
	_ =	sdelay $0x3  }
0x36: {  	p1 =	seq.s32 s10, $0x1;
	s10 =	sld [smem:$0x3FAA];
	_ =	sdelay $0x3  }
0x37: {  	[smem:$0x3FAA] =	sst s10  }
0x38: {  	s10 =	sld [smem:$0x3FAB]  }
0x39: {  	_ = 	snop;
	(pc) =	sbr.ind lr, $3  }
0x3a: {  	_ = 	snop  }
0x3b: {  	_ = 	snop  }
0x3c: {  	p2 =	seq.s32 s10, $0x1;
	s10 =	sld [smem:$0x3FAA]  }
0x3d: {  	_ =	shalt  }
0x3e: {  	_ =	shalt  }
0x3f: {  	_ =	shalt  }
0x40: {  	_ =	shalt  }
0x41: {  	_ =	shalt  }
0x42: {  	_ =	shalt  }
0x43: {  	_ =	shalt  }
0x44: {  	_ =	shalt  }
0x45: {  	_ =	shalt  }
0x46: {  	_ =	shalt  }
0x47: {  	_ =	shalt  }
0x48: {  	_ =	shalt  }
0x49: {  	_ =	shalt  }
0x4a: {  	_ =	shalt  }
0x4b: {  	_ =	shalt  }
0x4c: {  	_ =	shalt  }
0x4d: {  	_ =	shalt  }
0x4e: {  	_ =	shalt  }
0x4f: {  	_ =	shalt  }
0x50: {  	_ =	shalt  }
0x51: {  	_ =	shalt  }
0x52: {  	_ =	shalt  }
0x53: {  	_ =	shalt  }
0x54: {  	_ =	shalt  }
0x55: {  	_ =	shalt  }
0x56: {  	_ =	shalt  }
0x57: {  	_ =	shalt  }
0x58: {  	_ =	shalt  }
0x59: {  	_ =	shalt  }
0x5a: {  	_ =	shalt  }
0x5b: {  	_ =	shalt  }
0x5c: {  	_ =	shalt  }
0x5d: {  	_ =	shalt  }
0x5e: {  	_ =	shalt  }
0x5f: {  	_ =	shalt  }
0x60: {  	_ =	shalt  }
0x61: {  	_ =	shalt  }
0x62: {  	_ =	shalt  }
0x63: {  	_ =	shalt  }
0x64: {  	_ =	shalt  }
0x65: {  	_ =	shalt  }
0x66: {  	_ =	shalt  }
0x67: {  	_ =	shalt  }
0x68: {  	_ =	shalt  }
0x69: {  	_ =	shalt  }
0x6a: {  	_ =	shalt  }
0x6b: {  	_ =	shalt  }
0x6c: {  	_ =	shalt  }
0x6d: {  	_ =	shalt  }
0x6e: {  	_ =	shalt  }
0x6f: {  	_ =	shalt  }
0x70: {  	_ =	shalt  }
0x71: {  	_ =	shalt  }
0x72: {  	_ =	shalt  }
0x73: {  	_ =	shalt  }
0x74: {  	_ =	shalt  }
0x75: {  	_ =	shalt  }
0x76: {  	_ =	shalt  }
0x77: {  	_ =	shalt  }
0x78: {  	_ =	shalt  }
0x79: {  	_ =	shalt  }
0x7a: {  	_ =	shalt  }
0x7b: {  	_ =	shalt  }
0x7c: {  	_ =	shalt  }
0x7d: {  	_ =	shalt  }
0x7e: {  	_ =	shalt  }
0x7f: {  	_ =	shalt  }
0x80: {  	_ =	shalt  }
0x81: {  	_ =	shalt  }
0x82: {  	_ =	shalt  }
0x83: {  	_ =	shalt  }
0x84: {  	_ =	shalt  }
0x85: {  	_ =	shalt  }
0x86: {  	_ =	shalt  }
0x87: {  	_ =	shalt  }
.Lfunc_end0:
.L_simem_size_0:
called_computation_lowered:
.L_overlay_start_0:
0x88: {  	s2 =	sld [smem:$0x3FD9]  }
0x89: {  	s3 =	sld [smem:$0x3FFE];
	_ =	sdelay $0x1  }
0x8a: {  	s1 =	srdreg.scid  }
0x8b: {  	s0 =	sand.u32 $0x1, s1  }
0x8c: {  	s17 =	sshll.u32 s0, $0xA;
	s2 =	sadd.s32 s3, s2  }
0x8d: {  	s2 =	sadd.s32 s2, s17  }
0x8e: {  	[smem:$0x3FB6] =	sst s2  }
0x8f: {  	_ = 	snop  }
0x90: {  	s2 =	sld [smem:$0x3FD0];
	(tm) =	ssettm $0x1  }
0x91: {  	s18 =	sld [smem:$0x3FFB];
	_ =	sdelay $0x3  }
0x92: {  	_ =	strace s18  }
0x93: {  	s3 =	sld [smem:$0x3FFC];
	_ =	sdelay $0x3  }
0x94: {  	_ =	strace s3  }
0x95: {  	s3 =	sld [smem:$0x3FFD];
	_ =	sdelay $0x3  }
0x96: {  	_ =	strace s3  }
0x97: {  	_ =	strace $0x8FFFFFFF  }
0x98: {  	s19 =	sld [smem:$0x3FDB];
	_ =	sdelay $0x1  }
0x99: {  	s4 =	simm.s32 $_scs_section_size  }
0x9a: {  	s5 =	simm.s32 $_size__tile_overlayer_lowered;
	s6 =	simm.s32 $_tile_overlayer_lowered  }
0x9b: {  	s22 =	simm.s32 $0x1BFF;
	s21 =	sshll.u32 s6, $0x1;
	s3 =	sadd.s32 s4, s19  }
0x9c: {  	s7 =	simm.s32 $0x0;
	s20 =	sshll.u32 s5, $0x1;
	s5 =	sadd.s32 s21, s3  }
0x9d: {  	[timem:s7], [sflag:s22] =	dma.local [hbm:s5], s20  }
0x9e: {  	_ =	swait.ge [sflag:s22], s20  }
0x9f: {  	s4 =	ssub.s32 $0x0, s20;
	[sflag:s22] =	ssyncset.done $0x0  }
0xa0: {  	[sflag:s22] =	ssyncadd.s32 s4;
	_ =	sdelay $0x1  }
0xa1: {  	s23 =	simm.s32 $0x1B8B  }
0xa2: {  	_ =	swait.ge [sflag:s23], $0x1  }
0xa3: {  	[sflag:s23] =	ssyncset.done $0x0  }
0xa4: {  	s25 =	simm.s32 $0x1B8E;
	s24 =	sld [smem:$0x3FFE];
	[sflag:s23] =	ssyncadd.s32 $0xFFFFFFFF  }
0xa5: {  	s26 =	simm.s32 $execute0_lowered;
	[smem:$0x3FD2] =	sst s25  }
0xa6: {  	s5 =	sshll.u32 s26, $0x1;
	_ =	strace $0x80000046;
	[dreg:$0x1] =	wrdreg $0xFFFFFFFF  }
0xa7: {  	s28 =	simm.s32 $_size_execute0_lowered;
	s3 =	sadd.s32 s3, s5;
	[dreg:$0x0] =	wrdreg $0x0  }
0xa8: {  	s5 =	sshll.u32 s28, $0x1;
	[dreg:$0x2] =	wrdreg s3  }
0xa9: {  	[dreg:$0x3] =	wrdreg s5  }
0xaa: {  	[dreg:$0x4] =	wrdreg $0xC0  }
0xab: {  	_ =	task [dreg:s7], $0x5FFFF  }
0xac: {  	[dreg:$0x1] =	wrdreg $0xFFFFFFFF  }
0xad: {  	[dreg:$0x0] =	wrdreg $0x60  }
0xae: {  	[dreg:$0x2] =	wrdreg s2  }
0xaf: {  	[dreg:$0x3] =	wrdreg s24  }
0xb0: {  	[dreg:$0x4] =	wrdreg $0x9  }
0xb1: {  	_ =	task.clear_ibuf [dreg:s7], $0x5FFFF;
	_ =	strace $0x90000046  }
0xb2: {  	s29 =	simm.s32 $0x9;
	_ =	strace $0x80000048  }
0xb3: {  	_ =	swait.ge [sflag:s29], $0x1  }
0xb4: {  	[sflag:s29] =	ssyncadd.s32 $0xFFFFFFFF  }
0xb5: {  	_ =	strace $0x90000048  }
0xb6: {  	_ =	sfence  }
0xb7: {  	s30 =	sld [smem:$0x0];
	_ =	sdelay $0x2  }
0xb8: {  	s31 =	sshll.u32 s1, $0xD;
	s1 =	sshrl.u32 s1, $0x2  }
0xb9: {  	s3 =	sand.u32 $0x4000, s31;
	s1 =	sadd.s32 s1, s30  }
0xba: {  	s0 =	sor.u32 s3, s0;
	s1 =	sshll.u32 s1, $0x11  }
0xbb: {  	s0 =	sor.u32 s1, s0  }
0xbc: {  	s0 =	sadd.s32 $0x8F2B, s0  }
0xbd: {  	[sflag:s0] =	ssyncadd.remote.s32 $0x1  }
0xbe: {  	_ =	sfence.sel $0xFFFF  }
0xbf: {  	[dreg:$0x0] =	wrdreg $0xFFFFFFFF;
	(pc) =	sbr.abs _section_cstart, $3  }
0xc0: {  	[dreg:$0x1] =	wrdreg $0xFFFFFFFF  }
0xc1: {  	_ =	task.clear_ibuf [dreg:s7], $0x2FFFF;
	_ =	strace $0x9FFFFFFF  }
0xc2: {  	(tm) =	ssettm $0x7FFFFFFF  }
0xc3: {  	_ =	shalt  }
tec
execute0_lowered:
.L_overlay_start_1:
0x0: {  	(tag) =	ssettag $0x1  }
0x1: {  	s2 =	rddreg [dreg:$0x0]  }
0x2: {  	s0 =	rddreg [dreg:$0x1]  }
0x3: {  	s1 =	srdreg.scid;
	s4 =	stileid.u32  }
0x4: {  	s3 =	simm.s32 $0x0;
	s12 =	simm.s32 $0x2580;
	s13 =	simm.s32 $0x1  }
0x5: {  	s14 =	simm.s32 $0x2;
	s15 =	simm.s32 $0x3200;
	s16 =	simm.s32 $0x3  }
0x6: {  	s17 =	simm.s32 $0x4;
	s18 =	simm.s32 $0x40;
	s25 =	simm.s32 $0xB400  }
0x7: {  	s26 =	simm.s32 $0xBC00;
	s28 =	simm.s32 $0xC400;
	s29 =	simm.s32 $0xCC00  }
0x8: {  	s1 =	sand.u32 $0x1, s1;
	s4 =	sshll.u32 s4, $0x1;
	[smem:$0x7FF] =	sst s3  }
0x9: {  	s5 =	sadd.s32 $0xC800, s0;
	s6 =	sadd.s32 $0x2A00, s0;
	s7 =	sor.u32 s1, s4  }
0xa: {  	_ =	strace $0x80000047;
	s1 =	ssub.s32 $0x2, s1;
	s8 =	smul.u32 $0x1400, s7  }
0xb: {  	s4 =	sadd.s32 $0x16600, s0;
	s9 =	smul.u32 $0x140, s7;
	s10 =	sshrl.u32 s1, $0x1  }
0xc: {  	v2 =	vlaneseq.u32;
	v3 =	vimm.f32 $0.0e+00;
	v4 =	vimm.s32 $0x140;
	s7 =	smul.u32 $0x280, s7;
	s1 =	ssub.s32 s1, s10;
	s10 =	simm.s32 $0xC80  }
.Ltmp0:
0xd: {  	v5 =	vimm.s32 $0x0;
	vm0 =	vmmov $0xffff;
	v7 =	vshrl.u32 v2, $0x3;
	s8 =	sadd.s32 s8, s0;
	s11 =	smin.u32 s9, $0x25D0;
	(pc) =	sbr.rel .LBB2_1-.Ltmp0, $4  }
0xe: {  	v6 =	vand.u32 $0x7, v2;
	v8 =	vor.u32 $0x8, v2;
	v9 =	vor.u32 $0x10, v2;
	s0 =	sadd.s32 s7, s0;
	s31 =	smax.u32 s1, $0x1;
	s1 =	simm.s32 $0x1D580  }
0xf: {  	v10 =	vor.u32 $0x20, v2;
	v11 =	vor.u32 $0x30, v2;
	v12 =	vor.u32 $0x40, v2;
	s7 =	simm.s32 $0x13500;
	s8 =	sadd.s32 $0x64800, s8;
	[dreg:$0x5] =	wrdreg s31  }
0x10: {  	v13 =	vor.u32 $0x50, v2;
	v14 =	vor.u32 $0x60, v2;
	v15 =	vor.u32 $0x70, v2;
	s30 =	sadd.s32 $0x140, s11;
	s0 =	sadd.s32 $0x8C800, s0;
	[dreg:$0x3] =	wrdreg s8  }
0x11: {  	v7 =	vmul.u32 $0x8, v7;
	v0 =	vmov s9;
	s9 =	simm.s32 $0x0;
	s11 =	simm.s32 $0x1900;
	[dreg:$0x4] =	wrdreg s0;
	v1 =	vmov s30  }
.LBB2_19:
0x12: {  	_ =	swait.ge [sflag:s13], $0x2000  }
0x13: {  	[sflag:s13] =	ssyncset.done $0x0  }
0x14: {  	[sflag:s13] =	ssyncadd.s32 $0xFFFFE000  }
0x15: {  	_ =	swait.ge [sflag:s14], $0x4000  }
0x16: {  	[sflag:s14] =	ssyncset.done $0x0  }
0x17: {  	s8 =	simm.s32 $0x5;
	s0 =	rddreg [dreg:$0x3];
	[sflag:s14] =	ssyncadd.s32 $0xFFFFC000  }
0x18: {  	[hbm4b:s0+s3] =	stream.linear.scatter [tilespmem:s7], [sflag:$0x5], $0xA000, $0x38;
	[tilespmem:$0x1EA00] =	vst v63  }
0x19: {  	_ =	swait.ge [sflag:s8], $0xA000  }
0x1a: {  	[sflag:s8] =	ssyncset.done $0x0  }
0x1b: {  	s30 =	rddreg [dreg:$0x4];
	[sflag:s8] =	ssyncadd.s32 $0xFFFF6000  }
0x1c: {  	[hbm4b:s30+s3] =	stream.linear.scatter [tilespmem:s1], [sflag:$0x5], $0x1400, $0x38;
	[tilespmem:$0x1EA00] =	vst v63  }
0x1d: {  	_ =	swait.ge [sflag:s8], $0x1400  }
0x1e: {  	s9 =	rddreg [dreg:$0x6]  }
0x1f: {  	s31 =	rddreg [dreg:$0x5];
	s9 =	sadd.s32 $0x1, s9  }
0x20: {  	p0 =	sne.s32 s9, s31  }
.Ltmp1:
0x21: {  	_ = 	snop;
	(pc) =	sbr.rel @!p0 .LBB2_20-.Ltmp1, $3  }
0x22: {  	_ =	sdelay $0x1  }
0x23: {  	[sflag:s8] =	ssyncset.done $0x0  }
0x24: {  	[sflag:s8] =	ssyncadd.s32 $0xFFFFEC00  }
.LBB2_1:
0x25: {  	s0 =	simm.s32 $0x40;
	s8 =	simm.s32 $0x0  }
.LBB2_2:
0x26: {  	p0 =	sne.s32 s0, $0x281C0;
	[tilespmem:s8+$0x13500] =	vst v3;
	s8 =	smov.u32 s0;
	s0 =	sadd.s32 $0x40, s0  }
.Ltmp2:
0x27: {  	(pc) =	sbr.rel @p0 .LBB2_2-.Ltmp2, $2  }
0x28: {  	_ =	sdelay $0x2  }
0x29: {  	s8 =	sshra.s32 s8, $0x2  }
0x2a: {  	[tilespmem:s8+$0x13500] =	vst v3;
	s0 =	simm.s32 $0x40;
	s8 =	simm.s32 $0x0  }
.LBB2_4:
0x2b: {  	p0 =	sne.s32 s0, $0x5000;
	[tilespmem:s8+$0x1D580] =	vst v3;
	s8 =	smov.u32 s0;
	s0 =	sadd.s32 $0x40, s0  }
.Ltmp3:
0x2c: {  	(pc) =	sbr.rel @p0 .LBB2_4-.Ltmp3, $2  }
0x2d: {  	_ =	sdelay $0x2  }
0x2e: {  	s8 =	sshra.s32 s8, $0x2  }
0x2f: {  	[tilespmem:s8+$0x1D580] =	vst v3;
	s0 =	simm.s32 $0x40;
	s8 =	simm.s32 $0x0  }
.LBB2_6:
0x30: {  	p0 =	sne.s32 s0, $0x10200;
	[tilespmem:s8+$0x3200] =	vst v4;
	s8 =	smov.u32 s0;
	s0 =	sadd.s32 $0x40, s0  }
.Ltmp4:
0x31: {  	(pc) =	sbr.rel @p0 .LBB2_6-.Ltmp4, $2  }
0x32: {  	_ =	sdelay $0x2  }
0x33: {  	s8 =	sshra.s32 s8, $0x2  }
0x34: {  	[tilespmem:s8+$0x3200] =	vst v4;
	s8 =	simm.s32 $0x0  }
0x35: {  	[tilespmem:s8], [sflag:$0x1] =	stream.linear.gather [hbm4b:s5+s8], $0xC80, $0x38;
	[tilespmem:$0x1EA00] =	vst v63  }
0x36: {  	[dreg:$0x6] =	wrdreg s9  }
0x37: {  	v18 =	vimm.s32 $0x0;
	[tilespmem:s10], [sflag:$0x2] =	stream.linear.gather [hbm4b:s6+s8], $0xC80, $0x38;
	[tilespmem:$0x1EA00] =	vst v63  }
.LBB2_8:
0x38: {  	s0 =	smul.u32 $0x1900, s8;
	_ =	sdelay $0x1  }
0x39: {  	s9 =	sshrl.u32 s0, $0x3  }
0x3a: {  	s9 =	sadd.s32 $0x190, s9  }
0x3b: {  	s19 =	sadd.s32 s5, s9  }
0x3c: {  	[tilespmem:s11], [sflag:$0x3] =	stream.linear.gather [hbm4b:s19+s3], $0xC80, $0x38;
	[tilespmem:$0x1EA00] =	vst v63  }
0x3d: {  	s9 =	sadd.s32 s6, s9  }
0x3e: {  	[tilespmem:s12], [sflag:$0x4] =	stream.linear.gather [hbm4b:s9+s3], $0xC80, $0x38;
	[tilespmem:$0x1EA00] =	vst v63  }
0x3f: {  	_ =	swait.ge [sflag:s13], $0xC80  }
0x40: {  	[sflag:s13] =	ssyncset.done $0x0  }
0x41: {  	[sflag:s13] =	ssyncadd.s32 $0xFFFFF380  }
0x42: {  	_ =	swait.ge [sflag:s14], $0xC80  }
0x43: {  	[sflag:s14] =	ssyncset.done $0x0  }
0x44: {  	s22 =	simm.s32 $0x10;
	[sflag:s14] =	ssyncadd.s32 $0xFFFFF380  }
0x45: {  	v16 =	vld [tilespmem:s22+$0xFFFFFFF0]  }
0x46: {  	s23 =	simm.s32 $0xC90;
	v17 =	vld [tilespmem:s22+$0x0]  }
0x47: {  	v19 =	vld [tilespmem:s23+$0xFFFFFFF0]  }
0x48: {  	s30 =	simm.s32 $0xCB0;
	v20 =	vld [tilespmem:s23+$0x0]  }
0x49: {  	s24 =	simm.s32 $0x30;
	v23 =	vld [tilespmem:s30+$0xFFFFFFF0]  }
0x4a: {  	v25 =	vld [tilespmem:s24+$0x0]  }
0x4b: {  	s19 =	simm.s32 $0xCD0;
	v28 =	vld [tilespmem:s30+$0x0]  }
0x4c: {  	v33 =	vld [tilespmem:s19+$0xFFFFFFF0];
	_ =	sdelay $0x1  }
0x4d: {  	v16 =	vshll.u32 v16, $0x9  }
0x4e: {  	v17 =	vshll.u32 v17, $0x9;
	vm1 =	vge.s32 v19, v0;
	vm2 =	vlt.s32 v19, v1  }
0x4f: {  	vm3 =	vlt.s32 v20, v1;
	v19 =	vsub.s32 v19, v0;
	vm4 =	vlt.s32 v23, v1  }
0x50: {  	v29 =	vshll.u32 v25, $0x9;
	vm5 =	vlt.s32 v28, v1;
	vm6 =	vlt.s32 v33, v1  }
0x51: {  	vm1 =	vmand vm1, vm2;
	vm2 =	vge.s32 v20, v0;
	v20 =	vsub.s32 v20, v0  }
0x52: {  	v21 =	vld [tilespmem:s24+$0xFFFFFFF0];
	v22 =	vmpcnt.ones.xlane vm1;
	vm2 =	vmand vm2, vm3;
	v24 =	vsel vm1, $0x1, v5  }
0x53: {  	vm1 =	vmmov vm1;
	vm3 =	vge.s32 v23, v0;
	v27 =	vsel vm2, $0x1, v5;
	(xrf0) =	vadd.scan.msk.s32 $0xffff, v24  }
0x54: {  	v26 =	vmpcnt.ones.xlane vm2;
	v24 =	vnsel vm1, $0x140, v19;
	v20 =	vnsel vm2, $0x140, v20;
	(xrf0) =	vadd.scan.msk.s32 $0xffff, v27  }
0x55: {  	vm2 =	vmmov vm2;
	vm3 =	vmand vm3, vm4;
	vm4 =	vge.s32 v28, v0  }
0x56: {  	vm1 =	vmmov vm1;
	v28 =	vsub.s32 v28, v0;
	v17 =	vor.u32 v17, v20  }
0x57: {  	s31 =	simm.s32 $0x50;
	v20 =	vshll.u32 v21, $0x9;
	v21 =	vsub.s32 v23, v0;
	v23 =	vsel vm3, $0x1, v5  }
0x58: {  	v31 =	vld [tilespmem:s31+$0x0];
	v22 =	vadd.s32 v18, v22;
	v16 =	vor.u32 v16, v24;
	vm5 =	vmand vm4, vm5  }
0x59: {  	v24 =	vmpcnt.ones.xlane vm3;
	v19 =	vadd.s32 v22, v26;
	v27 =	vsel vm5, $0x1, v5;
	v26, _, _ =	vpop (xrf0);
	(xrf0) =	vadd.scan.msk.s32 $0xffff, v23  }
0x5a: {  	v30 =	vld [tilespmem:s31+$0xFFFFFFF0];
	vm4 =	vmmov vm3;
	vm2 =	vmmov vm2;
	v32 =	vmpcnt.ones.xlane vm5;
	v23, _, _ =	vpop (xrf0);
	(xrf0) =	vadd.scan.msk.s32 $0xffff, v27  }
0x5b: {  	v21 =	vnsel vm4, $0x140, v21;
	v28 =	vnsel vm5, $0x140, v28;
	vm3 =	vmmov vm5;
	v27 =	vld [tilespmem:s19+$0x0]  }
0x5c: {  	vm5 =	vge.s32 v33, v0;
	v25 =	vadd.s32 v19, v24;
	v18 =	vadd.s32 v26, v18  }
0x5d: {  	v24 =	vor.u32 v20, v21;
	v20 =	vshll.u32 v31, $0x9;
	v26 =	vadd.s32 $0xFFFFFFFF, v18  }
0x5e: {  	vm7 =	vmand vm5, vm6;
	v22 =	vadd.s32 v23, v22;
	v23 =	vadd.s32 v25, v32  }
0x5f: {  	v18 =	vor.u32 v29, v28;
	v28 =	vsub.s32 v33, v0;
	v21 =	vadd.s32 $0xFFFFFFFF, v22;
	v29, _, _ =	vpop (xrf0)  }
0x60: {  	s20 =	simm.s32 $0x6;
	s9 =	simm.s32 $0x70;
	v22 =	vshll.u32 v30, $0x9;
	vm5 =	vge.s32 v27, v0;
	vm6 =	vlt.s32 v27, v1;
	v30, _, _ =	vpop (xrf0)  }
.LBB2_9:
0x61: {  	v32 =	vsel vm7, $0x1, v5;
	v33 =	vmpcnt.ones.xlane vm7  }
0x62: {  	s20 =	sadd.s32 $0x2, s20;
	v31 =	vld [tilespmem:s9+$0xFFFFFFF0];
	vm5 =	vmand vm5, vm6;
	[tilespmem:v26+s15+$0x0] =	vst.idx.msk vm1, v16;
	v16 =	vmovc v24;
	vm1 =	vmmov vm4;
	vm4 =	vmmov vm7  }
0x63: {  	v24 =	vsub.s32 v27, v0;
	s19 =	sadd.s32 $0x20, s19;
	p0 =	slt.u32 s20, $0xC6;
	v34 =	vld [tilespmem:s9+$0x0];
	v26 =	vsel vm5, $0x1, v5;
	v35 =	vmpcnt.ones.xlane vm5;
	(xrf0) =	vadd.scan.msk.s32 $0xffff, v32  }
0x64: {  	v32 =	vld [tilespmem:s19+$0xFFFFFFF0];
	(xrf0) =	vadd.scan.msk.s32 $0xffff, v26;
	v26 =	vadd.s32 v29, v19;
	v29 =	vadd.s32 v30, v25;
	v25 =	vadd.s32 v23, v33  }
0x65: {  	v28 =	vnsel vm4, $0x140, v28;
	v30 =	vnsel vm5, $0x140, v24;
	v19 =	vmovc v23;
	v27 =	vld [tilespmem:s19+$0x0];
	[tilespmem:v21+s15+$0x0] =	vst.idx.msk vm2, v17;
	v23 =	vadd.s32 v25, v35  }
.Ltmp5:
0x66: {  	v24 =	vor.u32 v22, v28;
	v26 =	vadd.s32 $0xFFFFFFFF, v26;
	v21 =	vadd.s32 $0xFFFFFFFF, v29;
	v17 =	vmovc v18;
	(pc) =	sbr.rel @p0 .LBB2_9-.Ltmp5, $4  }
0x67: {  	v18 =	vor.u32 v20, v30;
	vm2 =	vmmov vm3;
	vm3 =	vmmov vm5  }
0x68: {  	v22 =	vshll.u32 v31, $0x9;
	v20 =	vshll.u32 v34, $0x9  }
0x69: {  	vm5 =	vge.s32 v32, v0;
	vm6 =	vlt.s32 v32, v1;
	v28 =	vsub.s32 v32, v0;
	v29, _, _ =	vpop (xrf0)  }
0x6a: {  	s9 =	sadd.s32 $0x20, s9;
	vm7 =	vmand vm5, vm6;
	vm5 =	vge.s32 v27, v0;
	vm6 =	vlt.s32 v27, v1;
	v30, _, _ =	vpop (xrf0)  }
0x6b: {  	s19 =	sadd.s32 $0x20, s19  }
0x6c: {  	v31 =	vld [tilespmem:s19+$0xFFFFFFF0]  }
0x6d: {  	v32 =	vld [tilespmem:s19+$0x0];
	_ =	sdelay $0x2  }
0x6e: {  	v33 =	vsel vm7, $0x1, v5;
	vm5 =	vmand vm5, vm6;
	vm6 =	vmmov vm4  }
0x6f: {  	v35 =	vsel vm5, $0x1, v5;
	vm4 =	vge.s32 v31, v0;
	vm8 =	vlt.s32 v31, v1  }
0x70: {  	(xrf0) =	vadd.scan.msk.s32 $0xffff, v33;
	vm9 =	vlt.s32 v32, v1;
	vm8 =	vmand vm4, vm8;
	vm4 =	vge.s32 v32, v0  }
0x71: {  	(xrf0) =	vadd.scan.msk.s32 $0xffff, v35;
	v55 =	vsel vm8, $0x1, v5;
	vm4 =	vmand vm4, vm9  }
0x72: {  	v34 =	vmpcnt.ones.xlane vm7;
	vm7 =	vmmov vm7;
	(xrf0) =	vadd.scan.msk.s32 $0xffff, v55;
	v57 =	vsel vm4, $0x1, v5  }
0x73: {  	v19 =	vadd.s32 v29, v19;
	v25 =	vadd.s32 v30, v25;
	vm3 =	vmmov vm3;
	(xrf0) =	vadd.scan.msk.s32 $0xffff, v57  }
0x74: {  	v56 =	vmpcnt.ones.xlane vm5;
	v28 =	vnsel vm7, $0x140, v28;
	v19 =	vadd.s32 $0xFFFFFFFF, v19  }
0x75: {  	v25 =	vadd.s32 $0xFFFFFFFF, v25;
	vm15 =	vmmov vm5;
	v34 =	vadd.s32 v23, v34  }
0x76: {  	vm7 =	vmmov vm7;
	v29 =	vadd.s32 v34, v56;
	v30, _, _ =	vpop (xrf0);
	v58 =	vmpcnt.ones.xlane vm8  }
0x77: {  	v60 =	vld [tilespmem:s9+$0xFFFFFFF0];
	v59, _, _ =	vpop (xrf0);
	vm8 =	vmmov vm8;
	v23 =	vadd.s32 v30, v23;
	vm9 =	vmmov vm15  }
0x78: {  	[tilespmem:v26+s15+$0x0] =	vst.idx.msk vm1, v16;
	v30 =	vadd.s32 v59, v34;
	v23 =	vadd.s32 $0xFFFFFFFF, v23;
	vm1 =	vmmov vm4;
	v61, _, _ =	vpop (xrf0)  }
0x79: {  	v16 =	vld [tilespmem:s9+$0x0];
	v33 =	vadd.s32 v29, v58;
	v30 =	vadd.s32 $0xFFFFFFFF, v30;
	v26 =	vadd.s32 v61, v29;
	v29, _, _ =	vpop (xrf0)  }
0x7a: {  	[tilespmem:v21+s15+$0x0] =	vst.idx.msk vm2, v17;
	vm1 =	vmmov vm1;
	v17 =	vadd.s32 v29, v33;
	v21 =	vadd.s32 $0xFFFFFFFF, v26  }
0x7b: {  	v27 =	vsub.s32 v27, v0;
	[tilespmem:v19+s15+$0x0] =	vst.idx.msk vm6, v24;
	v19 =	vor.u32 v22, v28;
	v17 =	vadd.s32 $0xFFFFFFFF, v17  }
0x7c: {  	v22 =	vsub.s32 v31, v0;
	[tilespmem:v25+s15+$0x0] =	vst.idx.msk vm3, v18;
	v18 =	vshll.u32 v60, $0x9;
	v26 =	vnsel vm5, $0x140, v27  }
0x7d: {  	s0 =	smin.u32 s0, $0x4BC80;
	v24 =	vsub.s32 v32, v0;
	v22 =	vnsel vm8, $0x140, v22;
	[tilespmem:v23+s15+$0x0] =	vst.idx.msk vm7, v19;
	v20 =	vor.u32 v20, v26  }
0x7e: {  	s0 =	sshrl.u32 s0, $0x3;
	v16 =	vshll.u32 v16, $0x9;
	v18 =	vor.u32 v18, v22;
	v19 =	vnsel vm4, $0x140, v24;
	[tilespmem:v30+s15+$0x0] =	vst.idx.msk vm9, v20  }
0x7f: {  	s0 =	sadd.s32 $0x320, s0;
	v16 =	vor.u32 v16, v19;
	[tilespmem:v21+s15+$0x0] =	vst.idx.msk vm8, v18  }
0x80: {  	s21 =	sadd.s32 s5, s0;
	[tilespmem:v17+s15+$0x0] =	vst.idx.msk vm1, v16  }
0x81: {  	[tilespmem:s3], [sflag:$0x1] =	stream.linear.gather [hbm4b:s21+s3], $0xC80, $0x38;
	[tilespmem:$0x1EA00] =	vst v63  }
0x82: {  	s0 =	sadd.s32 s6, s0  }
0x83: {  	[tilespmem:s10], [sflag:$0x2] =	stream.linear.gather [hbm4b:s0+s3], $0xC80, $0x38;
	[tilespmem:$0x1EA00] =	vst v63  }
0x84: {  	_ =	swait.ge [sflag:s16], $0xC80  }
0x85: {  	[sflag:s16] =	ssyncset.done $0x0  }
0x86: {  	[sflag:s16] =	ssyncadd.s32 $0xFFFFF380  }
0x87: {  	_ =	swait.ge [sflag:s17], $0xC80  }
0x88: {  	[sflag:s17] =	ssyncset.done $0x0  }
0x89: {  	s22 =	simm.s32 $0x1910;
	[sflag:s17] =	ssyncadd.s32 $0xFFFFF380  }
0x8a: {  	v16 =	vld [tilespmem:s22+$0xFFFFFFF0]  }
0x8b: {  	s23 =	simm.s32 $0x2590;
	v17 =	vld [tilespmem:s22+$0x0]  }
0x8c: {  	v18 =	vld [tilespmem:s23+$0xFFFFFFF0]  }
0x8d: {  	s30 =	simm.s32 $0x25B0;
	v19 =	vld [tilespmem:s23+$0x0]  }
0x8e: {  	s24 =	simm.s32 $0x1930;
	v23 =	vld [tilespmem:s30+$0xFFFFFFF0]  }
0x8f: {  	v25 =	vld [tilespmem:s24+$0x0]  }
0x90: {  	s9 =	simm.s32 $0x25D0;
	v28 =	vld [tilespmem:s30+$0x0]  }
0x91: {  	v20 =	vmpcnt.ones.xlane vm4;
	v63 =	vld [tilespmem:s9+$0xFFFFFFF0];
	_ =	sdelay $0x1  }
0x92: {  	vm10 =	vmmov vm8;
	v20 =	vadd.s32 v33, v20;
	v16 =	vshll.u32 v16, $0x9  }
0x93: {  	v17 =	vshll.u32 v17, $0x9;
	vm1 =	vge.s32 v18, v0;
	vm2 =	vlt.s32 v18, v1  }
0x94: {  	vm3 =	vlt.s32 v19, v1;
	v18 =	vsub.s32 v18, v0;
	vm4 =	vlt.s32 v23, v1  }
0x95: {  	v29 =	vshll.u32 v25, $0x9;
	vm5 =	vlt.s32 v28, v1;
	vm6 =	vlt.s32 v63, v1  }
0x96: {  	vm1 =	vmand vm1, vm2;
	vm2 =	vge.s32 v19, v0;
	v19 =	vsub.s32 v19, v0  }
0x97: {  	v21 =	vld [tilespmem:s24+$0xFFFFFFF0];
	v22 =	vmpcnt.ones.xlane vm1;
	vm2 =	vmand vm2, vm3;
	v24 =	vsel vm1, $0x1, v5  }
0x98: {  	vm1 =	vmmov vm1;
	vm3 =	vge.s32 v23, v0;
	v27 =	vsel vm2, $0x1, v5;
	(xrf0) =	vadd.scan.msk.s32 $0xffff, v24  }
0x99: {  	v26 =	vmpcnt.ones.xlane vm2;
	v18 =	vnsel vm1, $0x140, v18;
	v24 =	vnsel vm2, $0x140, v19;
	(xrf0) =	vadd.scan.msk.s32 $0xffff, v27  }
0x9a: {  	vm2 =	vmmov vm2;
	vm3 =	vmand vm3, vm4;
	vm4 =	vge.s32 v28, v0  }
0x9b: {  	vm1 =	vmmov vm1;
	v28 =	vsub.s32 v28, v0;
	v16 =	vor.u32 v16, v18  }
0x9c: {  	v18 =	vshll.u32 v21, $0x9;
	v21 =	vsub.s32 v23, v0;
	v23 =	vsel vm3, $0x1, v5  }
0x9d: {  	s31 =	simm.s32 $0x1950;
	v22 =	vadd.s32 v20, v22;
	v17 =	vor.u32 v17, v24;
	vm5 =	vmand vm4, vm5  }
0x9e: {  	v30 =	vld [tilespmem:s31+$0xFFFFFFF0];
	v24 =	vmpcnt.ones.xlane vm3;
	v19 =	vadd.s32 v22, v26;
	v27 =	vsel vm5, $0x1, v5;
	v26, _, _ =	vpop (xrf0);
	(xrf0) =	vadd.scan.msk.s32 $0xffff, v23  }
0x9f: {  	v31 =	vld [tilespmem:s31+$0x0];
	vm4 =	vmmov vm3;
	vm2 =	vmmov vm2;
	v62 =	vmpcnt.ones.xlane vm5;
	v23, _, _ =	vpop (xrf0);
	(xrf0) =	vadd.scan.msk.s32 $0xffff, v27  }
0xa0: {  	v21 =	vnsel vm4, $0x140, v21;
	v28 =	vnsel vm5, $0x140, v28;
	vm3 =	vmmov vm5;
	v27 =	vld [tilespmem:s9+$0x0]  }
0xa1: {  	vm5 =	vge.s32 v63, v0;
	v25 =	vadd.s32 v19, v24;
	v20 =	vadd.s32 v26, v20  }
0xa2: {  	v24 =	vor.u32 v18, v21;
	v18 =	vor.u32 v29, v28;
	v26 =	vadd.s32 $0xFFFFFFFF, v20  }
0xa3: {  	v28 =	vsub.s32 v63, v0;
	vm7 =	vmand vm5, vm6;
	v22 =	vadd.s32 v23, v22  }
0xa4: {  	v23 =	vadd.s32 v25, v62;
	v20 =	vshll.u32 v31, $0x9;
	v21 =	vadd.s32 $0xFFFFFFFF, v22;
	v29, _, _ =	vpop (xrf0)  }
0xa5: {  	s19 =	simm.s32 $0x6;
	s0 =	simm.s32 $0x1970;
	v22 =	vshll.u32 v30, $0x9;
	vm5 =	vge.s32 v27, v0;
	vm6 =	vlt.s32 v27, v1;
	v30, _, _ =	vpop (xrf0)  }
.LBB2_11:
0xa6: {  	v32 =	vsel vm7, $0x1, v5;
	v33 =	vmpcnt.ones.xlane vm7  }
0xa7: {  	s19 =	sadd.s32 $0x2, s19;
	v31 =	vld [tilespmem:s0+$0xFFFFFFF0];
	vm5 =	vmand vm5, vm6;
	[tilespmem:v26+s15+$0x0] =	vst.idx.msk vm1, v16;
	v16 =	vmovc v24;
	vm1 =	vmmov vm4;
	vm4 =	vmmov vm7  }
0xa8: {  	v24 =	vsub.s32 v27, v0;
	s9 =	sadd.s32 $0x20, s9;
	p0 =	slt.u32 s19, $0xC6;
	v34 =	vld [tilespmem:s0+$0x0];
	v26 =	vsel vm5, $0x1, v5;
	v35 =	vmpcnt.ones.xlane vm5;
	(xrf0) =	vadd.scan.msk.s32 $0xffff, v32  }
0xa9: {  	v32 =	vld [tilespmem:s9+$0xFFFFFFF0];
	(xrf0) =	vadd.scan.msk.s32 $0xffff, v26;
	v26 =	vadd.s32 v29, v19;
	v29 =	vadd.s32 v30, v25;
	v25 =	vadd.s32 v23, v33  }
0xaa: {  	v28 =	vnsel vm4, $0x140, v28;
	v30 =	vnsel vm5, $0x140, v24;
	v19 =	vmovc v23;
	v27 =	vld [tilespmem:s9+$0x0];
	[tilespmem:v21+s15+$0x0] =	vst.idx.msk vm2, v17;
	v23 =	vadd.s32 v25, v35  }
.Ltmp6:
0xab: {  	v24 =	vor.u32 v22, v28;
	v26 =	vadd.s32 $0xFFFFFFFF, v26;
	v21 =	vadd.s32 $0xFFFFFFFF, v29;
	v17 =	vmovc v18;
	(pc) =	sbr.rel @p0 .LBB2_11-.Ltmp6, $4  }
0xac: {  	v18 =	vor.u32 v20, v30;
	vm2 =	vmmov vm3;
	vm3 =	vmmov vm5  }
0xad: {  	v22 =	vshll.u32 v31, $0x9;
	v20 =	vshll.u32 v34, $0x9  }
0xae: {  	vm5 =	vge.s32 v32, v0;
	vm6 =	vlt.s32 v32, v1;
	v28 =	vsub.s32 v32, v0;
	v29, _, _ =	vpop (xrf0)  }
0xaf: {  	s0 =	sadd.s32 $0x20, s0;
	vm7 =	vmand vm5, vm6;
	vm5 =	vge.s32 v27, v0;
	vm6 =	vlt.s32 v27, v1;
	v30, _, _ =	vpop (xrf0)  }
0xb0: {  	s9 =	sadd.s32 $0x20, s9  }
0xb1: {  	v31 =	vld [tilespmem:s9+$0xFFFFFFF0]  }
0xb2: {  	v32 =	vld [tilespmem:s9+$0x0];
	_ =	sdelay $0x2  }
0xb3: {  	v33 =	vsel vm7, $0x1, v5;
	v34 =	vmpcnt.ones.xlane vm7;
	vm5 =	vmand vm5, vm6  }
0xb4: {  	v35 =	vsel vm5, $0x1, v5;
	vm12 =	vge.s32 v31, v0;
	vm8 =	vlt.s32 v31, v1  }
0xb5: {  	(xrf0) =	vadd.scan.msk.s32 $0xffff, v33;
	vm13 =	vge.s32 v32, v0;
	vm9 =	vlt.s32 v32, v1;
	vm8 =	vmand vm12, vm8  }
0xb6: {  	vm6 =	vmmov vm4;
	(xrf0) =	vadd.scan.msk.s32 $0xffff, v35;
	vm4 =	vmand vm13, vm9;
	v46 =	vsel vm8, $0x1, v5  }
0xb7: {  	vm14 =	vmmov vm7;
	v27 =	vsub.s32 v27, v0;
	v36 =	vsel vm4, $0x1, v5;
	(xrf0) =	vadd.scan.msk.s32 $0xffff, v46  }
0xb8: {  	v19 =	vadd.s32 v29, v19;
	v25 =	vadd.s32 v30, v25;
	vm3 =	vmmov vm3;
	(xrf0) =	vadd.scan.msk.s32 $0xffff, v36  }
0xb9: {  	v47 =	vmpcnt.ones.xlane vm5;
	v19 =	vadd.s32 $0xFFFFFFFF, v19;
	v25 =	vadd.s32 $0xFFFFFFFF, v25  }
0xba: {  	vm15 =	vmmov vm5;
	vm7 =	vmmov vm14;
	v48 =	vadd.s32 v23, v34  }
0xbb: {  	v59 =	vnsel vm5, $0x140, v27;
	v49 =	vadd.s32 v48, v47;
	v50, _, _ =	vpop (xrf0);
	vm9 =	vmmov vm15  }
0xbc: {  	v53 =	vld [tilespmem:s0+$0xFFFFFFF0];
	v51 =	vmpcnt.ones.xlane vm8;
	v52, _, _ =	vpop (xrf0);
	vm8 =	vmmov vm8;
	v54 =	vadd.s32 v50, v23  }
0xbd: {  	v56 =	vld [tilespmem:s0+$0x0];
	[tilespmem:v26+s15+$0x0] =	vst.idx.msk vm1, v16;
	vm1 =	vmmov vm4;
	v55 =	vadd.s32 v52, v48;
	v23 =	vadd.s32 $0xFFFFFFFF, v54;
	v57, _, _ =	vpop (xrf0)  }
0xbe: {  	v34 =	vadd.s32 v49, v51;
	v30 =	vadd.s32 $0xFFFFFFFF, v55;
	v16 =	vadd.s32 v57, v49;
	v58, _, _ =	vpop (xrf0)  }
0xbf: {  	[tilespmem:v21+s15+$0x0] =	vst.idx.msk vm2, v17;
	s8 =	sadd.s32 $0x1, s8;
	vm1 =	vmmov vm1;
	v17 =	vadd.s32 v58, v34;
	v16 =	vadd.s32 $0xFFFFFFFF, v16  }
0xc0: {  	v28 =	vnsel vm14, $0x140, v28;
	p0 =	sne.s32 s8, $0x32;
	v20 =	vor.u32 v20, v59;
	[tilespmem:v19+s15+$0x0] =	vst.idx.msk vm6, v24;
	v17 =	vadd.s32 $0xFFFFFFFF, v17  }
.Ltmp7:
0xc1: {  	v60 =	vshll.u32 v53, $0x9;
	v19 =	vor.u32 v22, v28;
	v61 =	vsub.s32 v31, v0;
	[tilespmem:v25+s15+$0x0] =	vst.idx.msk vm3, v18;
	(pc) =	sbr.rel @p0 .LBB2_8-.Ltmp7, $4  }
0xc2: {  	v18 =	vshll.u32 v56, $0x9;
	v62 =	vsub.s32 v32, v0;
	v22 =	vnsel vm8, $0x140, v61;
	[tilespmem:v23+s15+$0x0] =	vst.idx.msk vm7, v19  }
0xc3: {  	v63 =	vnsel vm4, $0x140, v62;
	v21 =	vor.u32 v60, v22;
	v19 =	vmpcnt.ones.xlane vm4;
	[tilespmem:v30+s15+$0x0] =	vst.idx.msk vm9, v20  }
0xc4: {  	v20 =	vor.u32 v18, v63;
	[tilespmem:v16+s15+$0x0] =	vst.idx.msk vm8, v21  }
0xc5: {  	vm10 =	vmmov vm8;
	v18 =	vadd.s32 v34, v19;
	[tilespmem:v17+s15+$0x0] =	vst.idx.msk vm1, v20  }
0xc6: {  	_ =	swait.ge [sflag:s13], $0xC80  }
0xc7: {  	[sflag:s13] =	ssyncset.done $0x0  }
0xc8: {  	[sflag:s13] =	ssyncadd.s32 $0xFFFFF380  }
0xc9: {  	_ =	swait.ge [sflag:s14], $0xC80  }
0xca: {  	[sflag:s14] =	ssyncset.done $0x0  }
0xcb: {  	[sflag:s14] =	ssyncadd.s32 $0xFFFFF380  }
0xcc: {  	v16 =	vld [tilespmem:$0x3200];
	_ =	sdelay $0x1  }
0xcd: {  	v17 =	vld [tilespmem:$0x3210];
	_ =	sdelay $0x1  }
0xce: {  	v19 =	vld [tilespmem:$0x3220]  }
0xcf: {  	v20 =	vand.u32 $0x1FF, v16  }
0xd0: {  	v21 =	vld [tilespmem:$0x3230];
	v16 =	vshra.s32 v16, $0x9;
	v20 =	vadd.s32 v0, v20  }
0xd1: {  	v63 =	vand.u32 $0x1FF, v17;
	[tilespmem:$0x7300] =	vst v16;
	v16 =	vmin.u32 v20, $0x270F  }
0xd2: {  	[tilespmem:$0x7380] =	vst v16;
	v16 =	vshra.s32 v17, $0x9;
	v17 =	vadd.s32 v0, v63  }
0xd3: {  	[tilespmem:$0x7310] =	vst v16;
	v16 =	vmin.u32 v17, $0x270F;
	v17 =	vand.u32 $0x1FF, v19  }
0xd4: {  	[tilespmem:$0x7390] =	vst v16;
	v16 =	vshra.s32 v19, $0x9;
	v17 =	vadd.s32 v0, v17  }
0xd5: {  	[tilespmem:$0x7320] =	vst v16;
	v16 =	vmin.u32 v17, $0x270F;
	v17 =	vand.u32 $0x1FF, v21  }
0xd6: {  	[tilespmem:$0x73A0] =	vst v16;
	v16 =	vshra.s32 v21, $0x9;
	v17 =	vadd.s32 v0, v17  }
0xd7: {  	[tilespmem:$0x7330] =	vst v16;
	v16 =	vmin.u32 v17, $0x270F  }
0xd8: {  	s0 =	simm.s32 $0x7300;
	s8 =	simm.s32 $0x7400;
	[tilespmem:$0x73B0] =	vst v16  }
0xd9: {  	[tilespmem:s8], [sflag:$0x1] =	stream.indirect.gather [hbm4b:s2+s18], $0x80, s0, s18, $0xb8;
	[tilespmem:$0x1EA00] =	vst v63  }
0xda: {  	v16 =	vld [tilespmem:$0x7380];
	_ =	sdelay $0x4  }
0xdb: {  	v17 =	vshll.u32 v16, $0x1  }
0xdc: {  	v16 =	vand.u32 $0x7, v16;
	v17 =	vand.u32 $0xFFFFFFF0, v17  }
0xdd: {  	v16 =	vor.u32 v16, v17  }
0xde: {  	v17 =	vperm.xlane v16, v6;
	_ =	sdelay $0x1  }
0xdf: {  	v16 =	vperm.xlane v16, v8;
	v17 =	vadd.s32 v7, v17;
	_ =	sdelay $0x1  }
0xe0: {  	v16 =	vadd.s32 v7, v16;
	_ =	sdelay $0x1  }
0xe1: {  	s9 =	simm.s32 $0x9400;
	s8 =	simm.s32 $0x0  }
0xe2: {  	[tilespmem:s9], [sflag:$0x2] =	stream.indirect_vreg.gather [hbm4b:s4+s8], $0x80, v17, vm0, $0xb8;
	[tilespmem:$0x1EA00] =	vst v63  }
0xe3: {  	s19 =	simm.s32 $0x9C00  }
0xe4: {  	[tilespmem:s19], [sflag:$0x2] =	stream.indirect_vreg.gather [hbm4b:s4+s8], $0x80, v16, vm0, $0xb8;
	[tilespmem:$0x1EA00] =	vst v63  }
0xe5: {  	v16 =	vld [tilespmem:$0x7390];
	_ =	sdelay $0x4  }
0xe6: {  	v17 =	vshll.u32 v16, $0x1  }
0xe7: {  	v16 =	vand.u32 $0x7, v16;
	v17 =	vand.u32 $0xFFFFFFF0, v17  }
0xe8: {  	v16 =	vor.u32 v16, v17  }
0xe9: {  	v17 =	vperm.xlane v16, v6;
	_ =	sdelay $0x1  }
0xea: {  	v16 =	vperm.xlane v16, v8;
	v17 =	vadd.s32 v7, v17;
	_ =	sdelay $0x1  }
0xeb: {  	v16 =	vadd.s32 v7, v16;
	_ =	sdelay $0x1  }
0xec: {  	s20 =	simm.s32 $0xA400  }
0xed: {  	[tilespmem:s20], [sflag:$0x2] =	stream.indirect_vreg.gather [hbm4b:s4+s8], $0x80, v17, vm0, $0xb8;
	[tilespmem:$0x1EA00] =	vst v63  }
0xee: {  	s21 =	simm.s32 $0xAC00;
	(v2sf) =	vpush v18, $0x0  }
0xef: {  	[tilespmem:s21], [sflag:$0x2] =	stream.indirect_vreg.gather [hbm4b:s4+s8], $0x80, v16, vm0, $0xb8;
	[tilespmem:$0x1EA00] =	vst v63  }
0xf0: {  	v16 =	vld [tilespmem:$0x73A0];
	_ =	sdelay $0x4  }
0xf1: {  	v17 =	vshll.u32 v16, $0x1  }
0xf2: {  	v16 =	vand.u32 $0x7, v16;
	v17 =	vand.u32 $0xFFFFFFF0, v17  }
0xf3: {  	v16 =	vor.u32 v16, v17  }
0xf4: {  	v17 =	vperm.xlane v16, v6;
	_ =	sdelay $0x1  }
0xf5: {  	v16 =	vperm.xlane v16, v8;
	v17 =	vadd.s32 v7, v17;
	_ =	sdelay $0x1  }
0xf6: {  	v16 =	vadd.s32 v7, v16  }
0xf7: {  	s22 =	spop (v2sf)  }
0xf8: {  	s0 =	sadd.s32 $0x3F, s22  }
0xf9: {  	[tilespmem:s25], [sflag:$0x2] =	stream.indirect_vreg.gather [hbm4b:s4+s8], $0x80, v17, vm0, $0xb8;
	[tilespmem:$0x1EA00] =	vst v63  }
0xfa: {  	s9 =	sand.u32 $0x3F, s0  }
0xfb: {  	[tilespmem:s26], [sflag:$0x2] =	stream.indirect_vreg.gather [hbm4b:s4+s8], $0x80, v16, vm0, $0xb8;
	[tilespmem:$0x1EA00] =	vst v63  }
0xfc: {  	p0 =	slt.s32 s0, $0x1;
	p1 =	sne.s32 s9, $0x0;
	s19 =	sshra.s32 s0, $0x1F;
	v16 =	vld [tilespmem:$0x73B0]  }
0xfd: {  	p0 =	por !p0, !p1;
	s23 =	sshrl.u32 s19, $0x1A  }
0xfe: {  	s9 =	simm.s32 $0x1;
	p0 =	por !p0, !p0;
	s0 =	sadd.s32 s23, s0  }
0xff: {  	s9 =	simm.s32 @!p0 $0x0;
	s0 =	sshra.s32 s0, $0x6  }
0x100: {  	s0 =	ssub.s32 s0, s9  }
0x101: {  	s9 =	sadd.s32 $0x1, s0;
	v17 =	vshll.u32 v16, $0x1  }
0x102: {  	s24 =	sand.u32 $0x1, s9;
	v16 =	vand.u32 $0x7, v16;
	v17 =	vand.u32 $0xFFFFFFF0, v17  }
0x103: {  	p5 =	slt.s32 s0, $0x0;
	p6 =	seq.s32 s24, $0x1;
	v16 =	vor.u32 v16, v17  }
0x104: {  	s31 =	sshrl.u32 s9, $0x1F;
	p0 =	por !p5, !p6;
	v17 =	vperm.xlane v16, v6  }
0x105: {  	s0 =	sadd.s32 s31, s9;
	s9 =	simm.s32 $0x1;
	p0 =	por !p0, !p0  }
0x106: {  	s0 =	sshra.s32 s0, $0x1;
	s9 =	simm.s32 @!p0 $0x0;
	v16 =	vperm.xlane v16, v8;
	v17 =	vadd.s32 v7, v17  }
0x107: {  	s9 =	ssub.s32 s0, s9  }
0x108: {  	p0 =	slt.s32 s9, $0x1;
	v16 =	vadd.s32 v7, v16  }
.Ltmp8:
0x109: {  	_ = 	snop;
	(pc) =	sbr.rel @p0 .LBB2_19-.Ltmp8, $4  }
0x10a: {  	_ = 	snop  }
0x10b: {  	[tilespmem:s28], [sflag:$0x2] =	stream.indirect_vreg.gather [hbm4b:s4+s8], $0x80, v17, vm0, $0xb8;
	[tilespmem:$0x1EA00] =	vst v63  }
0x10c: {  	s30 =	simm.s32 $0x0  }
0x10d: {  	[tilespmem:s29], [sflag:$0x2] =	stream.indirect_vreg.gather [hbm4b:s4+s8], $0x80, v16, vm0, $0xb8;
	[tilespmem:$0x1EA00] =	vst v63  }
.LBB2_14:
0x10e: {  	s0 =	sshll.u32 s30, $0x9  }
0x10f: {  	s31 =	sshra.s32 s0, $0x2  }
0x110: {  	v16 =	vld [tilespmem:s31+$0x3240];
	_ =	sdelay $0x4  }
0x111: {  	v17 =	vand.u32 $0x1FF, v16  }
0x112: {  	v16 =	vshra.s32 v16, $0x9;
	v17 =	vadd.s32 v0, v17  }
0x113: {  	[tilespmem:$0xD400] =	vst v16;
	v16 =	vmin.u32 v17, $0x270F  }
0x114: {  	[tilespmem:$0xD480] =	vst v16  }
0x115: {  	v16 =	vld [tilespmem:s31+$0x3250];
	_ =	sdelay $0x4  }
0x116: {  	v17 =	vand.u32 $0x1FF, v16  }
0x117: {  	v16 =	vshra.s32 v16, $0x9;
	v17 =	vadd.s32 v0, v17  }
0x118: {  	[tilespmem:$0xD410] =	vst v16;
	v16 =	vmin.u32 v17, $0x270F  }
0x119: {  	[tilespmem:$0xD490] =	vst v16  }
0x11a: {  	v16 =	vld [tilespmem:s31+$0x3260];
	_ =	sdelay $0x4  }
0x11b: {  	v17 =	vand.u32 $0x1FF, v16  }
0x11c: {  	v16 =	vshra.s32 v16, $0x9;
	v17 =	vadd.s32 v0, v17  }
0x11d: {  	[tilespmem:$0xD420] =	vst v16;
	v16 =	vmin.u32 v17, $0x270F  }
0x11e: {  	[tilespmem:$0xD4A0] =	vst v16  }
0x11f: {  	v16 =	vld [tilespmem:s31+$0x3270];
	_ =	sdelay $0x4  }
0x120: {  	v17 =	vand.u32 $0x1FF, v16  }
0x121: {  	v16 =	vshra.s32 v16, $0x9;
	v17 =	vadd.s32 v0, v17  }
0x122: {  	[tilespmem:$0xD430] =	vst v16;
	v16 =	vmin.u32 v17, $0x270F  }
0x123: {  	s24 =	simm.s32 $0xD400;
	s19 =	simm.s32 $0xD500;
	[tilespmem:$0xD4B0] =	vst v16  }
0x124: {  	[tilespmem:s19], [sflag:$0x3] =	stream.indirect.gather [hbm4b:s2+s18], $0x80, s24, s18, $0xb8;
	[tilespmem:$0x1EA00] =	vst v63  }
0x125: {  	v16 =	vld [tilespmem:$0xD480];
	_ =	sdelay $0x4  }
0x126: {  	v17 =	vshll.u32 v16, $0x1  }
0x127: {  	v16 =	vand.u32 $0x7, v16;
	v17 =	vand.u32 $0xFFFFFFF0, v17  }
0x128: {  	v16 =	vor.u32 v16, v17  }
0x129: {  	v17 =	vperm.xlane v16, v6;
	_ =	sdelay $0x1  }
0x12a: {  	v16 =	vperm.xlane v16, v8;
	v17 =	vadd.s32 v7, v17;
	_ =	sdelay $0x1  }
0x12b: {  	v16 =	vadd.s32 v7, v16;
	_ =	sdelay $0x1  }
0x12c: {  	s20 =	simm.s32 $0xF500  }
0x12d: {  	[tilespmem:s20], [sflag:$0x4] =	stream.indirect_vreg.gather [hbm4b:s4+s8], $0x80, v17, vm0, $0xb8;
	[tilespmem:$0x1EA00] =	vst v63  }
0x12e: {  	s21 =	simm.s32 $0xFD00  }
0x12f: {  	[tilespmem:s21], [sflag:$0x4] =	stream.indirect_vreg.gather [hbm4b:s4+s8], $0x80, v16, vm0, $0xb8;
	[tilespmem:$0x1EA00] =	vst v63  }
0x130: {  	v16 =	vld [tilespmem:$0xD490];
	_ =	sdelay $0x4  }
0x131: {  	v17 =	vshll.u32 v16, $0x1  }
0x132: {  	v16 =	vand.u32 $0x7, v16;
	v17 =	vand.u32 $0xFFFFFFF0, v17  }
0x133: {  	v16 =	vor.u32 v16, v17  }
0x134: {  	v17 =	vperm.xlane v16, v6;
	_ =	sdelay $0x1  }
0x135: {  	v16 =	vperm.xlane v16, v8;
	v17 =	vadd.s32 v7, v17;
	_ =	sdelay $0x1  }
0x136: {  	v16 =	vadd.s32 v7, v16;
	_ =	sdelay $0x1  }
0x137: {  	s22 =	simm.s32 $0x10500  }
0x138: {  	[tilespmem:s22], [sflag:$0x4] =	stream.indirect_vreg.gather [hbm4b:s4+s8], $0x80, v17, vm0, $0xb8;
	[tilespmem:$0x1EA00] =	vst v63  }
0x139: {  	s23 =	simm.s32 $0x10D00  }
0x13a: {  	[tilespmem:s23], [sflag:$0x4] =	stream.indirect_vreg.gather [hbm4b:s4+s8], $0x80, v16, vm0, $0xb8;
	[tilespmem:$0x1EA00] =	vst v63  }
0x13b: {  	v16 =	vld [tilespmem:$0xD4A0];
	_ =	sdelay $0x4  }
0x13c: {  	v17 =	vshll.u32 v16, $0x1  }
0x13d: {  	v16 =	vand.u32 $0x7, v16;
	v17 =	vand.u32 $0xFFFFFFF0, v17  }
0x13e: {  	v16 =	vor.u32 v16, v17  }
0x13f: {  	v17 =	vperm.xlane v16, v6;
	_ =	sdelay $0x1  }
0x140: {  	v16 =	vperm.xlane v16, v8;
	v17 =	vadd.s32 v7, v17;
	_ =	sdelay $0x1  }
0x141: {  	v16 =	vadd.s32 v7, v16;
	_ =	sdelay $0x1  }
0x142: {  	s24 =	simm.s32 $0x11500  }
0x143: {  	[tilespmem:s24], [sflag:$0x4] =	stream.indirect_vreg.gather [hbm4b:s4+s8], $0x80, v17, vm0, $0xb8;
	[tilespmem:$0x1EA00] =	vst v63  }
0x144: {  	s19 =	simm.s32 $0x11D00  }
0x145: {  	[tilespmem:s19], [sflag:$0x4] =	stream.indirect_vreg.gather [hbm4b:s4+s8], $0x80, v16, vm0, $0xb8;
	[tilespmem:$0x1EA00] =	vst v63  }
0x146: {  	v16 =	vld [tilespmem:$0xD4B0];
	_ =	sdelay $0x4  }
0x147: {  	v17 =	vshll.u32 v16, $0x1  }
0x148: {  	v16 =	vand.u32 $0x7, v16;
	v17 =	vand.u32 $0xFFFFFFF0, v17  }
0x149: {  	v16 =	vor.u32 v16, v17  }
0x14a: {  	v17 =	vperm.xlane v16, v6;
	_ =	sdelay $0x1  }
0x14b: {  	v16 =	vperm.xlane v16, v8;
	v17 =	vadd.s32 v7, v17;
	_ =	sdelay $0x1  }
0x14c: {  	v16 =	vadd.s32 v7, v16;
	_ =	sdelay $0x1  }
0x14d: {  	s20 =	simm.s32 $0x12500  }
0x14e: {  	[tilespmem:s20], [sflag:$0x4] =	stream.indirect_vreg.gather [hbm4b:s4+s8], $0x80, v17, vm0, $0xb8;
	[tilespmem:$0x1EA00] =	vst v63  }
0x14f: {  	s21 =	simm.s32 $0x12D00  }
0x150: {  	[tilespmem:s21], [sflag:$0x4] =	stream.indirect_vreg.gather [hbm4b:s4+s8], $0x80, v16, vm0, $0xb8;
	[tilespmem:$0x1EA00] =	vst v63  }
0x151: {  	s22 =	sadd.s32 $0x3200, s31;
	_ =	swait.ge [sflag:s13], $0x2000  }
0x152: {  	v16 =	vmov s22;
	[sflag:s13] =	ssyncset.done $0x0  }
0x153: {  	[sflag:s13] =	ssyncadd.s32 $0xFFFFE000  }
0x154: {  	_ =	swait.ge [sflag:s14], $0x4000  }
0x155: {  	[sflag:s14] =	ssyncset.done $0x0  }
0x156: {  	s23 =	sand.u32 $0x30, s8;
	[sflag:s14] =	ssyncadd.s32 $0xFFFFC000  }
0x157: {  	v17 =	vld.idx.msk [tilespmem:v16+s23+$0x0 ss:$0x1], $0xffff;
	_ =	sdelay $0x4  }
0x158: {  	v18 =	vmov s8;
	v17 =	vand.u32 $0x1FF, v17  }
0x159: {  	v17 =	vperm.xlane v17, v18;
	_ =	sdelay $0x1  }
0x15a: {  	v18 =	vshll.u32 v17, $0x4  }
0x15b: {  	v18 =	vor.u32 v2, v18;
	_ =	sdelay $0x4  }
0x15c: {  	v19 =	vld.idx.msk [tilespmem:v18+s1+$0x0], $0xffff;
	_ =	sdelay $0x4  }
0x15d: {  	v19 =	vadd.f32 $6.250000000e-02, v19;
	_ =	sdelay $0x1  }
0x15e: {  	s24 =	sand.u32 $0x3800, s8;
	s19 =	simm.s32 $0x7440;
	s20 =	sand.u32 $0x380, s8;
	[tilespmem:v18+s1+$0x0] =	vst.idx.msk $0xffff, v19  }
0x15f: {  	s20 =	sor.u32 s20, s24;
	v17 =	vshll.u32 v17, $0x7;
	v18 =	vld [tilespmem:s19+$0xFFFFFFC0]  }
0x160: {  	v19 =	vor.u32 v2, v17;
	v20 =	vld [tilespmem:s20+$0x9800];
	_ =	sdelay $0x1  }
0x161: {  	v21 =	vld [tilespmem:s20+$0x9400];
	_ =	sdelay $0x2  }
0x162: {  	v22 =	vld.idx.msk [tilespmem:v19+s7+$0x0], $0xffff;
	v18 =	vmul.f32 v20, v18;
	_ =	sdelay $0x1  }
0x163: {  	v18 =	vadd.f32 v18, v21;
	_ =	sdelay $0x1  }
0x164: {  	v18 =	vmax.f32 v18, $0.0e+00  }
0x165: {  	v18 =	vadd.f32 v18, v22;
	_ =	sdelay $0x1  }
0x166: {  	[tilespmem:v19+s7+$0x0] =	vst.idx.msk $0xffff, v18  }
0x167: {  	v18 =	vld [tilespmem:s19+$0xFFFFFFD0]  }
0x168: {  	v19 =	vor.u32 v9, v17;
	v20 =	vld [tilespmem:s20+$0x9810];
	_ =	sdelay $0x1  }
0x169: {  	v21 =	vld [tilespmem:s20+$0x9410];
	_ =	sdelay $0x2  }
0x16a: {  	v22 =	vld.idx.msk [tilespmem:v19+s7+$0x0], $0xffff;
	v18 =	vmul.f32 v20, v18;
	_ =	sdelay $0x1  }
0x16b: {  	v18 =	vadd.f32 v18, v21;
	_ =	sdelay $0x1  }
0x16c: {  	v18 =	vmax.f32 v18, $0.0e+00  }
0x16d: {  	v18 =	vadd.f32 v18, v22;
	_ =	sdelay $0x1  }
0x16e: {  	[tilespmem:v19+s7+$0x0] =	vst.idx.msk $0xffff, v18  }
0x16f: {  	v18 =	vld [tilespmem:s19+$0xFFFFFFE0]  }
0x170: {  	v19 =	vor.u32 v10, v17;
	v20 =	vld [tilespmem:s20+$0x9820];
	_ =	sdelay $0x1  }
0x171: {  	v21 =	vld [tilespmem:s20+$0x9420];
	_ =	sdelay $0x2  }
0x172: {  	v22 =	vld.idx.msk [tilespmem:v19+s7+$0x0], $0xffff;
	v18 =	vmul.f32 v20, v18;
	_ =	sdelay $0x1  }
0x173: {  	v18 =	vadd.f32 v18, v21;
	_ =	sdelay $0x1  }
0x174: {  	v18 =	vmax.f32 v18, $0.0e+00  }
0x175: {  	v18 =	vadd.f32 v18, v22;
	_ =	sdelay $0x1  }
0x176: {  	[tilespmem:v19+s7+$0x0] =	vst.idx.msk $0xffff, v18  }
0x177: {  	v18 =	vld [tilespmem:s19+$0xFFFFFFF0]  }
0x178: {  	v19 =	vor.u32 v11, v17;
	v20 =	vld [tilespmem:s20+$0x9830];
	_ =	sdelay $0x1  }
0x179: {  	v21 =	vld [tilespmem:s20+$0x9430];
	_ =	sdelay $0x2  }
0x17a: {  	v22 =	vld.idx.msk [tilespmem:v19+s7+$0x0], $0xffff;
	v18 =	vmul.f32 v20, v18;
	_ =	sdelay $0x1  }
0x17b: {  	v18 =	vadd.f32 v18, v21;
	_ =	sdelay $0x1  }
0x17c: {  	v18 =	vmax.f32 v18, $0.0e+00  }
0x17d: {  	v18 =	vadd.f32 v18, v22;
	_ =	sdelay $0x1  }
0x17e: {  	[tilespmem:v19+s7+$0x0] =	vst.idx.msk $0xffff, v18  }
0x17f: {  	v18 =	vld [tilespmem:s19+$0x0]  }
0x180: {  	v19 =	vor.u32 v12, v17;
	v20 =	vld [tilespmem:s20+$0x9840];
	_ =	sdelay $0x1  }
0x181: {  	v21 =	vld [tilespmem:s20+$0x9440];
	_ =	sdelay $0x2  }
0x182: {  	v22 =	vld.idx.msk [tilespmem:v19+s7+$0x0], $0xffff;
	v18 =	vmul.f32 v20, v18;
	_ =	sdelay $0x1  }
0x183: {  	v18 =	vadd.f32 v18, v21;
	_ =	sdelay $0x1  }
0x184: {  	v18 =	vmax.f32 v18, $0.0e+00  }
0x185: {  	v18 =	vadd.f32 v18, v22;
	_ =	sdelay $0x1  }
0x186: {  	[tilespmem:v19+s7+$0x0] =	vst.idx.msk $0xffff, v18  }
0x187: {  	v18 =	vld [tilespmem:s19+$0x10]  }
0x188: {  	v19 =	vor.u32 v13, v17;
	v20 =	vld [tilespmem:s20+$0x9850];
	_ =	sdelay $0x1  }
0x189: {  	v21 =	vld [tilespmem:s20+$0x9450];
	_ =	sdelay $0x2  }
0x18a: {  	v22 =	vld.idx.msk [tilespmem:v19+s7+$0x0], $0xffff;
	v18 =	vmul.f32 v20, v18;
	_ =	sdelay $0x1  }
0x18b: {  	v18 =	vadd.f32 v18, v21;
	_ =	sdelay $0x1  }
0x18c: {  	v18 =	vmax.f32 v18, $0.0e+00  }
0x18d: {  	v18 =	vadd.f32 v18, v22;
	_ =	sdelay $0x1  }
0x18e: {  	[tilespmem:v19+s7+$0x0] =	vst.idx.msk $0xffff, v18  }
0x18f: {  	v18 =	vld [tilespmem:s19+$0x20]  }
0x190: {  	v19 =	vor.u32 v14, v17;
	v20 =	vld [tilespmem:s20+$0x9860];
	_ =	sdelay $0x1  }
0x191: {  	v21 =	vld [tilespmem:s20+$0x9460];
	_ =	sdelay $0x2  }
0x192: {  	v22 =	vld.idx.msk [tilespmem:v19+s7+$0x0], $0xffff;
	v18 =	vmul.f32 v20, v18;
	_ =	sdelay $0x1  }
0x193: {  	v18 =	vadd.f32 v18, v21;
	_ =	sdelay $0x1  }
0x194: {  	v18 =	vmax.f32 v18, $0.0e+00  }
0x195: {  	v18 =	vadd.f32 v18, v22  }
0x196: {  	v17 =	vor.u32 v15, v17  }
0x197: {  	[tilespmem:v19+s7+$0x0] =	vst.idx.msk $0xffff, v18  }
0x198: {  	v18 =	vld [tilespmem:s19+$0x30]  }
0x199: {  	v20 =	vld [tilespmem:s20+$0x9870]  }
0x19a: {  	s0 =	sadd.s32 $0x3240, s31;
	v21 =	vld [tilespmem:s20+$0x9470]  }
0x19b: {  	s21 =	simm.s32 $0x0;
	s22 =	simm.s32 $0x0;
	s20 =	simm.s32 $0x1;
	v19 =	vld.idx.msk [tilespmem:v17+s7+$0x0], $0xffff  }
.LBB2_15:
0x19c: {  	s21 =	sadd.s32 $0x100, s21;
	s22 =	sadd.s32 $0x80, s22;
	s19 =	sadd.s32 $0x80, s19  }
0x19d: {  	p0 =	sne.s32 s20, $0x3F;
	s23 =	smov.u32 s20;
	s20 =	sadd.s32 $0x1, s20  }
0x19e: {  	v18 =	vmul.f32 v20, v18;
	_ =	sdelay $0x1  }
0x19f: {  	v18 =	vadd.f32 v18, v21;
	_ =	sdelay $0x1  }
0x1a0: {  	v18 =	vmax.f32 v18, $0.0e+00  }
0x1a1: {  	v18 =	vadd.f32 v18, v19  }
0x1a2: {  	s24 =	sand.u32 $0x30, s23  }
0x1a3: {  	[tilespmem:v17+s7+$0x0] =	vst.idx.msk $0xffff, v18  }
0x1a4: {  	v17 =	vld.idx.msk [tilespmem:v16+s24+$0x0 ss:$0x1], $0xffff;
	_ =	sdelay $0x5  }
0x1a5: {  	v18 =	vmov s23;
	v17 =	vand.u32 $0x1FF, v17  }
0x1a6: {  	v17 =	vperm.xlane v17, v18;
	_ =	sdelay $0x1  }
0x1a7: {  	v18 =	vshll.u32 v17, $0x4;
	v17 =	vshll.u32 v17, $0x7  }
0x1a8: {  	v18 =	vor.u32 v2, v18;
	_ =	sdelay $0x4  }
0x1a9: {  	v19 =	vld.idx.msk [tilespmem:v18+s1+$0x0], $0xffff;
	_ =	sdelay $0x5  }
0x1aa: {  	v19 =	vadd.f32 $6.250000000e-02, v19;
	_ =	sdelay $0x1  }
0x1ab: {  	s23 =	sand.u32 $0x3800, s21;
	s24 =	sand.u32 $0x380, s22;
	[tilespmem:v18+s1+$0x0] =	vst.idx.msk $0xffff, v19;
	v18 =	vor.u32 v2, v17  }
0x1ac: {  	s23 =	sor.u32 s24, s23;
	v19 =	vld [tilespmem:s19+$0xFFFFFFC0]  }
0x1ad: {  	v20 =	vld [tilespmem:s23+$0x9800]  }
0x1ae: {  	v21 =	vld [tilespmem:s23+$0x9400];
	_ =	sdelay $0x1  }
0x1af: {  	v22 =	vld.idx.msk [tilespmem:v18+s7+$0x0], $0xffff;
	_ =	sdelay $0x1  }
0x1b0: {  	v19 =	vmul.f32 v20, v19;
	_ =	sdelay $0x1  }
0x1b1: {  	v19 =	vadd.f32 v19, v21;
	_ =	sdelay $0x1  }
0x1b2: {  	v19 =	vmax.f32 v19, $0.0e+00  }
0x1b3: {  	v19 =	vadd.f32 v19, v22;
	_ =	sdelay $0x1  }
0x1b4: {  	[tilespmem:v18+s7+$0x0] =	vst.idx.msk $0xffff, v19  }
0x1b5: {  	v19 =	vor.u32 v9, v17;
	v18 =	vld [tilespmem:s19+$0xFFFFFFD0]  }
0x1b6: {  	v20 =	vld [tilespmem:s23+$0x9810];
	_ =	sdelay $0x1  }
0x1b7: {  	v21 =	vld [tilespmem:s23+$0x9410];
	_ =	sdelay $0x1  }
0x1b8: {  	v22 =	vld.idx.msk [tilespmem:v19+s7+$0x0], $0xffff  }
0x1b9: {  	v18 =	vmul.f32 v20, v18;
	_ =	sdelay $0x1  }
0x1ba: {  	v18 =	vadd.f32 v18, v21;
	_ =	sdelay $0x1  }
0x1bb: {  	v18 =	vmax.f32 v18, $0.0e+00  }
0x1bc: {  	v18 =	vadd.f32 v18, v22;
	_ =	sdelay $0x1  }
0x1bd: {  	[tilespmem:v19+s7+$0x0] =	vst.idx.msk $0xffff, v18  }
0x1be: {  	v19 =	vor.u32 v10, v17;
	v18 =	vld [tilespmem:s19+$0xFFFFFFE0]  }
0x1bf: {  	v20 =	vld [tilespmem:s23+$0x9820];
	_ =	sdelay $0x1  }
0x1c0: {  	v21 =	vld [tilespmem:s23+$0x9420];
	_ =	sdelay $0x1  }
0x1c1: {  	v22 =	vld.idx.msk [tilespmem:v19+s7+$0x0], $0xffff  }
0x1c2: {  	v18 =	vmul.f32 v20, v18;
	_ =	sdelay $0x1  }
0x1c3: {  	v18 =	vadd.f32 v18, v21;
	_ =	sdelay $0x1  }
0x1c4: {  	v18 =	vmax.f32 v18, $0.0e+00  }
0x1c5: {  	v18 =	vadd.f32 v18, v22;
	_ =	sdelay $0x1  }
0x1c6: {  	[tilespmem:v19+s7+$0x0] =	vst.idx.msk $0xffff, v18  }
0x1c7: {  	v19 =	vor.u32 v11, v17;
	v18 =	vld [tilespmem:s19+$0xFFFFFFF0]  }
0x1c8: {  	v20 =	vld [tilespmem:s23+$0x9830];
	_ =	sdelay $0x1  }
0x1c9: {  	v21 =	vld [tilespmem:s23+$0x9430];
	_ =	sdelay $0x1  }
0x1ca: {  	v22 =	vld.idx.msk [tilespmem:v19+s7+$0x0], $0xffff  }
0x1cb: {  	v18 =	vmul.f32 v20, v18;
	_ =	sdelay $0x1  }
0x1cc: {  	v18 =	vadd.f32 v18, v21;
	_ =	sdelay $0x1  }
0x1cd: {  	v18 =	vmax.f32 v18, $0.0e+00  }
0x1ce: {  	v18 =	vadd.f32 v18, v22;
	_ =	sdelay $0x1  }
0x1cf: {  	[tilespmem:v19+s7+$0x0] =	vst.idx.msk $0xffff, v18  }
0x1d0: {  	v19 =	vor.u32 v12, v17;
	v18 =	vld [tilespmem:s19+$0x0]  }
0x1d1: {  	v20 =	vld [tilespmem:s23+$0x9840];
	_ =	sdelay $0x1  }
0x1d2: {  	v21 =	vld [tilespmem:s23+$0x9440];
	_ =	sdelay $0x1  }
0x1d3: {  	v22 =	vld.idx.msk [tilespmem:v19+s7+$0x0], $0xffff  }
0x1d4: {  	v18 =	vmul.f32 v20, v18;
	_ =	sdelay $0x1  }
0x1d5: {  	v18 =	vadd.f32 v18, v21;
	_ =	sdelay $0x1  }
0x1d6: {  	v18 =	vmax.f32 v18, $0.0e+00  }
0x1d7: {  	v18 =	vadd.f32 v18, v22  }
0x1d8: {  	v20 =	vor.u32 v13, v17  }
0x1d9: {  	[tilespmem:v19+s7+$0x0] =	vst.idx.msk $0xffff, v18  }
0x1da: {  	v18 =	vld [tilespmem:s19+$0x10]  }
0x1db: {  	v19 =	vld [tilespmem:s23+$0x9850]  }
0x1dc: {  	v21 =	vld [tilespmem:s23+$0x9450]  }
0x1dd: {  	v22 =	vld.idx.msk [tilespmem:v20+s7+$0x0], $0xffff;
	_ =	sdelay $0x2  }
0x1de: {  	v18 =	vmul.f32 v19, v18;
	_ =	sdelay $0x1  }
0x1df: {  	v18 =	vadd.f32 v18, v21;
	_ =	sdelay $0x1  }
0x1e0: {  	v18 =	vmax.f32 v18, $0.0e+00  }
0x1e1: {  	v18 =	vadd.f32 v18, v22  }
0x1e2: {  	v19 =	vor.u32 v14, v17  }
0x1e3: {  	[tilespmem:v20+s7+$0x0] =	vst.idx.msk $0xffff, v18  }
0x1e4: {  	v18 =	vld [tilespmem:s19+$0x20]  }
0x1e5: {  	v20 =	vld [tilespmem:s23+$0x9860]  }
0x1e6: {  	v21 =	vld [tilespmem:s23+$0x9460]  }
0x1e7: {  	v22 =	vld.idx.msk [tilespmem:v19+s7+$0x0], $0xffff;
	_ =	sdelay $0x2  }
0x1e8: {  	v18 =	vmul.f32 v20, v18;
	_ =	sdelay $0x1  }
0x1e9: {  	v18 =	vadd.f32 v18, v21;
	_ =	sdelay $0x1  }
0x1ea: {  	v18 =	vmax.f32 v18, $0.0e+00  }
0x1eb: {  	v18 =	vadd.f32 v18, v22  }
0x1ec: {  	v17 =	vor.u32 v15, v17  }
.Ltmp9:
0x1ed: {  	[tilespmem:v19+s7+$0x0] =	vst.idx.msk $0xffff, v18;
	(pc) =	sbr.rel @p0 .LBB2_15-.Ltmp9, $4  }
0x1ee: {  	v18 =	vld [tilespmem:s19+$0x30]  }
0x1ef: {  	v20 =	vld [tilespmem:s23+$0x9870]  }
0x1f0: {  	v21 =	vld [tilespmem:s23+$0x9470]  }
0x1f1: {  	v19 =	vld.idx.msk [tilespmem:v17+s7+$0x0], $0xffff  }
0x1f2: {  	_ =	sdelay $0x1  }
0x1f3: {  	v16 =	vmul.f32 v20, v18;
	_ =	sdelay $0x1  }
0x1f4: {  	v16 =	vadd.f32 v16, v21;
	_ =	sdelay $0x1  }
0x1f5: {  	v16 =	vmax.f32 v16, $0.0e+00  }
0x1f6: {  	v16 =	vadd.f32 v16, v19;
	_ =	sdelay $0x1  }
0x1f7: {  	[tilespmem:v17+s7+$0x0] =	vst.idx.msk $0xffff, v16  }
0x1f8: {  	v16 =	vld [tilespmem:s31+$0x3280];
	_ =	sdelay $0x4  }
0x1f9: {  	v17 =	vand.u32 $0x1FF, v16  }
0x1fa: {  	v16 =	vshra.s32 v16, $0x9;
	v17 =	vadd.s32 v0, v17  }
0x1fb: {  	[tilespmem:$0x7300] =	vst v16;
	v16 =	vmin.u32 v17, $0x270F  }
0x1fc: {  	[tilespmem:$0x7380] =	vst v16  }
0x1fd: {  	v16 =	vld [tilespmem:s31+$0x3290];
	_ =	sdelay $0x4  }
0x1fe: {  	v17 =	vand.u32 $0x1FF, v16  }
0x1ff: {  	v16 =	vshra.s32 v16, $0x9;
	v17 =	vadd.s32 v0, v17  }
0x200: {  	[tilespmem:$0x7310] =	vst v16;
	v16 =	vmin.u32 v17, $0x270F  }
0x201: {  	[tilespmem:$0x7390] =	vst v16  }
0x202: {  	v16 =	vld [tilespmem:s31+$0x32A0];
	_ =	sdelay $0x4  }
0x203: {  	v17 =	vand.u32 $0x1FF, v16  }
0x204: {  	v16 =	vshra.s32 v16, $0x9;
	v17 =	vadd.s32 v0, v17  }
0x205: {  	[tilespmem:$0x7320] =	vst v16;
	v16 =	vmin.u32 v17, $0x270F  }
0x206: {  	[tilespmem:$0x73A0] =	vst v16  }
0x207: {  	v16 =	vld [tilespmem:s31+$0x32B0];
	_ =	sdelay $0x4  }
0x208: {  	v17 =	vand.u32 $0x1FF, v16  }
0x209: {  	v16 =	vshra.s32 v16, $0x9;
	v17 =	vadd.s32 v0, v17  }
0x20a: {  	[tilespmem:$0x7330] =	vst v16;
	v16 =	vmin.u32 v17, $0x270F  }
0x20b: {  	s19 =	simm.s32 $0x7300;
	s20 =	simm.s32 $0x7400;
	[tilespmem:$0x73B0] =	vst v16  }
0x20c: {  	[tilespmem:s20], [sflag:$0x1] =	stream.indirect.gather [hbm4b:s2+s18], $0x80, s19, s18, $0xb8;
	[tilespmem:$0x1EA00] =	vst v63  }
0x20d: {  	v16 =	vld [tilespmem:$0x7380];
	_ =	sdelay $0x4  }
0x20e: {  	v17 =	vshll.u32 v16, $0x1  }
0x20f: {  	v16 =	vand.u32 $0x7, v16;
	v17 =	vand.u32 $0xFFFFFFF0, v17  }
0x210: {  	v16 =	vor.u32 v16, v17  }
0x211: {  	v17 =	vperm.xlane v16, v6;
	_ =	sdelay $0x1  }
0x212: {  	v16 =	vperm.xlane v16, v8;
	v17 =	vadd.s32 v7, v17;
	_ =	sdelay $0x1  }
0x213: {  	v16 =	vadd.s32 v7, v16;
	_ =	sdelay $0x1  }
0x214: {  	s23 =	simm.s32 $0x9400;
	s31 =	simm.s32 $0x0  }
0x215: {  	[tilespmem:s23], [sflag:$0x2] =	stream.indirect_vreg.gather [hbm4b:s4+s31], $0x80, v17, vm0, $0xb8;
	[tilespmem:$0x1EA00] =	vst v63  }
0x216: {  	s24 =	simm.s32 $0x9C00  }
0x217: {  	[tilespmem:s24], [sflag:$0x2] =	stream.indirect_vreg.gather [hbm4b:s4+s31], $0x80, v16, vm0, $0xb8;
	[tilespmem:$0x1EA00] =	vst v63  }
0x218: {  	v16 =	vld [tilespmem:$0x7390];
	_ =	sdelay $0x4  }
0x219: {  	v17 =	vshll.u32 v16, $0x1  }
0x21a: {  	v16 =	vand.u32 $0x7, v16;
	v17 =	vand.u32 $0xFFFFFFF0, v17  }
0x21b: {  	v16 =	vor.u32 v16, v17  }
0x21c: {  	v17 =	vperm.xlane v16, v6;
	_ =	sdelay $0x1  }
0x21d: {  	v16 =	vperm.xlane v16, v8;
	v17 =	vadd.s32 v7, v17;
	_ =	sdelay $0x1  }
0x21e: {  	v16 =	vadd.s32 v7, v16;
	_ =	sdelay $0x1  }
0x21f: {  	s20 =	simm.s32 $0xA400  }
0x220: {  	[tilespmem:s20], [sflag:$0x2] =	stream.indirect_vreg.gather [hbm4b:s4+s31], $0x80, v17, vm0, $0xb8;
	[tilespmem:$0x1EA00] =	vst v63  }
0x221: {  	s21 =	simm.s32 $0xAC00  }
0x222: {  	[tilespmem:s21], [sflag:$0x2] =	stream.indirect_vreg.gather [hbm4b:s4+s31], $0x80, v16, vm0, $0xb8;
	[tilespmem:$0x1EA00] =	vst v63  }
0x223: {  	v16 =	vld [tilespmem:$0x73A0];
	_ =	sdelay $0x4  }
0x224: {  	v17 =	vshll.u32 v16, $0x1  }
0x225: {  	v16 =	vand.u32 $0x7, v16;
	v17 =	vand.u32 $0xFFFFFFF0, v17  }
0x226: {  	v16 =	vor.u32 v16, v17  }
0x227: {  	v17 =	vperm.xlane v16, v6;
	_ =	sdelay $0x1  }
0x228: {  	v16 =	vperm.xlane v16, v8;
	v17 =	vadd.s32 v7, v17;
	_ =	sdelay $0x1  }
0x229: {  	v16 =	vadd.s32 v7, v16;
	_ =	sdelay $0x2  }
0x22a: {  	[tilespmem:s25], [sflag:$0x2] =	stream.indirect_vreg.gather [hbm4b:s4+s31], $0x80, v17, vm0, $0xb8;
	[tilespmem:$0x1EA00] =	vst v63  }
0x22b: {  	_ = 	snop  }
0x22c: {  	[tilespmem:s26], [sflag:$0x2] =	stream.indirect_vreg.gather [hbm4b:s4+s31], $0x80, v16, vm0, $0xb8;
	[tilespmem:$0x1EA00] =	vst v63  }
0x22d: {  	v16 =	vld [tilespmem:$0x73B0];
	_ =	sdelay $0x4  }
0x22e: {  	v17 =	vshll.u32 v16, $0x1  }
0x22f: {  	v16 =	vand.u32 $0x7, v16;
	v17 =	vand.u32 $0xFFFFFFF0, v17  }
0x230: {  	v16 =	vor.u32 v16, v17  }
0x231: {  	v17 =	vperm.xlane v16, v6;
	_ =	sdelay $0x1  }
0x232: {  	v16 =	vperm.xlane v16, v8;
	v17 =	vadd.s32 v7, v17;
	_ =	sdelay $0x1  }
0x233: {  	v16 =	vadd.s32 v7, v16;
	_ =	sdelay $0x2  }
0x234: {  	[tilespmem:s28], [sflag:$0x2] =	stream.indirect_vreg.gather [hbm4b:s4+s31], $0x80, v17, vm0, $0xb8;
	[tilespmem:$0x1EA00] =	vst v63  }
0x235: {  	_ = 	snop  }
0x236: {  	[tilespmem:s29], [sflag:$0x2] =	stream.indirect_vreg.gather [hbm4b:s4+s31], $0x80, v16, vm0, $0xb8;
	[tilespmem:$0x1EA00] =	vst v63  }
0x237: {  	_ =	swait.ge [sflag:s16], $0x2000  }
0x238: {  	v16 =	vmov s0;
	[sflag:s16] =	ssyncset.done $0x0  }
0x239: {  	[sflag:s16] =	ssyncadd.s32 $0xFFFFE000  }
0x23a: {  	_ =	swait.ge [sflag:s17], $0x4000  }
0x23b: {  	[sflag:s17] =	ssyncset.done $0x0  }
0x23c: {  	s22 =	sand.u32 $0x30, s31;
	[sflag:s17] =	ssyncadd.s32 $0xFFFFC000  }
0x23d: {  	v17 =	vld.idx.msk [tilespmem:v16+s22+$0x0 ss:$0x1], $0xffff;
	_ =	sdelay $0x4  }
0x23e: {  	v18 =	vmov s31;
	v17 =	vand.u32 $0x1FF, v17  }
0x23f: {  	v17 =	vperm.xlane v17, v18;
	_ =	sdelay $0x1  }
0x240: {  	v18 =	vshll.u32 v17, $0x4  }
0x241: {  	v18 =	vor.u32 v2, v18;
	_ =	sdelay $0x4  }
0x242: {  	v19 =	vld.idx.msk [tilespmem:v18+s1+$0x0], $0xffff;
	_ =	sdelay $0x4  }
0x243: {  	v19 =	vadd.f32 $6.250000000e-02, v19;
	_ =	sdelay $0x1  }
0x244: {  	s23 =	sand.u32 $0x3800, s31;
	s24 =	sand.u32 $0x380, s31;
	s0 =	simm.s32 $0xD540;
	[tilespmem:v18+s1+$0x0] =	vst.idx.msk $0xffff, v19  }
0x245: {  	s19 =	sor.u32 s24, s23;
	v17 =	vshll.u32 v17, $0x7;
	v18 =	vld [tilespmem:s0+$0xFFFFFFC0]  }
0x246: {  	v19 =	vor.u32 v2, v17;
	v20 =	vld [tilespmem:s19+$0xF900];
	_ =	sdelay $0x1  }
0x247: {  	v21 =	vld [tilespmem:s19+$0xF500];
	_ =	sdelay $0x2  }
0x248: {  	v22 =	vld.idx.msk [tilespmem:v19+s7+$0x0], $0xffff;
	v18 =	vmul.f32 v20, v18;
	_ =	sdelay $0x1  }
0x249: {  	v18 =	vadd.f32 v18, v21;
	_ =	sdelay $0x1  }
0x24a: {  	v18 =	vmax.f32 v18, $0.0e+00  }
0x24b: {  	v18 =	vadd.f32 v18, v22;
	_ =	sdelay $0x1  }
0x24c: {  	[tilespmem:v19+s7+$0x0] =	vst.idx.msk $0xffff, v18  }
0x24d: {  	v18 =	vld [tilespmem:s0+$0xFFFFFFD0]  }
0x24e: {  	v19 =	vor.u32 v9, v17;
	v20 =	vld [tilespmem:s19+$0xF910];
	_ =	sdelay $0x1  }
0x24f: {  	v21 =	vld [tilespmem:s19+$0xF510];
	_ =	sdelay $0x2  }
0x250: {  	v22 =	vld.idx.msk [tilespmem:v19+s7+$0x0], $0xffff;
	v18 =	vmul.f32 v20, v18;
	_ =	sdelay $0x1  }
0x251: {  	v18 =	vadd.f32 v18, v21;
	_ =	sdelay $0x1  }
0x252: {  	v18 =	vmax.f32 v18, $0.0e+00  }
0x253: {  	v18 =	vadd.f32 v18, v22;
	_ =	sdelay $0x1  }
0x254: {  	[tilespmem:v19+s7+$0x0] =	vst.idx.msk $0xffff, v18  }
0x255: {  	v18 =	vld [tilespmem:s0+$0xFFFFFFE0]  }
0x256: {  	v19 =	vor.u32 v10, v17;
	v20 =	vld [tilespmem:s19+$0xF920];
	_ =	sdelay $0x1  }
0x257: {  	v21 =	vld [tilespmem:s19+$0xF520];
	_ =	sdelay $0x2  }
0x258: {  	v22 =	vld.idx.msk [tilespmem:v19+s7+$0x0], $0xffff;
	v18 =	vmul.f32 v20, v18;
	_ =	sdelay $0x1  }
0x259: {  	v18 =	vadd.f32 v18, v21;
	_ =	sdelay $0x1  }
0x25a: {  	v18 =	vmax.f32 v18, $0.0e+00  }
0x25b: {  	v18 =	vadd.f32 v18, v22;
	_ =	sdelay $0x1  }
0x25c: {  	[tilespmem:v19+s7+$0x0] =	vst.idx.msk $0xffff, v18  }
0x25d: {  	v18 =	vld [tilespmem:s0+$0xFFFFFFF0]  }
0x25e: {  	v19 =	vor.u32 v11, v17;
	v20 =	vld [tilespmem:s19+$0xF930];
	_ =	sdelay $0x1  }
0x25f: {  	v21 =	vld [tilespmem:s19+$0xF530];
	_ =	sdelay $0x2  }
0x260: {  	v22 =	vld.idx.msk [tilespmem:v19+s7+$0x0], $0xffff;
	v18 =	vmul.f32 v20, v18;
	_ =	sdelay $0x1  }
0x261: {  	v18 =	vadd.f32 v18, v21;
	_ =	sdelay $0x1  }
0x262: {  	v18 =	vmax.f32 v18, $0.0e+00  }
0x263: {  	v18 =	vadd.f32 v18, v22;
	_ =	sdelay $0x1  }
0x264: {  	[tilespmem:v19+s7+$0x0] =	vst.idx.msk $0xffff, v18  }
0x265: {  	v18 =	vld [tilespmem:s0+$0x0]  }
0x266: {  	v19 =	vor.u32 v12, v17;
	v20 =	vld [tilespmem:s19+$0xF940];
	_ =	sdelay $0x1  }
0x267: {  	v21 =	vld [tilespmem:s19+$0xF540];
	_ =	sdelay $0x2  }
0x268: {  	v22 =	vld.idx.msk [tilespmem:v19+s7+$0x0], $0xffff;
	v18 =	vmul.f32 v20, v18;
	_ =	sdelay $0x1  }
0x269: {  	v18 =	vadd.f32 v18, v21;
	_ =	sdelay $0x1  }
0x26a: {  	v18 =	vmax.f32 v18, $0.0e+00  }
0x26b: {  	v18 =	vadd.f32 v18, v22;
	_ =	sdelay $0x1  }
0x26c: {  	[tilespmem:v19+s7+$0x0] =	vst.idx.msk $0xffff, v18  }
0x26d: {  	v18 =	vld [tilespmem:s0+$0x10]  }
0x26e: {  	v19 =	vor.u32 v13, v17;
	v20 =	vld [tilespmem:s19+$0xF950];
	_ =	sdelay $0x1  }
0x26f: {  	v21 =	vld [tilespmem:s19+$0xF550];
	_ =	sdelay $0x2  }
0x270: {  	v22 =	vld.idx.msk [tilespmem:v19+s7+$0x0], $0xffff;
	v18 =	vmul.f32 v20, v18;
	_ =	sdelay $0x1  }
0x271: {  	v18 =	vadd.f32 v18, v21;
	_ =	sdelay $0x1  }
0x272: {  	v18 =	vmax.f32 v18, $0.0e+00  }
0x273: {  	v18 =	vadd.f32 v18, v22;
	_ =	sdelay $0x1  }
0x274: {  	[tilespmem:v19+s7+$0x0] =	vst.idx.msk $0xffff, v18  }
0x275: {  	v18 =	vld [tilespmem:s0+$0x20]  }
0x276: {  	v19 =	vor.u32 v14, v17;
	v20 =	vld [tilespmem:s19+$0xF960];
	_ =	sdelay $0x1  }
0x277: {  	v21 =	vld [tilespmem:s19+$0xF560];
	_ =	sdelay $0x2  }
0x278: {  	v22 =	vld.idx.msk [tilespmem:v19+s7+$0x0], $0xffff;
	v18 =	vmul.f32 v20, v18;
	_ =	sdelay $0x1  }
0x279: {  	v18 =	vadd.f32 v18, v21;
	_ =	sdelay $0x1  }
0x27a: {  	v18 =	vmax.f32 v18, $0.0e+00  }
0x27b: {  	v18 =	vadd.f32 v18, v22  }
0x27c: {  	v17 =	vor.u32 v15, v17  }
0x27d: {  	[tilespmem:v19+s7+$0x0] =	vst.idx.msk $0xffff, v18  }
0x27e: {  	v19 =	vld [tilespmem:s0+$0x30]  }
0x27f: {  	v21 =	vld [tilespmem:s19+$0xF970]  }
0x280: {  	v20 =	vld [tilespmem:s19+$0xF570]  }
0x281: {  	s20 =	simm.s32 $0x0;
	s19 =	simm.s32 $0x1;
	v18 =	vld.idx.msk [tilespmem:v17+s7+$0x0], $0xffff  }
.LBB2_17:
0x282: {  	s31 =	sadd.s32 $0x100, s31;
	s20 =	sadd.s32 $0x80, s20;
	s0 =	sadd.s32 $0x80, s0  }
0x283: {  	p0 =	sne.s32 s19, $0x3F;
	s21 =	smov.u32 s19;
	s19 =	sadd.s32 $0x1, s19  }
0x284: {  	v19 =	vmul.f32 v21, v19;
	_ =	sdelay $0x1  }
0x285: {  	v19 =	vadd.f32 v19, v20;
	_ =	sdelay $0x1  }
0x286: {  	v19 =	vmax.f32 v19, $0.0e+00  }
0x287: {  	v18 =	vadd.f32 v19, v18  }
0x288: {  	s22 =	sand.u32 $0x30, s21  }
0x289: {  	[tilespmem:v17+s7+$0x0] =	vst.idx.msk $0xffff, v18  }
0x28a: {  	v17 =	vld.idx.msk [tilespmem:v16+s22+$0x0 ss:$0x1], $0xffff;
	_ =	sdelay $0x5  }
0x28b: {  	v18 =	vmov s21;
	v17 =	vand.u32 $0x1FF, v17  }
0x28c: {  	v17 =	vperm.xlane v17, v18;
	_ =	sdelay $0x1  }
0x28d: {  	v18 =	vshll.u32 v17, $0x4;
	v17 =	vshll.u32 v17, $0x7  }
0x28e: {  	v18 =	vor.u32 v2, v18;
	_ =	sdelay $0x4  }
0x28f: {  	v19 =	vld.idx.msk [tilespmem:v18+s1+$0x0], $0xffff;
	_ =	sdelay $0x5  }
0x290: {  	v19 =	vadd.f32 $6.250000000e-02, v19;
	_ =	sdelay $0x1  }
0x291: {  	s21 =	sand.u32 $0x3800, s31;
	s22 =	sand.u32 $0x380, s20;
	[tilespmem:v18+s1+$0x0] =	vst.idx.msk $0xffff, v19;
	v18 =	vor.u32 v2, v17  }
0x292: {  	s21 =	sor.u32 s22, s21;
	v19 =	vld [tilespmem:s0+$0xFFFFFFC0]  }
0x293: {  	v20 =	vld [tilespmem:s21+$0xF900]  }
0x294: {  	v21 =	vld [tilespmem:s21+$0xF500];
	_ =	sdelay $0x1  }
0x295: {  	v22 =	vld.idx.msk [tilespmem:v18+s7+$0x0], $0xffff;
	_ =	sdelay $0x1  }
0x296: {  	v19 =	vmul.f32 v20, v19;
	_ =	sdelay $0x1  }
0x297: {  	v19 =	vadd.f32 v19, v21;
	_ =	sdelay $0x1  }
0x298: {  	v19 =	vmax.f32 v19, $0.0e+00  }
0x299: {  	v19 =	vadd.f32 v19, v22;
	_ =	sdelay $0x1  }
0x29a: {  	[tilespmem:v18+s7+$0x0] =	vst.idx.msk $0xffff, v19  }
0x29b: {  	v19 =	vor.u32 v9, v17;
	v18 =	vld [tilespmem:s0+$0xFFFFFFD0]  }
0x29c: {  	v20 =	vld [tilespmem:s21+$0xF910];
	_ =	sdelay $0x1  }
0x29d: {  	v21 =	vld [tilespmem:s21+$0xF510];
	_ =	sdelay $0x1  }
0x29e: {  	v22 =	vld.idx.msk [tilespmem:v19+s7+$0x0], $0xffff  }
0x29f: {  	v18 =	vmul.f32 v20, v18;
	_ =	sdelay $0x1  }
0x2a0: {  	v18 =	vadd.f32 v18, v21;
	_ =	sdelay $0x1  }
0x2a1: {  	v18 =	vmax.f32 v18, $0.0e+00  }
0x2a2: {  	v18 =	vadd.f32 v18, v22;
	_ =	sdelay $0x1  }
0x2a3: {  	[tilespmem:v19+s7+$0x0] =	vst.idx.msk $0xffff, v18  }
0x2a4: {  	v19 =	vor.u32 v10, v17;
	v18 =	vld [tilespmem:s0+$0xFFFFFFE0]  }
0x2a5: {  	v20 =	vld [tilespmem:s21+$0xF920];
	_ =	sdelay $0x1  }
0x2a6: {  	v21 =	vld [tilespmem:s21+$0xF520];
	_ =	sdelay $0x1  }
0x2a7: {  	v22 =	vld.idx.msk [tilespmem:v19+s7+$0x0], $0xffff  }
0x2a8: {  	v18 =	vmul.f32 v20, v18;
	_ =	sdelay $0x1  }
0x2a9: {  	v18 =	vadd.f32 v18, v21;
	_ =	sdelay $0x1  }
0x2aa: {  	v18 =	vmax.f32 v18, $0.0e+00  }
0x2ab: {  	v18 =	vadd.f32 v18, v22;
	_ =	sdelay $0x1  }
0x2ac: {  	[tilespmem:v19+s7+$0x0] =	vst.idx.msk $0xffff, v18  }
0x2ad: {  	v19 =	vor.u32 v11, v17;
	v18 =	vld [tilespmem:s0+$0xFFFFFFF0]  }
0x2ae: {  	v20 =	vld [tilespmem:s21+$0xF930];
	_ =	sdelay $0x1  }
0x2af: {  	v21 =	vld [tilespmem:s21+$0xF530];
	_ =	sdelay $0x1  }
0x2b0: {  	v22 =	vld.idx.msk [tilespmem:v19+s7+$0x0], $0xffff  }
0x2b1: {  	v18 =	vmul.f32 v20, v18;
	_ =	sdelay $0x1  }
0x2b2: {  	v18 =	vadd.f32 v18, v21;
	_ =	sdelay $0x1  }
0x2b3: {  	v18 =	vmax.f32 v18, $0.0e+00  }
0x2b4: {  	v18 =	vadd.f32 v18, v22;
	_ =	sdelay $0x1  }
0x2b5: {  	[tilespmem:v19+s7+$0x0] =	vst.idx.msk $0xffff, v18  }
0x2b6: {  	v19 =	vor.u32 v12, v17;
	v18 =	vld [tilespmem:s0+$0x0]  }
0x2b7: {  	v20 =	vld [tilespmem:s21+$0xF940];
	_ =	sdelay $0x1  }
0x2b8: {  	v21 =	vld [tilespmem:s21+$0xF540];
	_ =	sdelay $0x1  }
0x2b9: {  	v22 =	vld.idx.msk [tilespmem:v19+s7+$0x0], $0xffff  }
0x2ba: {  	v18 =	vmul.f32 v20, v18;
	_ =	sdelay $0x1  }
0x2bb: {  	v18 =	vadd.f32 v18, v21;
	_ =	sdelay $0x1  }
0x2bc: {  	v18 =	vmax.f32 v18, $0.0e+00  }
0x2bd: {  	v18 =	vadd.f32 v18, v22  }
0x2be: {  	v20 =	vor.u32 v13, v17  }
0x2bf: {  	[tilespmem:v19+s7+$0x0] =	vst.idx.msk $0xffff, v18  }
0x2c0: {  	v18 =	vld [tilespmem:s0+$0x10]  }
0x2c1: {  	v19 =	vld [tilespmem:s21+$0xF950]  }
0x2c2: {  	v21 =	vld [tilespmem:s21+$0xF550]  }
0x2c3: {  	v22 =	vld.idx.msk [tilespmem:v20+s7+$0x0], $0xffff;
	_ =	sdelay $0x2  }
0x2c4: {  	v18 =	vmul.f32 v19, v18;
	_ =	sdelay $0x1  }
0x2c5: {  	v18 =	vadd.f32 v18, v21;
	_ =	sdelay $0x1  }
0x2c6: {  	v18 =	vmax.f32 v18, $0.0e+00  }
0x2c7: {  	v18 =	vadd.f32 v18, v22  }
0x2c8: {  	v19 =	vor.u32 v14, v17  }
0x2c9: {  	[tilespmem:v20+s7+$0x0] =	vst.idx.msk $0xffff, v18  }
0x2ca: {  	v18 =	vld [tilespmem:s0+$0x20]  }
0x2cb: {  	v20 =	vld [tilespmem:s21+$0xF960]  }
0x2cc: {  	v21 =	vld [tilespmem:s21+$0xF560]  }
0x2cd: {  	v22 =	vld.idx.msk [tilespmem:v19+s7+$0x0], $0xffff;
	_ =	sdelay $0x2  }
0x2ce: {  	v18 =	vmul.f32 v20, v18;
	_ =	sdelay $0x1  }
0x2cf: {  	v18 =	vadd.f32 v18, v21;
	_ =	sdelay $0x1  }
0x2d0: {  	v18 =	vmax.f32 v18, $0.0e+00  }
0x2d1: {  	v18 =	vadd.f32 v18, v22  }
0x2d2: {  	v17 =	vor.u32 v15, v17  }
.Ltmp10:
0x2d3: {  	[tilespmem:v19+s7+$0x0] =	vst.idx.msk $0xffff, v18;
	(pc) =	sbr.rel @p0 .LBB2_17-.Ltmp10, $4  }
0x2d4: {  	v19 =	vld [tilespmem:s0+$0x30]  }
0x2d5: {  	v21 =	vld [tilespmem:s21+$0xF970]  }
0x2d6: {  	v20 =	vld [tilespmem:s21+$0xF570]  }
0x2d7: {  	v18 =	vld.idx.msk [tilespmem:v17+s7+$0x0], $0xffff  }
0x2d8: {  	_ =	sdelay $0x1  }
0x2d9: {  	v16 =	vmul.f32 v21, v19  }
0x2da: {  	s30 =	sadd.s32 $0x1, s30  }
0x2db: {  	p0 =	sne.s32 s30, s9;
	v16 =	vadd.f32 v16, v20  }
.Ltmp11:
0x2dc: {  	_ = 	snop;
	(pc) =	sbr.rel @p0 .LBB2_14-.Ltmp11, $4  }
.Ltmp12:
0x2dd: {  	v16 =	vmax.f32 v16, $0.0e+00;
	(pc) =	sbr.rel @!p0 .LBB2_19-.Ltmp12, $4  }
0x2de: {  	v16 =	vadd.f32 v16, v18  }
0x2df: {  	_ = 	snop  }
0x2e0: {  	[tilespmem:v17+s7+$0x0] =	vst.idx.msk $0xffff, v16  }
0x2e1: {  	_ = 	snop  }
.LBB2_20:
0x2e2: {  	_ =	sfence.sel $0x180000  }
0x2e3: {  	[bflag:$0x0] =	sbarrier.arrive $0xFFFF  }
0x2e4: {  	_ =	strace $0x90000047  }
0x2e5: {  	s0 =	stileid.u32;
	[bflag:$0x2] =	sbarrier.arrive $0xFFFF  }
0x2e6: {  	p0 =	sne.s32 s0, $0x0;
	s0 =	rddreg [dreg:$0x2]  }
0x2e7: {  	s0 =	sadd.s32 @!p0 $0x100000, s0  }
0x2e8: {  	[sflag:s0] =	ssyncadd.tile.s32 @!p0 $0x1;
	_ =	shalt  }
.Lfunc_end2:
_tile_overlayer_lowered:
.L_overlay_start_2:
0x2e9: {  	(tag) =	ssettag $0x2  }
0x2ea: {  	s0 =	rddreg [dreg:$0x0];
	s2 =	stileid.u32  }
0x2eb: {  	s1 =	rddreg [dreg:$0x1];
	p0 =	sne.s32 s2, $0x0  }
0x2ec: {  	s3 =	rddreg [dreg:$0x2];
	[bflag:$0x3] =	sbarrier.arrive $0xFFFF;
	s2 =	simm.s32 @!p0 $0x1C05  }
0x2ed: {  	[timem:s3], [sflag:s2] =	dma.local @!p0 [hbm:s0], s1  }
0x2ee: {  	s0 =	simm.s32 @!p0 $0x5  }
0x2ef: {  	_ =	swait.ge @!p0 [sflag:s0], s1  }
0x2f0: {  	s1 =	ssub.s32 @!p0 $0x0, s1;
	[sflag:s0] =	ssyncset.done @!p0 $0x0  }
0x2f1: {  	[sflag:s0] =	ssyncadd.s32 @!p0 s1  }
0x2f2: {  	[bflag:$0x3] =	sbarrier.arrive $0xFFFF  }
0x2f3: {  	_ =	shalt  }

</sc_bundles>
